<compile_context>
chip_gen: v7x
topology: tpu7x:2x2x1
jax: 0.10.2.dev20260603
libtpu: 0.0.44.dev20260713+nightly
codegen_flags: <defaults>
</compile_context>

<pallas_src>
import functools

import jax
import jax.numpy as jnp
from jax import lax
from jax.experimental import pallas as pl
from jax.experimental.pallas import tpu as pltpu
from jax.experimental.pallas import tpu_sc as plsc

KNN = 30
ODIM = 400

SC_CORES = 2
SC_SUBCORES = 16
NWORKERS = SC_CORES * SC_SUBCORES


def _topk_body(ca_col_ref, ca_row_ref, eidx_ref):
    L = ca_col_ref.shape[1]
    acc = None
    for d in range(3):
        col = ca_col_ref[0, :, d : d + 1]
        row = ca_row_ref[0, d : d + 1, :]
        diff = col - row
        sq = diff * diff
        acc = sq if acc is None else acc + sq
    dist = jnp.sqrt(acc + 1e-6)

    iota_j = lax.broadcasted_iota(jnp.int32, (L, L), 1)
    vals = dist
    for k in range(KNN):
        m = jnp.min(vals, axis=1, keepdims=True)
        sel = vals == m
        idx = jnp.min(jnp.where(sel, iota_j, L), axis=1, keepdims=True)
        eidx_ref[0, :, k : k + 1] = idx
        vals = jnp.where(iota_j == idx, jnp.inf, vals)


def _run_topk(Ca):
    B, L, _ = Ca.shape
    Ca_row = jnp.transpose(Ca, (0, 2, 1))
    return pl.pallas_call(
        _topk_body,
        grid=(B,),
        in_specs=[
            pl.BlockSpec((1, L, 3), lambda b: (b, 0, 0)),
            pl.BlockSpec((1, 3, L), lambda b: (b, 0, 0)),
        ],
        out_specs=pl.BlockSpec((1, L, KNN), lambda b: (b, 0, 0)),
        out_shape=jax.ShapeDtypeStruct((B, L, KNN), jnp.int32),
    )(Ca, Ca_row)


def _sc_gather(E_flat, F_idx, V_flat, G_idx, G0_idx):
    N = F_idx.shape[0]
    C = E_flat.shape[1]
    BL = G0_idx.shape[0]
    per_w = N // NWORKERS
    CH = 120
    n_ch = per_w // CH
    assert per_w % CH == 0
    per_w0 = BL // NWORKERS
    assert per_w0 % 8 == 0

    mesh = plsc.VectorSubcoreMesh(
        core_axis_name="c",
        subcore_axis_name="s",
        num_cores=SC_CORES,
        num_subcores=SC_SUBCORES,
    )

    @functools.partial(
        pl.kernel,
        mesh=mesh,
        out_type=(
            jax.ShapeDtypeStruct((N, C), jnp.float32),
            jax.ShapeDtypeStruct((N, C), jnp.float32),
            jax.ShapeDtypeStruct((BL, C), jnp.float32),
        ),
        scratch_types=[
            pltpu.VMEM((CH,), jnp.int32),
            pltpu.VMEM((CH,), jnp.int32),
            pltpu.VMEM((CH, C), jnp.float32),
            pltpu.VMEM((CH, C), jnp.float32),
            pltpu.VMEM((per_w0,), jnp.int32),
            pltpu.VMEM((per_w0, C), jnp.float32),
            pltpu.SemaphoreType.DMA,
            pltpu.SemaphoreType.DMA,
            pltpu.SemaphoreType.DMA,
            pltpu.SemaphoreType.DMA,
        ],
    )
    def gather_kernel(e_hbm, f_hbm, v_hbm, g_hbm, g0_hbm,
                      eg_out, vg_out, v0_out,
                      idx_a, idx_b, rows_a, rows_b, idx0_v, rows0_v,
                      gsem_a, gsem_b, ssem_a, ssem_b):
        wid = lax.axis_index("s") * SC_CORES + lax.axis_index("c")
        base_w = wid * per_w
        idx_bufs = (idx_a, idx_b)
        row_bufs = (rows_a, rows_b)
        gsems = (gsem_a, gsem_b)
        ssems = (ssem_a, ssem_b)

        def do_chunks(table, idx_hbm, out_hbm):
            pltpu.sync_copy(idx_hbm.at[pl.ds(base_w, CH)], idx_bufs[0])
            pltpu.async_copy(table.at[idx_bufs[0]], row_bufs[0], gsems[0])
            for c in range(n_ch):
                p = c % 2
                q = 1 - p
                pltpu.make_async_copy(
                    table.at[idx_bufs[p]], row_bufs[p], gsems[p]
                ).wait()
                if c >= 1:
                    pltpu.make_async_copy(
                        row_bufs[q], out_hbm.at[pl.ds(0, CH)], ssems[q]
                    ).wait()
                if c + 1 < n_ch:
                    pltpu.sync_copy(
                        idx_hbm.at[pl.ds(base_w + (c + 1) * CH, CH)],
                        idx_bufs[q],
                    )
                    pltpu.async_copy(table.at[idx_bufs[q]], row_bufs[q],
                                     gsems[q])
                pltpu.async_copy(
                    row_bufs[p], out_hbm.at[pl.ds(base_w + c * CH, CH)],
                    ssems[p],
                )
            last = (n_ch - 1) % 2
            pltpu.make_async_copy(
                row_bufs[last], out_hbm.at[pl.ds(0, CH)], ssems[last]
            ).wait()

        do_chunks(e_hbm, f_hbm, eg_out)
        do_chunks(v_hbm, g_hbm, vg_out)

        base0 = wid * per_w0
        pltpu.sync_copy(g0_hbm.at[pl.ds(base0, per_w0)], idx0_v)
        pltpu.async_copy(v_hbm.at[idx0_v], rows0_v, gsem_a).wait()
        pltpu.sync_copy(rows0_v, v0_out.at[pl.ds(base0, per_w0)])

    return gather_kernel(E_flat, F_idx, V_flat, G_idx, G0_idx)


_DN_T = (((0,), (1,)), ((), ()))


def _linear_body(eg_ref, vg_ref, v0_ref, w_ref, b_ref, out_ref, m0t_s):
    C = eg_ref.shape[1]
    k = pl.program_id(1)

    @pl.when(k == 0)
    def _():
        m0t_s[...] = lax.dot_general(
            w_ref[0:C, :], v0_ref[...], _DN_T,
            preferred_element_type=jnp.float32,
        ) + b_ref[...]

    w2 = w_ref[C : 2 * C, :]
    w3 = w_ref[2 * C : 3 * C, :]
    acc = lax.dot_general(w2, vg_ref[...], _DN_T,
                          preferred_element_type=jnp.float32)
    acc = acc + lax.dot_general(w3, eg_ref[...], _DN_T,
                                preferred_element_type=jnp.float32)
    out_ref[0, 0] = acc + m0t_s[...]


def _run_linear(Eg, Vg, V0g, W, b, B, L):
    C = Eg.shape[1]
    P = pl.pallas_call(
        _linear_body,
        grid=(B, KNN),
        in_specs=[
            pl.BlockSpec((L, C), lambda b_, k: (b_ * KNN + k, 0)),
            pl.BlockSpec((L, C), lambda b_, k: (b_ * KNN + k, 0)),
            pl.BlockSpec((L, C), lambda b_, k: (b_, 0)),
            pl.BlockSpec((3 * C, ODIM), lambda b_, k: (0, 0)),
            pl.BlockSpec((ODIM, 1), lambda b_, k: (0, 0)),
        ],
        out_specs=pl.BlockSpec((1, 1, ODIM, L), lambda b_, k: (b_, k, 0, 0)),
        out_shape=jax.ShapeDtypeStruct((B, KNN, ODIM, L), jnp.float32),
        scratch_shapes=[pltpu.VMEM((ODIM, L), jnp.float32)],
    )(Eg, Vg, V0g, W, b.reshape(ODIM, 1))
    return jnp.transpose(P, (0, 3, 1, 2))


def kernel(V_embed, E_embed, X, x_mask, chain_idx, W, b):
    B, L, C = V_embed.shape
    Ca = X[:, :, 1, :]

    E_idx = _run_topk(Ca)

    E_idx_t = jnp.transpose(E_idx, (0, 2, 1))
    row_base = (jnp.arange(B, dtype=jnp.int32)[:, None, None] * L
                + jnp.arange(L, dtype=jnp.int32)[None, None, :])
    F_idx = (row_base * L + E_idx_t).reshape(-1)
    G_idx = (jnp.arange(B, dtype=jnp.int32)[:, None, None] * L
             + E_idx_t).reshape(-1)
    G0_idx = (jnp.arange(B, dtype=jnp.int32)[:, None] * L
              + E_idx[:, :, 0]).reshape(-1)

    E_flat = E_embed.reshape(B * L * L, C)
    V_flat = V_embed.reshape(B * L, C)

    Eg, Vg, V0g = _sc_gather(E_flat, F_idx, V_flat, G_idx, G0_idx)

    h_EV = _run_linear(Eg, Vg, V0g, W, b, B, L)
    return (h_EV, E_idx)

# --- scband reference (transcript-rebuilt; emitter-appended) ---
"""Pipeline reference for scband-ablated-pair-energies-g-18296560681557 (READ-ONLY COPY).

The authoritative reference and input builder live on the scoring server;
editing this copy changes nothing except your own understanding.
"""

import jax, jax.numpy as jnp
import numpy as np

K_NEIGHBORS = 30
OUT_DIM = 400


def setup_inputs(seed: int = 0) -> dict:
    key = jax.random.key(seed)
    ks = jax.random.split(key, 6)
    B, L, C = 2, 512, 128
    V_embed = jax.random.normal(ks[0], (B, L, C), dtype=jnp.float32)
    E_embed = jax.random.normal(ks[1], (B, L, L, C), dtype=jnp.float32)
    X = jax.random.normal(ks[2], (B, L, 4, 3), dtype=jnp.float32) * 10.0
    x_mask = jnp.ones((B, L), dtype=jnp.float32)
    chain_idx = jnp.sort(jax.random.randint(ks[3], (B, L), 0, 2, dtype=jnp.int32), axis=-1)
    W = jax.random.normal(ks[4], (3 * C, OUT_DIM), dtype=jnp.float32) * 0.05
    b = jnp.zeros((OUT_DIM,), dtype=jnp.float32)
    return {"V_embed": V_embed, "E_embed": E_embed, "X": X, "x_mask": x_mask,
            "chain_idx": chain_idx, "W": W, "b": b}


def _knn_edge_idx(X, x_mask, k):
    # ProteinFeatures._dist: kNN graph over C-alpha coordinates with masking
    Ca = X[:, :, 1, :]
    dX = Ca[:, None, :, :] - Ca[:, :, None, :]
    D = jnp.sqrt(jnp.sum(dX * dX, axis=-1) + 1e-6)
    mask_2D = x_mask[:, None, :] * x_mask[:, :, None]
    D_adjust = D + (1.0 - mask_2D) * 10000.0
    _, E_idx = jax.lax.top_k(-D_adjust, k)  # [B, L, K] nearest neighbors
    return E_idx


def _gather_nodes(nodes, idx):
    # nodes [B, L, C], idx [B, L, K] -> [B, L, K, C]
    B, L, C = nodes.shape
    K = idx.shape[-1]
    flat = idx.reshape(B, L * K)
    g = jnp.take_along_axis(nodes, flat[:, :, None], axis=1)
    return g.reshape(B, L, K, C)


def reference(V_embed, E_embed, X, x_mask, chain_idx, W, b):
    B, L, C = V_embed.shape
    E_idx = _knn_edge_idx(X, x_mask, K_NEIGHBORS)
    # gather_edges: pull kNN columns out of dense pairwise edge embedding
    h_E_neighbors = jnp.take_along_axis(E_embed, E_idx[..., None], axis=2)  # [B,L,K,C]
    # cat_edge_endpoints: concat source-node, neighbor-node, edge embeddings
    h_i_idx = jnp.broadcast_to(E_idx[:, :, 0:1], E_idx.shape)
    h_i = _gather_nodes(V_embed, h_i_idx)
    h_j = _gather_nodes(V_embed, E_idx)
    h_E = jnp.concatenate([h_i, h_j, h_E_neighbors], axis=-1)  # [B,L,K,3C]
    h_EV = h_E @ W + b  # [B, L, K, OUT_DIM]
    return (h_EV, E_idx)

if __name__ == "__main__":
    import jax
    _d = setup_inputs()
    print(jax.jit(kernel)(*tuple(_d.values())))

</pallas_src>

<mosaic_0001>
#map = affine_map<(d0, d1) -> (0, 0)>
#map1 = affine_map<(d0, d1) -> (0)>
module attributes {stable_mosaic.version = 14 : i64} {
  func.func @gather_kernel(%arg0: i32, %arg1: i32, %arg2: memref<524288x128xf32, #tpu.memory_space<hbm>>, %arg3: memref<30720xi32, #tpu.memory_space<hbm>>, %arg4: memref<1024x128xf32, #tpu.memory_space<hbm>>, %arg5: memref<30720xi32, #tpu.memory_space<hbm>>, %arg6: memref<1024xi32, #tpu.memory_space<hbm>>, %arg7: memref<30720x128xf32, #tpu.memory_space<hbm>>, %arg8: memref<30720x128xf32, #tpu.memory_space<hbm>>, %arg9: memref<1024x128xf32, #tpu.memory_space<hbm>>, %arg10: memref<120xi32, #tpu.memory_space<vmem>>, %arg11: memref<120xi32, #tpu.memory_space<vmem>>, %arg12: memref<120x128xf32, #tpu.memory_space<vmem>>, %arg13: memref<120x128xf32, #tpu.memory_space<vmem>>, %arg14: memref<32xi32, #tpu.memory_space<vmem>>, %arg15: memref<32x128xf32, #tpu.memory_space<vmem>>, %arg16: memref<!tpu.dma_semaphore, #tpu.memory_space<semaphore_mem>>, %arg17: memref<!tpu.dma_semaphore, #tpu.memory_space<semaphore_mem>>, %arg18: memref<!tpu.dma_semaphore, #tpu.memory_space<semaphore_mem>>, %arg19: memref<!tpu.dma_semaphore, #tpu.memory_space<semaphore_mem>>) attributes {dimension_semantics = [#tpu.dimension_semantics<core_parallel>, #tpu.dimension_semantics<subcore_parallel>], iteration_bounds = array<i64: 2, 16>, scalar_prefetch = 0 : i64, scratch_operands = 10 : i64, tpu.core_type = #tpu.core_type<sc_vector_subcore>, window_params = [{transform_indices = #map}, {transform_indices = #map1}, {transform_indices = #map}, {transform_indices = #map1}, {transform_indices = #map1}, {transform_indices = #map}, {transform_indices = #map}, {transform_indices = #map}]} {
    %mul3A = arith.constant 2 : i32
    %mul3A_0 = arith.muli %arg1, %mul3A : i32
    %add3A = arith.addi %mul3A_0, %arg0 : i32
    %mul3A_1 = arith.constant 960 : i32
    %mul3A_2 = arith.muli %add3A, %mul3A_1 : i32
    "tpu.region"() ({
      %run_scoped3A = tpu.sem_alloc : memref<!tpu.dma_semaphore, #tpu.memory_space<semaphore_mem>>
      %dma_start3A_325 = tpu.memref_slice %arg3[%mul3A_2] : memref<30720xi32, #tpu.memory_space<hbm>> -> memref<120xi32, #tpu.memory_space<hbm>>
      %dma_start3A_326 = tpu.memref_slice %arg3[%mul3A_2] : memref<30720xi32, #tpu.memory_space<hbm>> -> memref<120xi32, #tpu.memory_space<hbm>>
      tpu.enqueue_dma source(%dma_start3A_326 : memref<120xi32, #tpu.memory_space<hbm>>) target(%arg10 : memref<120xi32, #tpu.memory_space<vmem>>) target_semaphore(%run_scoped3A : memref<!tpu.dma_semaphore, #tpu.memory_space<semaphore_mem>>)
      %dma_wait3A_327 = tpu.memref_slice %arg3[%mul3A_2] : memref<30720xi32, #tpu.memory_space<hbm>> -> memref<120xi32, #tpu.memory_space<hbm>>
      %dma_wait3A_328 = tpu.memref_slice %arg3[%mul3A_2] : memref<30720xi32, #tpu.memory_space<hbm>> -> memref<120xi32, #tpu.memory_space<hbm>>
      tpu.wait_dma2 semaphore(%run_scoped3A : memref<!tpu.dma_semaphore, #tpu.memory_space<semaphore_mem>>) src(%dma_wait3A_328 : memref<120xi32, #tpu.memory_space<hbm>>) dst(%arg10 : memref<120xi32, #tpu.memory_space<vmem>>)
      tpu.yield
    }) : () -> ()
    %dma_start3A = arith.constant 0 : i32
    %dma_start3A_3 = arith.constant 0 : i32
    %dma_start3A_4 = tpu.memref_slice %arg2[%dma_start3A, %dma_start3A_3] : memref<524288x128xf32, #tpu.memory_space<hbm>> -> memref<524288x128xf32, #tpu.memory_space<hbm>>
    tpu.enqueue_indirect_dma source(%dma_start3A_4 : memref<524288x128xf32, #tpu.memory_space<hbm>>) target(%arg12 : memref<120x128xf32, #tpu.memory_space<vmem>>) offsets(%arg10 : memref<120xi32, #tpu.memory_space<vmem>>) semaphore(%arg16 : memref<!tpu.dma_semaphore, #tpu.memory_space<semaphore_mem>>)
    %dma_wait3A = arith.constant 0 : i32
    %dma_wait3A_5 = arith.constant 0 : i32
    %dma_wait3A_6 = tpu.memref_slice %arg2[%dma_wait3A, %dma_wait3A_5] : memref<524288x128xf32, #tpu.memory_space<hbm>> -> memref<524288x128xf32, #tpu.memory_space<hbm>>
    tpu.wait_indirect_dma semaphore(%arg16 : memref<!tpu.dma_semaphore, #tpu.memory_space<semaphore_mem>>) src(%dma_wait3A_6 : memref<524288x128xf32, #tpu.memory_space<hbm>>) dst(%arg12 : memref<120x128xf32, #tpu.memory_space<vmem>>)
    %add3A_7 = arith.constant 120 : i32
    %add3A_8 = arith.addi %mul3A_2, %add3A_7 : i32
    "tpu.region"() ({
      %run_scoped3A = tpu.sem_alloc : memref<!tpu.dma_semaphore, #tpu.memory_space<semaphore_mem>>
      %dma_start3A_325 = tpu.memref_slice %arg3[%add3A_8] : memref<30720xi32, #tpu.memory_space<hbm>> -> memref<120xi32, #tpu.memory_space<hbm>>
      %dma_start3A_326 = tpu.memref_slice %arg3[%add3A_8] : memref<30720xi32, #tpu.memory_space<hbm>> -> memref<120xi32, #tpu.memory_space<hbm>>
      tpu.enqueue_dma source(%dma_start3A_326 : memref<120xi32, #tpu.memory_space<hbm>>) target(%arg11 : memref<120xi32, #tpu.memory_space<vmem>>) target_semaphore(%run_scoped3A : memref<!tpu.dma_semaphore, #tpu.memory_space<semaphore_mem>>)
      %dma_wait3A_327 = tpu.memref_slice %arg3[%add3A_8] : memref<30720xi32, #tpu.memory_space<hbm>> -> memref<120xi32, #tpu.memory_space<hbm>>
      %dma_wait3A_328 = tpu.memref_slice %arg3[%add3A_8] : memref<30720xi32, #tpu.memory_space<hbm>> -> memref<120xi32, #tpu.memory_space<hbm>>
      tpu.wait_dma2 semaphore(%run_scoped3A : memref<!tpu.dma_semaphore, #tpu.memory_space<semaphore_mem>>) src(%dma_wait3A_328 : memref<120xi32, #tpu.memory_space<hbm>>) dst(%arg11 : memref<120xi32, #tpu.memory_space<vmem>>)
      tpu.yield
    }) : () -> ()
    %dma_start3A_9 = arith.constant 0 : i32
    %dma_start3A_10 = arith.constant 0 : i32
    %dma_start3A_11 = tpu.memref_slice %arg2[%dma_start3A_9, %dma_start3A_10] : memref<524288x128xf32, #tpu.memory_space<hbm>> -> memref<524288x128xf32, #tpu.memory_space<hbm>>
    tpu.enqueue_indirect_dma source(%dma_start3A_11 : memref<524288x128xf32, #tpu.memory_space<hbm>>) target(%arg13 : memref<120x128xf32, #tpu.memory_space<vmem>>) offsets(%arg11 : memref<120xi32, #tpu.memory_space<vmem>>) semaphore(%arg17 : memref<!tpu.dma_semaphore, #tpu.memory_space<semaphore_mem>>)
    %add3A_12 = arith.constant 0 : i32
    %add3A_13 = arith.addi %mul3A_2, %add3A_12 : i32
    %dma_start3A_14 = arith.constant 0 : i32
    %dma_start3A_15 = tpu.memref_slice %arg7[%add3A_13, %dma_start3A_14] : memref<30720x128xf32, #tpu.memory_space<hbm>> -> memref<120x128xf32, #tpu.memory_space<hbm>>
    %dma_start3A_16 = arith.constant 0 : i32
    %dma_start3A_17 = tpu.memref_slice %arg7[%add3A_13, %dma_start3A_16] : memref<30720x128xf32, #tpu.memory_space<hbm>> -> memref<120x128xf32, #tpu.memory_space<hbm>>
    tpu.enqueue_dma source(%arg12 : memref<120x128xf32, #tpu.memory_space<vmem>>) target(%dma_start3A_17 : memref<120x128xf32, #tpu.memory_space<hbm>>) target_semaphore(%arg18 : memref<!tpu.dma_semaphore, #tpu.memory_space<semaphore_mem>>)
    %dma_wait3A_18 = arith.constant 0 : i32
    %dma_wait3A_19 = arith.constant 0 : i32
    %dma_wait3A_20 = tpu.memref_slice %arg2[%dma_wait3A_18, %dma_wait3A_19] : memref<524288x128xf32, #tpu.memory_space<hbm>> -> memref<524288x128xf32, #tpu.memory_space<hbm>>
    tpu.wait_indirect_dma semaphore(%arg17 : memref<!tpu.dma_semaphore, #tpu.memory_space<semaphore_mem>>) src(%dma_wait3A_20 : memref<524288x128xf32, #tpu.memory_space<hbm>>) dst(%arg13 : memref<120x128xf32, #tpu.memory_space<vmem>>)
    %dma_wait3A_21 = arith.constant 0 : i32
    %dma_wait3A_22 = arith.constant 0 : i32
    %dma_wait3A_23 = tpu.memref_slice %arg7[%dma_wait3A_21, %dma_wait3A_22] : memref<30720x128xf32, #tpu.memory_space<hbm>> -> memref<120x128xf32, #tpu.memory_space<hbm>>
    %dma_wait3A_24 = arith.constant 0 : i32
    %dma_wait3A_25 = arith.constant 0 : i32
    %dma_wait3A_26 = tpu.memref_slice %arg7[%dma_wait3A_24, %dma_wait3A_25] : memref<30720x128xf32, #tpu.memory_space<hbm>> -> memref<120x128xf32, #tpu.memory_space<hbm>>
    tpu.wait_dma2 semaphore(%arg18 : memref<!tpu.dma_semaphore, #tpu.memory_space<semaphore_mem>>) src(%arg12 : memref<120x128xf32, #tpu.memory_space<vmem>>) dst(%dma_wait3A_26 : memref<120x128xf32, #tpu.memory_space<hbm>>)
    %add3A_27 = arith.constant 240 : i32
    %add3A_28 = arith.addi %mul3A_2, %add3A_27 : i32
    "tpu.region"() ({
      %run_scoped3A = tpu.sem_alloc : memref<!tpu.dma_semaphore, #tpu.memory_space<semaphore_mem>>
      %dma_start3A_325 = tpu.memref_slice %arg3[%add3A_28] : memref<30720xi32, #tpu.memory_space<hbm>> -> memref<120xi32, #tpu.memory_space<hbm>>
      %dma_start3A_326 = tpu.memref_slice %arg3[%add3A_28] : memref<30720xi32, #tpu.memory_space<hbm>> -> memref<120xi32, #tpu.memory_space<hbm>>
      tpu.enqueue_dma source(%dma_start3A_326 : memref<120xi32, #tpu.memory_space<hbm>>) target(%arg10 : memref<120xi32, #tpu.memory_space<vmem>>) target_semaphore(%run_scoped3A : memref<!tpu.dma_semaphore, #tpu.memory_space<semaphore_mem>>)
      %dma_wait3A_327 = tpu.memref_slice %arg3[%add3A_28] : memref<30720xi32, #tpu.memory_space<hbm>> -> memref<120xi32, #tpu.memory_space<hbm>>
      %dma_wait3A_328 = tpu.memref_slice %arg3[%add3A_28] : memref<30720xi32, #tpu.memory_space<hbm>> -> memref<120xi32, #tpu.memory_space<hbm>>
      tpu.wait_dma2 semaphore(%run_scoped3A : memref<!tpu.dma_semaphore, #tpu.memory_space<semaphore_mem>>) src(%dma_wait3A_328 : memref<120xi32, #tpu.memory_space<hbm>>) dst(%arg10 : memref<120xi32, #tpu.memory_space<vmem>>)
      tpu.yield
    }) : () -> ()
    %dma_start3A_29 = arith.constant 0 : i32
    %dma_start3A_30 = arith.constant 0 : i32
    %dma_start3A_31 = tpu.memref_slice %arg2[%dma_start3A_29, %dma_start3A_30] : memref<524288x128xf32, #tpu.memory_space<hbm>> -> memref<524288x128xf32, #tpu.memory_space<hbm>>
    tpu.enqueue_indirect_dma source(%dma_start3A_31 : memref<524288x128xf32, #tpu.memory_space<hbm>>) target(%arg12 : memref<120x128xf32, #tpu.memory_space<vmem>>) offsets(%arg10 : memref<120xi32, #tpu.memory_space<vmem>>) semaphore(%arg16 : memref<!tpu.dma_semaphore, #tpu.memory_space<semaphore_mem>>)
    %add3A_32 = arith.constant 120 : i32
    %add3A_33 = arith.addi %mul3A_2, %add3A_32 : i32
    %dma_start3A_34 = arith.constant 0 : i32
    %dma_start3A_35 = tpu.memref_slice %arg7[%add3A_33, %dma_start3A_34] : memref<30720x128xf32, #tpu.memory_space<hbm>> -> memref<120x128xf32, #tpu.memory_space<hbm>>
    %dma_start3A_36 = arith.constant 0 : i32
    %dma_start3A_37 = tpu.memref_slice %arg7[%add3A_33, %dma_start3A_36] : memref<30720x128xf32, #tpu.memory_space<hbm>> -> memref<120x128xf32, #tpu.memory_space<hbm>>
    tpu.enqueue_dma source(%arg13 : memref<120x128xf32, #tpu.memory_space<vmem>>) target(%dma_start3A_37 : memref<120x128xf32, #tpu.memory_space<hbm>>) target_semaphore(%arg19 : memref<!tpu.dma_semaphore, #tpu.memory_space<semaphore_mem>>)
    %dma_wait3A_38 = arith.constant 0 : i32
    %dma_wait3A_39 = arith.constant 0 : i32
    %dma_wait3A_40 = tpu.memref_slice %arg2[%dma_wait3A_38, %dma_wait3A_39] : memref<524288x128xf32, #tpu.memory_space<hbm>> -> memref<524288x128xf32, #tpu.memory_space<hbm>>
    tpu.wait_indirect_dma semaphore(%arg16 : memref<!tpu.dma_semaphore, #tpu.memory_space<semaphore_mem>>) src(%dma_wait3A_40 : memref<524288x128xf32, #tpu.memory_space<hbm>>) dst(%arg12 : memref<120x128xf32, #tpu.memory_space<vmem>>)
    %dma_wait3A_41 = arith.constant 0 : i32
    %dma_wait3A_42 = arith.constant 0 : i32
    %dma_wait3A_43 = tpu.memref_slice %arg7[%dma_wait3A_41, %dma_wait3A_42] : memref<30720x128xf32, #tpu.memory_space<hbm>> -> memref<120x128xf32, #tpu.memory_space<hbm>>
    %dma_wait3A_44 = arith.constant 0 : i32
    %dma_wait3A_45 = arith.constant 0 : i32
    %dma_wait3A_46 = tpu.memref_slice %arg7[%dma_wait3A_44, %dma_wait3A_45] : memref<30720x128xf32, #tpu.memory_space<hbm>> -> memref<120x128xf32, #tpu.memory_space<hbm>>
    tpu.wait_dma2 semaphore(%arg19 : memref<!tpu.dma_semaphore, #tpu.memory_space<semaphore_mem>>) src(%arg13 : memref<120x128xf32, #tpu.memory_space<vmem>>) dst(%dma_wait3A_46 : memref<120x128xf32, #tpu.memory_space<hbm>>)
    %add3A_47 = arith.constant 360 : i32
    %add3A_48 = arith.addi %mul3A_2, %add3A_47 : i32
    "tpu.region"() ({
      %run_scoped3A = tpu.sem_alloc : memref<!tpu.dma_semaphore, #tpu.memory_space<semaphore_mem>>
      %dma_start3A_325 = tpu.memref_slice %arg3[%add3A_48] : memref<30720xi32, #tpu.memory_space<hbm>> -> memref<120xi32, #tpu.memory_space<hbm>>
      %dma_start3A_326 = tpu.memref_slice %arg3[%add3A_48] : memref<30720xi32, #tpu.memory_space<hbm>> -> memref<120xi32, #tpu.memory_space<hbm>>
      tpu.enqueue_dma source(%dma_start3A_326 : memref<120xi32, #tpu.memory_space<hbm>>) target(%arg11 : memref<120xi32, #tpu.memory_space<vmem>>) target_semaphore(%run_scoped3A : memref<!tpu.dma_semaphore, #tpu.memory_space<semaphore_mem>>)
      %dma_wait3A_327 = tpu.memref_slice %arg3[%add3A_48] : memref<30720xi32, #tpu.memory_space<hbm>> -> memref<120xi32, #tpu.memory_space<hbm>>
      %dma_wait3A_328 = tpu.memref_slice %arg3[%add3A_48] : memref<30720xi32, #tpu.memory_space<hbm>> -> memref<120xi32, #tpu.memory_space<hbm>>
      tpu.wait_dma2 semaphore(%run_scoped3A : memref<!tpu.dma_semaphore, #tpu.memory_space<semaphore_mem>>) src(%dma_wait3A_328 : memref<120xi32, #tpu.memory_space<hbm>>) dst(%arg11 : memref<120xi32, #tpu.memory_space<vmem>>)
      tpu.yield
    }) : () -> ()
    %dma_start3A_49 = arith.constant 0 : i32
    %dma_start3A_50 = arith.constant 0 : i32
    %dma_start3A_51 = tpu.memref_slice %arg2[%dma_start3A_49, %dma_start3A_50] : memref<524288x128xf32, #tpu.memory_space<hbm>> -> memref<524288x128xf32, #tpu.memory_space<hbm>>
    tpu.enqueue_indirect_dma source(%dma_start3A_51 : memref<524288x128xf32, #tpu.memory_space<hbm>>) target(%arg13 : memref<120x128xf32, #tpu.memory_space<vmem>>) offsets(%arg11 : memref<120xi32, #tpu.memory_space<vmem>>) semaphore(%arg17 : memref<!tpu.dma_semaphore, #tpu.memory_space<semaphore_mem>>)
    %add3A_52 = arith.constant 240 : i32
    %add3A_53 = arith.addi %mul3A_2, %add3A_52 : i32
    %dma_start3A_54 = arith.constant 0 : i32
    %dma_start3A_55 = tpu.memref_slice %arg7[%add3A_53, %dma_start3A_54] : memref<30720x128xf32, #tpu.memory_space<hbm>> -> memref<120x128xf32, #tpu.memory_space<hbm>>
    %dma_start3A_56 = arith.constant 0 : i32
    %dma_start3A_57 = tpu.memref_slice %arg7[%add3A_53, %dma_start3A_56] : memref<30720x128xf32, #tpu.memory_space<hbm>> -> memref<120x128xf32, #tpu.memory_space<hbm>>
    tpu.enqueue_dma source(%arg12 : memref<120x128xf32, #tpu.memory_space<vmem>>) target(%dma_start3A_57 : memref<120x128xf32, #tpu.memory_space<hbm>>) target_semaphore(%arg18 : memref<!tpu.dma_semaphore, #tpu.memory_space<semaphore_mem>>)
    %dma_wait3A_58 = arith.constant 0 : i32
    %dma_wait3A_59 = arith.constant 0 : i32
    %dma_wait3A_60 = tpu.memref_slice %arg2[%dma_wait3A_58, %dma_wait3A_59] : memref<524288x128xf32, #tpu.memory_space<hbm>> -> memref<524288x128xf32, #tpu.memory_space<hbm>>
    tpu.wait_indirect_dma semaphore(%arg17 : memref<!tpu.dma_semaphore, #tpu.memory_space<semaphore_mem>>) src(%dma_wait3A_60 : memref<524288x128xf32, #tpu.memory_space<hbm>>) dst(%arg13 : memref<120x128xf32, #tpu.memory_space<vmem>>)
    %dma_wait3A_61 = arith.constant 0 : i32
    %dma_wait3A_62 = arith.constant 0 : i32
    %dma_wait3A_63 = tpu.memref_slice %arg7[%dma_wait3A_61, %dma_wait3A_62] : memref<30720x128xf32, #tpu.memory_space<hbm>> -> memref<120x128xf32, #tpu.memory_space<hbm>>
    %dma_wait3A_64 = arith.constant 0 : i32
    %dma_wait3A_65 = arith.constant 0 : i32
    %dma_wait3A_66 = tpu.memref_slice %arg7[%dma_wait3A_64, %dma_wait3A_65] : memref<30720x128xf32, #tpu.memory_space<hbm>> -> memref<120x128xf32, #tpu.memory_space<hbm>>
    tpu.wait_dma2 semaphore(%arg18 : memref<!tpu.dma_semaphore, #tpu.memory_space<semaphore_mem>>) src(%arg12 : memref<120x128xf32, #tpu.memory_space<vmem>>) dst(%dma_wait3A_66 : memref<120x128xf32, #tpu.memory_space<hbm>>)
    %add3A_67 = arith.constant 480 : i32
    %add3A_68 = arith.addi %mul3A_2, %add3A_67 : i32
    "tpu.region"() ({
      %run_scoped3A = tpu.sem_alloc : memref<!tpu.dma_semaphore, #tpu.memory_space<semaphore_mem>>
      %dma_start3A_325 = tpu.memref_slice %arg3[%add3A_68] : memref<30720xi32, #tpu.memory_space<hbm>> -> memref<120xi32, #tpu.memory_space<hbm>>
      %dma_start3A_326 = tpu.memref_slice %arg3[%add3A_68] : memref<30720xi32, #tpu.memory_space<hbm>> -> memref<120xi32, #tpu.memory_space<hbm>>
      tpu.enqueue_dma source(%dma_start3A_326 : memref<120xi32, #tpu.memory_space<hbm>>) target(%arg10 : memref<120xi32, #tpu.memory_space<vmem>>) target_semaphore(%run_scoped3A : memref<!tpu.dma_semaphore, #tpu.memory_space<semaphore_mem>>)
      %dma_wait3A_327 = tpu.memref_slice %arg3[%add3A_68] : memref<30720xi32, #tpu.memory_space<hbm>> -> memref<120xi32, #tpu.memory_space<hbm>>
      %dma_wait3A_328 = tpu.memref_slice %arg3[%add3A_68] : memref<30720xi32, #tpu.memory_space<hbm>> -> memref<120xi32, #tpu.memory_space<hbm>>
      tpu.wait_dma2 semaphore(%run_scoped3A : memref<!tpu.dma_semaphore, #tpu.memory_space<semaphore_mem>>) src(%dma_wait3A_328 : memref<120xi32, #tpu.memory_space<hbm>>) dst(%arg10 : memref<120xi32, #tpu.memory_space<vmem>>)
      tpu.yield
    }) : () -> ()
    %dma_start3A_69 = arith.constant 0 : i32
    %dma_start3A_70 = arith.constant 0 : i32
    %dma_start3A_71 = tpu.memref_slice %arg2[%dma_start3A_69, %dma_start3A_70] : memref<524288x128xf32, #tpu.memory_space<hbm>> -> memref<524288x128xf32, #tpu.memory_space<hbm>>
    tpu.enqueue_indirect_dma source(%dma_start3A_71 : memref<524288x128xf32, #tpu.memory_space<hbm>>) target(%arg12 : memref<120x128xf32, #tpu.memory_space<vmem>>) offsets(%arg10 : memref<120xi32, #tpu.memory_space<vmem>>) semaphore(%arg16 : memref<!tpu.dma_semaphore, #tpu.memory_space<semaphore_mem>>)
    %add3A_72 = arith.constant 360 : i32
    %add3A_73 = arith.addi %mul3A_2, %add3A_72 : i32
    %dma_start3A_74 = arith.constant 0 : i32
    %dma_start3A_75 = tpu.memref_slice %arg7[%add3A_73, %dma_start3A_74] : memref<30720x128xf32, #tpu.memory_space<hbm>> -> memref<120x128xf32, #tpu.memory_space<hbm>>
    %dma_start3A_76 = arith.constant 0 : i32
    %dma_start3A_77 = tpu.memref_slice %arg7[%add3A_73, %dma_start3A_76] : memref<30720x128xf32, #tpu.memory_space<hbm>> -> memref<120x128xf32, #tpu.memory_space<hbm>>
    tpu.enqueue_dma source(%arg13 : memref<120x128xf32, #tpu.memory_space<vmem>>) target(%dma_start3A_77 : memref<120x128xf32, #tpu.memory_space<hbm>>) target_semaphore(%arg19 : memref<!tpu.dma_semaphore, #tpu.memory_space<semaphore_mem>>)
    %dma_wait3A_78 = arith.constant 0 : i32
    %dma_wait3A_79 = arith.constant 0 : i32
    %dma_wait3A_80 = tpu.memref_slice %arg2[%dma_wait3A_78, %dma_wait3A_79] : memref<524288x128xf32, #tpu.memory_space<hbm>> -> memref<524288x128xf32, #tpu.memory_space<hbm>>
    tpu.wait_indirect_dma semaphore(%arg16 : memref<!tpu.dma_semaphore, #tpu.memory_space<semaphore_mem>>) src(%dma_wait3A_80 : memref<524288x128xf32, #tpu.memory_space<hbm>>) dst(%arg12 : memref<120x128xf32, #tpu.memory_space<vmem>>)
    %dma_wait3A_81 = arith.constant 0 : i32
    %dma_wait3A_82 = arith.constant 0 : i32
    %dma_wait3A_83 = tpu.memref_slice %arg7[%dma_wait3A_81, %dma_wait3A_82] : memref<30720x128xf32, #tpu.memory_space<hbm>> -> memref<120x128xf32, #tpu.memory_space<hbm>>
    %dma_wait3A_84 = arith.constant 0 : i32
    %dma_wait3A_85 = arith.constant 0 : i32
    %dma_wait3A_86 = tpu.memref_slice %arg7[%dma_wait3A_84, %dma_wait3A_85] : memref<30720x128xf32, #tpu.memory_space<hbm>> -> memref<120x128xf32, #tpu.memory_space<hbm>>
    tpu.wait_dma2 semaphore(%arg19 : memref<!tpu.dma_semaphore, #tpu.memory_space<semaphore_mem>>) src(%arg13 : memref<120x128xf32, #tpu.memory_space<vmem>>) dst(%dma_wait3A_86 : memref<120x128xf32, #tpu.memory_space<hbm>>)
    %add3A_87 = arith.constant 600 : i32
    %add3A_88 = arith.addi %mul3A_2, %add3A_87 : i32
    "tpu.region"() ({
      %run_scoped3A = tpu.sem_alloc : memref<!tpu.dma_semaphore, #tpu.memory_space<semaphore_mem>>
      %dma_start3A_325 = tpu.memref_slice %arg3[%add3A_88] : memref<30720xi32, #tpu.memory_space<hbm>> -> memref<120xi32, #tpu.memory_space<hbm>>
      %dma_start3A_326 = tpu.memref_slice %arg3[%add3A_88] : memref<30720xi32, #tpu.memory_space<hbm>> -> memref<120xi32, #tpu.memory_space<hbm>>
      tpu.enqueue_dma source(%dma_start3A_326 : memref<120xi32, #tpu.memory_space<hbm>>) target(%arg11 : memref<120xi32, #tpu.memory_space<vmem>>) target_semaphore(%run_scoped3A : memref<!tpu.dma_semaphore, #tpu.memory_space<semaphore_mem>>)
      %dma_wait3A_327 = tpu.memref_slice %arg3[%add3A_88] : memref<30720xi32, #tpu.memory_space<hbm>> -> memref<120xi32, #tpu.memory_space<hbm>>
      %dma_wait3A_328 = tpu.memref_slice %arg3[%add3A_88] : memref<30720xi32, #tpu.memory_space<hbm>> -> memref<120xi32, #tpu.memory_space<hbm>>
      tpu.wait_dma2 semaphore(%run_scoped3A : memref<!tpu.dma_semaphore, #tpu.memory_space<semaphore_mem>>) src(%dma_wait3A_328 : memref<120xi32, #tpu.memory_space<hbm>>) dst(%arg11 : memref<120xi32, #tpu.memory_space<vmem>>)
      tpu.yield
    }) : () -> ()
    %dma_start3A_89 = arith.constant 0 : i32
    %dma_start3A_90 = arith.constant 0 : i32
    %dma_start3A_91 = tpu.memref_slice %arg2[%dma_start3A_89, %dma_start3A_90] : memref<524288x128xf32, #tpu.memory_space<hbm>> -> memref<524288x128xf32, #tpu.memory_space<hbm>>
    tpu.enqueue_indirect_dma source(%dma_start3A_91 : memref<524288x128xf32, #tpu.memory_space<hbm>>) target(%arg13 : memref<120x128xf32, #tpu.memory_space<vmem>>) offsets(%arg11 : memref<120xi32, #tpu.memory_space<vmem>>) semaphore(%arg17 : memref<!tpu.dma_semaphore, #tpu.memory_space<semaphore_mem>>)
    %add3A_92 = arith.constant 480 : i32
    %add3A_93 = arith.addi %mul3A_2, %add3A_92 : i32
    %dma_start3A_94 = arith.constant 0 : i32
    %dma_start3A_95 = tpu.memref_slice %arg7[%add3A_93, %dma_start3A_94] : memref<30720x128xf32, #tpu.memory_space<hbm>> -> memref<120x128xf32, #tpu.memory_space<hbm>>
    %dma_start3A_96 = arith.constant 0 : i32
    %dma_start3A_97 = tpu.memref_slice %arg7[%add3A_93, %dma_start3A_96] : memref<30720x128xf32, #tpu.memory_space<hbm>> -> memref<120x128xf32, #tpu.memory_space<hbm>>
    tpu.enqueue_dma source(%arg12 : memref<120x128xf32, #tpu.memory_space<vmem>>) target(%dma_start3A_97 : memref<120x128xf32, #tpu.memory_space<hbm>>) target_semaphore(%arg18 : memref<!tpu.dma_semaphore, #tpu.memory_space<semaphore_mem>>)
    %dma_wait3A_98 = arith.constant 0 : i32
    %dma_wait3A_99 = arith.constant 0 : i32
    %dma_wait3A_100 = tpu.memref_slice %arg2[%dma_wait3A_98, %dma_wait3A_99] : memref<524288x128xf32, #tpu.memory_space<hbm>> -> memref<524288x128xf32, #tpu.memory_space<hbm>>
    tpu.wait_indirect_dma semaphore(%arg17 : memref<!tpu.dma_semaphore, #tpu.memory_space<semaphore_mem>>) src(%dma_wait3A_100 : memref<524288x128xf32, #tpu.memory_space<hbm>>) dst(%arg13 : memref<120x128xf32, #tpu.memory_space<vmem>>)
    %dma_wait3A_101 = arith.constant 0 : i32
    %dma_wait3A_102 = arith.constant 0 : i32
    %dma_wait3A_103 = tpu.memref_slice %arg7[%dma_wait3A_101, %dma_wait3A_102] : memref<30720x128xf32, #tpu.memory_space<hbm>> -> memref<120x128xf32, #tpu.memory_space<hbm>>
    %dma_wait3A_104 = arith.constant 0 : i32
    %dma_wait3A_105 = arith.constant 0 : i32
    %dma_wait3A_106 = tpu.memref_slice %arg7[%dma_wait3A_104, %dma_wait3A_105] : memref<30720x128xf32, #tpu.memory_space<hbm>> -> memref<120x128xf32, #tpu.memory_space<hbm>>
    tpu.wait_dma2 semaphore(%arg18 : memref<!tpu.dma_semaphore, #tpu.memory_space<semaphore_mem>>) src(%arg12 : memref<120x128xf32, #tpu.memory_space<vmem>>) dst(%dma_wait3A_106 : memref<120x128xf32, #tpu.memory_space<hbm>>)
    %add3A_107 = arith.constant 720 : i32
    %add3A_108 = arith.addi %mul3A_2, %add3A_107 : i32
    "tpu.region"() ({
      %run_scoped3A = tpu.sem_alloc : memref<!tpu.dma_semaphore, #tpu.memory_space<semaphore_mem>>
      %dma_start3A_325 = tpu.memref_slice %arg3[%add3A_108] : memref<30720xi32, #tpu.memory_space<hbm>> -> memref<120xi32, #tpu.memory_space<hbm>>
      %dma_start3A_326 = tpu.memref_slice %arg3[%add3A_108] : memref<30720xi32, #tpu.memory_space<hbm>> -> memref<120xi32, #tpu.memory_space<hbm>>
      tpu.enqueue_dma source(%dma_start3A_326 : memref<120xi32, #tpu.memory_space<hbm>>) target(%arg10 : memref<120xi32, #tpu.memory_space<vmem>>) target_semaphore(%run_scoped3A : memref<!tpu.dma_semaphore, #tpu.memory_space<semaphore_mem>>)
      %dma_wait3A_327 = tpu.memref_slice %arg3[%add3A_108] : memref<30720xi32, #tpu.memory_space<hbm>> -> memref<120xi32, #tpu.memory_space<hbm>>
      %dma_wait3A_328 = tpu.memref_slice %arg3[%add3A_108] : memref<30720xi32, #tpu.memory_space<hbm>> -> memref<120xi32, #tpu.memory_space<hbm>>
      tpu.wait_dma2 semaphore(%run_scoped3A : memref<!tpu.dma_semaphore, #tpu.memory_space<semaphore_mem>>) src(%dma_wait3A_328 : memref<120xi32, #tpu.memory_space<hbm>>) dst(%arg10 : memref<120xi32, #tpu.memory_space<vmem>>)
      tpu.yield
    }) : () -> ()
    %dma_start3A_109 = arith.constant 0 : i32
    %dma_start3A_110 = arith.constant 0 : i32
    %dma_start3A_111 = tpu.memref_slice %arg2[%dma_start3A_109, %dma_start3A_110] : memref<524288x128xf32, #tpu.memory_space<hbm>> -> memref<524288x128xf32, #tpu.memory_space<hbm>>
    tpu.enqueue_indirect_dma source(%dma_start3A_111 : memref<524288x128xf32, #tpu.memory_space<hbm>>) target(%arg12 : memref<120x128xf32, #tpu.memory_space<vmem>>) offsets(%arg10 : memref<120xi32, #tpu.memory_space<vmem>>) semaphore(%arg16 : memref<!tpu.dma_semaphore, #tpu.memory_space<semaphore_mem>>)
    %add3A_112 = arith.constant 600 : i32
    %add3A_113 = arith.addi %mul3A_2, %add3A_112 : i32
    %dma_start3A_114 = arith.constant 0 : i32
    %dma_start3A_115 = tpu.memref_slice %arg7[%add3A_113, %dma_start3A_114] : memref<30720x128xf32, #tpu.memory_space<hbm>> -> memref<120x128xf32, #tpu.memory_space<hbm>>
    %dma_start3A_116 = arith.constant 0 : i32
    %dma_start3A_117 = tpu.memref_slice %arg7[%add3A_113, %dma_start3A_116] : memref<30720x128xf32, #tpu.memory_space<hbm>> -> memref<120x128xf32, #tpu.memory_space<hbm>>
    tpu.enqueue_dma source(%arg13 : memref<120x128xf32, #tpu.memory_space<vmem>>) target(%dma_start3A_117 : memref<120x128xf32, #tpu.memory_space<hbm>>) target_semaphore(%arg19 : memref<!tpu.dma_semaphore, #tpu.memory_space<semaphore_mem>>)
    %dma_wait3A_118 = arith.constant 0 : i32
    %dma_wait3A_119 = arith.constant 0 : i32
    %dma_wait3A_120 = tpu.memref_slice %arg2[%dma_wait3A_118, %dma_wait3A_119] : memref<524288x128xf32, #tpu.memory_space<hbm>> -> memref<524288x128xf32, #tpu.memory_space<hbm>>
    tpu.wait_indirect_dma semaphore(%arg16 : memref<!tpu.dma_semaphore, #tpu.memory_space<semaphore_mem>>) src(%dma_wait3A_120 : memref<524288x128xf32, #tpu.memory_space<hbm>>) dst(%arg12 : memref<120x128xf32, #tpu.memory_space<vmem>>)
    %dma_wait3A_121 = arith.constant 0 : i32
    %dma_wait3A_122 = arith.constant 0 : i32
    %dma_wait3A_123 = tpu.memref_slice %arg7[%dma_wait3A_121, %dma_wait3A_122] : memref<30720x128xf32, #tpu.memory_space<hbm>> -> memref<120x128xf32, #tpu.memory_space<hbm>>
    %dma_wait3A_124 = arith.constant 0 : i32
    %dma_wait3A_125 = arith.constant 0 : i32
    %dma_wait3A_126 = tpu.memref_slice %arg7[%dma_wait3A_124, %dma_wait3A_125] : memref<30720x128xf32, #tpu.memory_space<hbm>> -> memref<120x128xf32, #tpu.memory_space<hbm>>
    tpu.wait_dma2 semaphore(%arg19 : memref<!tpu.dma_semaphore, #tpu.memory_space<semaphore_mem>>) src(%arg13 : memref<120x128xf32, #tpu.memory_space<vmem>>) dst(%dma_wait3A_126 : memref<120x128xf32, #tpu.memory_space<hbm>>)
    %add3A_127 = arith.constant 840 : i32
    %add3A_128 = arith.addi %mul3A_2, %add3A_127 : i32
    "tpu.region"() ({
      %run_scoped3A = tpu.sem_alloc : memref<!tpu.dma_semaphore, #tpu.memory_space<semaphore_mem>>
      %dma_start3A_325 = tpu.memref_slice %arg3[%add3A_128] : memref<30720xi32, #tpu.memory_space<hbm>> -> memref<120xi32, #tpu.memory_space<hbm>>
      %dma_start3A_326 = tpu.memref_slice %arg3[%add3A_128] : memref<30720xi32, #tpu.memory_space<hbm>> -> memref<120xi32, #tpu.memory_space<hbm>>
      tpu.enqueue_dma source(%dma_start3A_326 : memref<120xi32, #tpu.memory_space<hbm>>) target(%arg11 : memref<120xi32, #tpu.memory_space<vmem>>) target_semaphore(%run_scoped3A : memref<!tpu.dma_semaphore, #tpu.memory_space<semaphore_mem>>)
      %dma_wait3A_327 = tpu.memref_slice %arg3[%add3A_128] : memref<30720xi32, #tpu.memory_space<hbm>> -> memref<120xi32, #tpu.memory_space<hbm>>
      %dma_wait3A_328 = tpu.memref_slice %arg3[%add3A_128] : memref<30720xi32, #tpu.memory_space<hbm>> -> memref<120xi32, #tpu.memory_space<hbm>>
      tpu.wait_dma2 semaphore(%run_scoped3A : memref<!tpu.dma_semaphore, #tpu.memory_space<semaphore_mem>>) src(%dma_wait3A_328 : memref<120xi32, #tpu.memory_space<hbm>>) dst(%arg11 : memref<120xi32, #tpu.memory_space<vmem>>)
      tpu.yield
    }) : () -> ()
    %dma_start3A_129 = arith.constant 0 : i32
    %dma_start3A_130 = arith.constant 0 : i32
    %dma_start3A_131 = tpu.memref_slice %arg2[%dma_start3A_129, %dma_start3A_130] : memref<524288x128xf32, #tpu.memory_space<hbm>> -> memref<524288x128xf32, #tpu.memory_space<hbm>>
    tpu.enqueue_indirect_dma source(%dma_start3A_131 : memref<524288x128xf32, #tpu.memory_space<hbm>>) target(%arg13 : memref<120x128xf32, #tpu.memory_space<vmem>>) offsets(%arg11 : memref<120xi32, #tpu.memory_space<vmem>>) semaphore(%arg17 : memref<!tpu.dma_semaphore, #tpu.memory_space<semaphore_mem>>)
    %add3A_132 = arith.constant 720 : i32
    %add3A_133 = arith.addi %mul3A_2, %add3A_132 : i32
    %dma_start3A_134 = arith.constant 0 : i32
    %dma_start3A_135 = tpu.memref_slice %arg7[%add3A_133, %dma_start3A_134] : memref<30720x128xf32, #tpu.memory_space<hbm>> -> memref<120x128xf32, #tpu.memory_space<hbm>>
    %dma_start3A_136 = arith.constant 0 : i32
    %dma_start3A_137 = tpu.memref_slice %arg7[%add3A_133, %dma_start3A_136] : memref<30720x128xf32, #tpu.memory_space<hbm>> -> memref<120x128xf32, #tpu.memory_space<hbm>>
    tpu.enqueue_dma source(%arg12 : memref<120x128xf32, #tpu.memory_space<vmem>>) target(%dma_start3A_137 : memref<120x128xf32, #tpu.memory_space<hbm>>) target_semaphore(%arg18 : memref<!tpu.dma_semaphore, #tpu.memory_space<semaphore_mem>>)
    %dma_wait3A_138 = arith.constant 0 : i32
    %dma_wait3A_139 = arith.constant 0 : i32
    %dma_wait3A_140 = tpu.memref_slice %arg2[%dma_wait3A_138, %dma_wait3A_139] : memref<524288x128xf32, #tpu.memory_space<hbm>> -> memref<524288x128xf32, #tpu.memory_space<hbm>>
    tpu.wait_indirect_dma semaphore(%arg17 : memref<!tpu.dma_semaphore, #tpu.memory_space<semaphore_mem>>) src(%dma_wait3A_140 : memref<524288x128xf32, #tpu.memory_space<hbm>>) dst(%arg13 : memref<120x128xf32, #tpu.memory_space<vmem>>)
    %dma_wait3A_141 = arith.constant 0 : i32
    %dma_wait3A_142 = arith.constant 0 : i32
    %dma_wait3A_143 = tpu.memref_slice %arg7[%dma_wait3A_141, %dma_wait3A_142] : memref<30720x128xf32, #tpu.memory_space<hbm>> -> memref<120x128xf32, #tpu.memory_space<hbm>>
    %dma_wait3A_144 = arith.constant 0 : i32
    %dma_wait3A_145 = arith.constant 0 : i32
    %dma_wait3A_146 = tpu.memref_slice %arg7[%dma_wait3A_144, %dma_wait3A_145] : memref<30720x128xf32, #tpu.memory_space<hbm>> -> memref<120x128xf32, #tpu.memory_space<hbm>>
    tpu.wait_dma2 semaphore(%arg18 : memref<!tpu.dma_semaphore, #tpu.memory_space<semaphore_mem>>) src(%arg12 : memref<120x128xf32, #tpu.memory_space<vmem>>) dst(%dma_wait3A_146 : memref<120x128xf32, #tpu.memory_space<hbm>>)
    %add3A_147 = arith.constant 840 : i32
    %add3A_148 = arith.addi %mul3A_2, %add3A_147 : i32
    %dma_start3A_149 = arith.constant 0 : i32
    %dma_start3A_150 = tpu.memref_slice %arg7[%add3A_148, %dma_start3A_149] : memref<30720x128xf32, #tpu.memory_space<hbm>> -> memref<120x128xf32, #tpu.memory_space<hbm>>
    %dma_start3A_151 = arith.constant 0 : i32
    %dma_start3A_152 = tpu.memref_slice %arg7[%add3A_148, %dma_start3A_151] : memref<30720x128xf32, #tpu.memory_space<hbm>> -> memref<120x128xf32, #tpu.memory_space<hbm>>
    tpu.enqueue_dma source(%arg13 : memref<120x128xf32, #tpu.memory_space<vmem>>) target(%dma_start3A_152 : memref<120x128xf32, #tpu.memory_space<hbm>>) target_semaphore(%arg19 : memref<!tpu.dma_semaphore, #tpu.memory_space<semaphore_mem>>)
    %dma_wait3A_153 = arith.constant 0 : i32
    %dma_wait3A_154 = arith.constant 0 : i32
    %dma_wait3A_155 = tpu.memref_slice %arg7[%dma_wait3A_153, %dma_wait3A_154] : memref<30720x128xf32, #tpu.memory_space<hbm>> -> memref<120x128xf32, #tpu.memory_space<hbm>>
    %dma_wait3A_156 = arith.constant 0 : i32
    %dma_wait3A_157 = arith.constant 0 : i32
    %dma_wait3A_158 = tpu.memref_slice %arg7[%dma_wait3A_156, %dma_wait3A_157] : memref<30720x128xf32, #tpu.memory_space<hbm>> -> memref<120x128xf32, #tpu.memory_space<hbm>>
    tpu.wait_dma2 semaphore(%arg19 : memref<!tpu.dma_semaphore, #tpu.memory_space<semaphore_mem>>) src(%arg13 : memref<120x128xf32, #tpu.memory_space<vmem>>) dst(%dma_wait3A_158 : memref<120x128xf32, #tpu.memory_space<hbm>>)
    "tpu.region"() ({
      %run_scoped3A = tpu.sem_alloc : memref<!tpu.dma_semaphore, #tpu.memory_space<semaphore_mem>>
      %dma_start3A_325 = tpu.memref_slice %arg5[%mul3A_2] : memref<30720xi32, #tpu.memory_space<hbm>> -> memref<120xi32, #tpu.memory_space<hbm>>
      %dma_start3A_326 = tpu.memref_slice %arg5[%mul3A_2] : memref<30720xi32, #tpu.memory_space<hbm>> -> memref<120xi32, #tpu.memory_space<hbm>>
      tpu.enqueue_dma source(%dma_start3A_326 : memref<120xi32, #tpu.memory_space<hbm>>) target(%arg10 : memref<120xi32, #tpu.memory_space<vmem>>) target_semaphore(%run_scoped3A : memref<!tpu.dma_semaphore, #tpu.memory_space<semaphore_mem>>)
      %dma_wait3A_327 = tpu.memref_slice %arg5[%mul3A_2] : memref<30720xi32, #tpu.memory_space<hbm>> -> memref<120xi32, #tpu.memory_space<hbm>>
      %dma_wait3A_328 = tpu.memref_slice %arg5[%mul3A_2] : memref<30720xi32, #tpu.memory_space<hbm>> -> memref<120xi32, #tpu.memory_space<hbm>>
      tpu.wait_dma2 semaphore(%run_scoped3A : memref<!tpu.dma_semaphore, #tpu.memory_space<semaphore_mem>>) src(%dma_wait3A_328 : memref<120xi32, #tpu.memory_space<hbm>>) dst(%arg10 : memref<120xi32, #tpu.memory_space<vmem>>)
      tpu.yield
    }) : () -> ()
    %dma_start3A_159 = arith.constant 0 : i32
    %dma_start3A_160 = arith.constant 0 : i32
    %dma_start3A_161 = tpu.memref_slice %arg4[%dma_start3A_159, %dma_start3A_160] : memref<1024x128xf32, #tpu.memory_space<hbm>> -> memref<1024x128xf32, #tpu.memory_space<hbm>>
    tpu.enqueue_indirect_dma source(%dma_start3A_161 : memref<1024x128xf32, #tpu.memory_space<hbm>>) target(%arg12 : memref<120x128xf32, #tpu.memory_space<vmem>>) offsets(%arg10 : memref<120xi32, #tpu.memory_space<vmem>>) semaphore(%arg16 : memref<!tpu.dma_semaphore, #tpu.memory_space<semaphore_mem>>)
    %dma_wait3A_162 = arith.constant 0 : i32
    %dma_wait3A_163 = arith.constant 0 : i32
    %dma_wait3A_164 = tpu.memref_slice %arg4[%dma_wait3A_162, %dma_wait3A_163] : memref<1024x128xf32, #tpu.memory_space<hbm>> -> memref<1024x128xf32, #tpu.memory_space<hbm>>
    tpu.wait_indirect_dma semaphore(%arg16 : memref<!tpu.dma_semaphore, #tpu.memory_space<semaphore_mem>>) src(%dma_wait3A_164 : memref<1024x128xf32, #tpu.memory_space<hbm>>) dst(%arg12 : memref<120x128xf32, #tpu.memory_space<vmem>>)
    %add3A_165 = arith.constant 120 : i32
    %add3A_166 = arith.addi %mul3A_2, %add3A_165 : i32
    "tpu.region"() ({
      %run_scoped3A = tpu.sem_alloc : memref<!tpu.dma_semaphore, #tpu.memory_space<semaphore_mem>>
      %dma_start3A_325 = tpu.memref_slice %arg5[%add3A_166] : memref<30720xi32, #tpu.memory_space<hbm>> -> memref<120xi32, #tpu.memory_space<hbm>>
      %dma_start3A_326 = tpu.memref_slice %arg5[%add3A_166] : memref<30720xi32, #tpu.memory_space<hbm>> -> memref<120xi32, #tpu.memory_space<hbm>>
      tpu.enqueue_dma source(%dma_start3A_326 : memref<120xi32, #tpu.memory_space<hbm>>) target(%arg11 : memref<120xi32, #tpu.memory_space<vmem>>) target_semaphore(%run_scoped3A : memref<!tpu.dma_semaphore, #tpu.memory_space<semaphore_mem>>)
      %dma_wait3A_327 = tpu.memref_slice %arg5[%add3A_166] : memref<30720xi32, #tpu.memory_space<hbm>> -> memref<120xi32, #tpu.memory_space<hbm>>
      %dma_wait3A_328 = tpu.memref_slice %arg5[%add3A_166] : memref<30720xi32, #tpu.memory_space<hbm>> -> memref<120xi32, #tpu.memory_space<hbm>>
      tpu.wait_dma2 semaphore(%run_scoped3A : memref<!tpu.dma_semaphore, #tpu.memory_space<semaphore_mem>>) src(%dma_wait3A_328 : memref<120xi32, #tpu.memory_space<hbm>>) dst(%arg11 : memref<120xi32, #tpu.memory_space<vmem>>)
      tpu.yield
    }) : () -> ()
    %dma_start3A_167 = arith.constant 0 : i32
    %dma_start3A_168 = arith.constant 0 : i32
    %dma_start3A_169 = tpu.memref_slice %arg4[%dma_start3A_167, %dma_start3A_168] : memref<1024x128xf32, #tpu.memory_space<hbm>> -> memref<1024x128xf32, #tpu.memory_space<hbm>>
    tpu.enqueue_indirect_dma source(%dma_start3A_169 : memref<1024x128xf32, #tpu.memory_space<hbm>>) target(%arg13 : memref<120x128xf32, #tpu.memory_space<vmem>>) offsets(%arg11 : memref<120xi32, #tpu.memory_space<vmem>>) semaphore(%arg17 : memref<!tpu.dma_semaphore, #tpu.memory_space<semaphore_mem>>)
    %add3A_170 = arith.constant 0 : i32
    %add3A_171 = arith.addi %mul3A_2, %add3A_170 : i32
    %dma_start3A_172 = arith.constant 0 : i32
    %dma_start3A_173 = tpu.memref_slice %arg8[%add3A_171, %dma_start3A_172] : memref<30720x128xf32, #tpu.memory_space<hbm>> -> memref<120x128xf32, #tpu.memory_space<hbm>>
    %dma_start3A_174 = arith.constant 0 : i32
    %dma_start3A_175 = tpu.memref_slice %arg8[%add3A_171, %dma_start3A_174] : memref<30720x128xf32, #tpu.memory_space<hbm>> -> memref<120x128xf32, #tpu.memory_space<hbm>>
    tpu.enqueue_dma source(%arg12 : memref<120x128xf32, #tpu.memory_space<vmem>>) target(%dma_start3A_175 : memref<120x128xf32, #tpu.memory_space<hbm>>) target_semaphore(%arg18 : memref<!tpu.dma_semaphore, #tpu.memory_space<semaphore_mem>>)
    %dma_wait3A_176 = arith.constant 0 : i32
    %dma_wait3A_177 = arith.constant 0 : i32
    %dma_wait3A_178 = tpu.memref_slice %arg4[%dma_wait3A_176, %dma_wait3A_177] : memref<1024x128xf32, #tpu.memory_space<hbm>> -> memref<1024x128xf32, #tpu.memory_space<hbm>>
    tpu.wait_indirect_dma semaphore(%arg17 : memref<!tpu.dma_semaphore, #tpu.memory_space<semaphore_mem>>) src(%dma_wait3A_178 : memref<1024x128xf32, #tpu.memory_space<hbm>>) dst(%arg13 : memref<120x128xf32, #tpu.memory_space<vmem>>)
    %dma_wait3A_179 = arith.constant 0 : i32
    %dma_wait3A_180 = arith.constant 0 : i32
    %dma_wait3A_181 = tpu.memref_slice %arg8[%dma_wait3A_179, %dma_wait3A_180] : memref<30720x128xf32, #tpu.memory_space<hbm>> -> memref<120x128xf32, #tpu.memory_space<hbm>>
    %dma_wait3A_182 = arith.constant 0 : i32
    %dma_wait3A_183 = arith.constant 0 : i32
    %dma_wait3A_184 = tpu.memref_slice %arg8[%dma_wait3A_182, %dma_wait3A_183] : memref<30720x128xf32, #tpu.memory_space<hbm>> -> memref<120x128xf32, #tpu.memory_space<hbm>>
    tpu.wait_dma2 semaphore(%arg18 : memref<!tpu.dma_semaphore, #tpu.memory_space<semaphore_mem>>) src(%arg12 : memref<120x128xf32, #tpu.memory_space<vmem>>) dst(%dma_wait3A_184 : memref<120x128xf32, #tpu.memory_space<hbm>>)
    %add3A_185 = arith.constant 240 : i32
    %add3A_186 = arith.addi %mul3A_2, %add3A_185 : i32
    "tpu.region"() ({
      %run_scoped3A = tpu.sem_alloc : memref<!tpu.dma_semaphore, #tpu.memory_space<semaphore_mem>>
      %dma_start3A_325 = tpu.memref_slice %arg5[%add3A_186] : memref<30720xi32, #tpu.memory_space<hbm>> -> memref<120xi32, #tpu.memory_space<hbm>>
      %dma_start3A_326 = tpu.memref_slice %arg5[%add3A_186] : memref<30720xi32, #tpu.memory_space<hbm>> -> memref<120xi32, #tpu.memory_space<hbm>>
      tpu.enqueue_dma source(%dma_start3A_326 : memref<120xi32, #tpu.memory_space<hbm>>) target(%arg10 : memref<120xi32, #tpu.memory_space<vmem>>) target_semaphore(%run_scoped3A : memref<!tpu.dma_semaphore, #tpu.memory_space<semaphore_mem>>)
      %dma_wait3A_327 = tpu.memref_slice %arg5[%add3A_186] : memref<30720xi32, #tpu.memory_space<hbm>> -> memref<120xi32, #tpu.memory_space<hbm>>
      %dma_wait3A_328 = tpu.memref_slice %arg5[%add3A_186] : memref<30720xi32, #tpu.memory_space<hbm>> -> memref<120xi32, #tpu.memory_space<hbm>>
      tpu.wait_dma2 semaphore(%run_scoped3A : memref<!tpu.dma_semaphore, #tpu.memory_space<semaphore_mem>>) src(%dma_wait3A_328 : memref<120xi32, #tpu.memory_space<hbm>>) dst(%arg10 : memref<120xi32, #tpu.memory_space<vmem>>)
      tpu.yield
    }) : () -> ()
    %dma_start3A_187 = arith.constant 0 : i32
    %dma_start3A_188 = arith.constant 0 : i32
    %dma_start3A_189 = tpu.memref_slice %arg4[%dma_start3A_187, %dma_start3A_188] : memref<1024x128xf32, #tpu.memory_space<hbm>> -> memref<1024x128xf32, #tpu.memory_space<hbm>>
    tpu.enqueue_indirect_dma source(%dma_start3A_189 : memref<1024x128xf32, #tpu.memory_space<hbm>>) target(%arg12 : memref<120x128xf32, #tpu.memory_space<vmem>>) offsets(%arg10 : memref<120xi32, #tpu.memory_space<vmem>>) semaphore(%arg16 : memref<!tpu.dma_semaphore, #tpu.memory_space<semaphore_mem>>)
    %add3A_190 = arith.constant 120 : i32
    %add3A_191 = arith.addi %mul3A_2, %add3A_190 : i32
    %dma_start3A_192 = arith.constant 0 : i32
    %dma_start3A_193 = tpu.memref_slice %arg8[%add3A_191, %dma_start3A_192] : memref<30720x128xf32, #tpu.memory_space<hbm>> -> memref<120x128xf32, #tpu.memory_space<hbm>>
    %dma_start3A_194 = arith.constant 0 : i32
    %dma_start3A_195 = tpu.memref_slice %arg8[%add3A_191, %dma_start3A_194] : memref<30720x128xf32, #tpu.memory_space<hbm>> -> memref<120x128xf32, #tpu.memory_space<hbm>>
    tpu.enqueue_dma source(%arg13 : memref<120x128xf32, #tpu.memory_space<vmem>>) target(%dma_start3A_195 : memref<120x128xf32, #tpu.memory_space<hbm>>) target_semaphore(%arg19 : memref<!tpu.dma_semaphore, #tpu.memory_space<semaphore_mem>>)
    %dma_wait3A_196 = arith.constant 0 : i32
    %dma_wait3A_197 = arith.constant 0 : i32
    %dma_wait3A_198 = tpu.memref_slice %arg4[%dma_wait3A_196, %dma_wait3A_197] : memref<1024x128xf32, #tpu.memory_space<hbm>> -> memref<1024x128xf32, #tpu.memory_space<hbm>>
    tpu.wait_indirect_dma semaphore(%arg16 : memref<!tpu.dma_semaphore, #tpu.memory_space<semaphore_mem>>) src(%dma_wait3A_198 : memref<1024x128xf32, #tpu.memory_space<hbm>>) dst(%arg12 : memref<120x128xf32, #tpu.memory_space<vmem>>)
    %dma_wait3A_199 = arith.constant 0 : i32
    %dma_wait3A_200 = arith.constant 0 : i32
    %dma_wait3A_201 = tpu.memref_slice %arg8[%dma_wait3A_199, %dma_wait3A_200] : memref<30720x128xf32, #tpu.memory_space<hbm>> -> memref<120x128xf32, #tpu.memory_space<hbm>>
    %dma_wait3A_202 = arith.constant 0 : i32
    %dma_wait3A_203 = arith.constant 0 : i32
    %dma_wait3A_204 = tpu.memref_slice %arg8[%dma_wait3A_202, %dma_wait3A_203] : memref<30720x128xf32, #tpu.memory_space<hbm>> -> memref<120x128xf32, #tpu.memory_space<hbm>>
    tpu.wait_dma2 semaphore(%arg19 : memref<!tpu.dma_semaphore, #tpu.memory_space<semaphore_mem>>) src(%arg13 : memref<120x128xf32, #tpu.memory_space<vmem>>) dst(%dma_wait3A_204 : memref<120x128xf32, #tpu.memory_space<hbm>>)
    %add3A_205 = arith.constant 360 : i32
    %add3A_206 = arith.addi %mul3A_2, %add3A_205 : i32
    "tpu.region"() ({
      %run_scoped3A = tpu.sem_alloc : memref<!tpu.dma_semaphore, #tpu.memory_space<semaphore_mem>>
      %dma_start3A_325 = tpu.memref_slice %arg5[%add3A_206] : memref<30720xi32, #tpu.memory_space<hbm>> -> memref<120xi32, #tpu.memory_space<hbm>>
      %dma_start3A_326 = tpu.memref_slice %arg5[%add3A_206] : memref<30720xi32, #tpu.memory_space<hbm>> -> memref<120xi32, #tpu.memory_space<hbm>>
      tpu.enqueue_dma source(%dma_start3A_326 : memref<120xi32, #tpu.memory_space<hbm>>) target(%arg11 : memref<120xi32, #tpu.memory_space<vmem>>) target_semaphore(%run_scoped3A : memref<!tpu.dma_semaphore, #tpu.memory_space<semaphore_mem>>)
      %dma_wait3A_327 = tpu.memref_slice %arg5[%add3A_206] : memref<30720xi32, #tpu.memory_space<hbm>> -> memref<120xi32, #tpu.memory_space<hbm>>
      %dma_wait3A_328 = tpu.memref_slice %arg5[%add3A_206] : memref<30720xi32, #tpu.memory_space<hbm>> -> memref<120xi32, #tpu.memory_space<hbm>>
      tpu.wait_dma2 semaphore(%run_scoped3A : memref<!tpu.dma_semaphore, #tpu.memory_space<semaphore_mem>>) src(%dma_wait3A_328 : memref<120xi32, #tpu.memory_space<hbm>>) dst(%arg11 : memref<120xi32, #tpu.memory_space<vmem>>)
      tpu.yield
    }) : () -> ()
    %dma_start3A_207 = arith.constant 0 : i32
    %dma_start3A_208 = arith.constant 0 : i32
    %dma_start3A_209 = tpu.memref_slice %arg4[%dma_start3A_207, %dma_start3A_208] : memref<1024x128xf32, #tpu.memory_space<hbm>> -> memref<1024x128xf32, #tpu.memory_space<hbm>>
    tpu.enqueue_indirect_dma source(%dma_start3A_209 : memref<1024x128xf32, #tpu.memory_space<hbm>>) target(%arg13 : memref<120x128xf32, #tpu.memory_space<vmem>>) offsets(%arg11 : memref<120xi32, #tpu.memory_space<vmem>>) semaphore(%arg17 : memref<!tpu.dma_semaphore, #tpu.memory_space<semaphore_mem>>)
    %add3A_210 = arith.constant 240 : i32
    %add3A_211 = arith.addi %mul3A_2, %add3A_210 : i32
    %dma_start3A_212 = arith.constant 0 : i32
    %dma_start3A_213 = tpu.memref_slice %arg8[%add3A_211, %dma_start3A_212] : memref<30720x128xf32, #tpu.memory_space<hbm>> -> memref<120x128xf32, #tpu.memory_space<hbm>>
    %dma_start3A_214 = arith.constant 0 : i32
    %dma_start3A_215 = tpu.memref_slice %arg8[%add3A_211, %dma_start3A_214] : memref<30720x128xf32, #tpu.memory_space<hbm>> -> memref<120x128xf32, #tpu.memory_space<hbm>>
    tpu.enqueue_dma source(%arg12 : memref<120x128xf32, #tpu.memory_space<vmem>>) target(%dma_start3A_215 : memref<120x128xf32, #tpu.memory_space<hbm>>) target_semaphore(%arg18 : memref<!tpu.dma_semaphore, #tpu.memory_space<semaphore_mem>>)
    %dma_wait3A_216 = arith.constant 0 : i32
    %dma_wait3A_217 = arith.constant 0 : i32
    %dma_wait3A_218 = tpu.memref_slice %arg4[%dma_wait3A_216, %dma_wait3A_217] : memref<1024x128xf32, #tpu.memory_space<hbm>> -> memref<1024x128xf32, #tpu.memory_space<hbm>>
    tpu.wait_indirect_dma semaphore(%arg17 : memref<!tpu.dma_semaphore, #tpu.memory_space<semaphore_mem>>) src(%dma_wait3A_218 : memref<1024x128xf32, #tpu.memory_space<hbm>>) dst(%arg13 : memref<120x128xf32, #tpu.memory_space<vmem>>)
    %dma_wait3A_219 = arith.constant 0 : i32
    %dma_wait3A_220 = arith.constant 0 : i32
    %dma_wait3A_221 = tpu.memref_slice %arg8[%dma_wait3A_219, %dma_wait3A_220] : memref<30720x128xf32, #tpu.memory_space<hbm>> -> memref<120x128xf32, #tpu.memory_space<hbm>>
    %dma_wait3A_222 = arith.constant 0 : i32
    %dma_wait3A_223 = arith.constant 0 : i32
    %dma_wait3A_224 = tpu.memref_slice %arg8[%dma_wait3A_222, %dma_wait3A_223] : memref<30720x128xf32, #tpu.memory_space<hbm>> -> memref<120x128xf32, #tpu.memory_space<hbm>>
    tpu.wait_dma2 semaphore(%arg18 : memref<!tpu.dma_semaphore, #tpu.memory_space<semaphore_mem>>) src(%arg12 : memref<120x128xf32, #tpu.memory_space<vmem>>) dst(%dma_wait3A_224 : memref<120x128xf32, #tpu.memory_space<hbm>>)
    %add3A_225 = arith.constant 480 : i32
    %add3A_226 = arith.addi %mul3A_2, %add3A_225 : i32
    "tpu.region"() ({
      %run_scoped3A = tpu.sem_alloc : memref<!tpu.dma_semaphore, #tpu.memory_space<semaphore_mem>>
      %dma_start3A_325 = tpu.memref_slice %arg5[%add3A_226] : memref<30720xi32, #tpu.memory_space<hbm>> -> memref<120xi32, #tpu.memory_space<hbm>>
      %dma_start3A_326 = tpu.memref_slice %arg5[%add3A_226] : memref<30720xi32, #tpu.memory_space<hbm>> -> memref<120xi32, #tpu.memory_space<hbm>>
      tpu.enqueue_dma source(%dma_start3A_326 : memref<120xi32, #tpu.memory_space<hbm>>) target(%arg10 : memref<120xi32, #tpu.memory_space<vmem>>) target_semaphore(%run_scoped3A : memref<!tpu.dma_semaphore, #tpu.memory_space<semaphore_mem>>)
      %dma_wait3A_327 = tpu.memref_slice %arg5[%add3A_226] : memref<30720xi32, #tpu.memory_space<hbm>> -> memref<120xi32, #tpu.memory_space<hbm>>
      %dma_wait3A_328 = tpu.memref_slice %arg5[%add3A_226] : memref<30720xi32, #tpu.memory_space<hbm>> -> memref<120xi32, #tpu.memory_space<hbm>>
      tpu.wait_dma2 semaphore(%run_scoped3A : memref<!tpu.dma_semaphore, #tpu.memory_space<semaphore_mem>>) src(%dma_wait3A_328 : memref<120xi32, #tpu.memory_space<hbm>>) dst(%arg10 : memref<120xi32, #tpu.memory_space<vmem>>)
      tpu.yield
    }) : () -> ()
    %dma_start3A_227 = arith.constant 0 : i32
    %dma_start3A_228 = arith.constant 0 : i32
    %dma_start3A_229 = tpu.memref_slice %arg4[%dma_start3A_227, %dma_start3A_228] : memref<1024x128xf32, #tpu.memory_space<hbm>> -> memref<1024x128xf32, #tpu.memory_space<hbm>>
    tpu.enqueue_indirect_dma source(%dma_start3A_229 : memref<1024x128xf32, #tpu.memory_space<hbm>>) target(%arg12 : memref<120x128xf32, #tpu.memory_space<vmem>>) offsets(%arg10 : memref<120xi32, #tpu.memory_space<vmem>>) semaphore(%arg16 : memref<!tpu.dma_semaphore, #tpu.memory_space<semaphore_mem>>)
    %add3A_230 = arith.constant 360 : i32
    %add3A_231 = arith.addi %mul3A_2, %add3A_230 : i32
    %dma_start3A_232 = arith.constant 0 : i32
    %dma_start3A_233 = tpu.memref_slice %arg8[%add3A_231, %dma_start3A_232] : memref<30720x128xf32, #tpu.memory_space<hbm>> -> memref<120x128xf32, #tpu.memory_space<hbm>>
    %dma_start3A_234 = arith.constant 0 : i32
    %dma_start3A_235 = tpu.memref_slice %arg8[%add3A_231, %dma_start3A_234] : memref<30720x128xf32, #tpu.memory_space<hbm>> -> memref<120x128xf32, #tpu.memory_space<hbm>>
    tpu.enqueue_dma source(%arg13 : memref<120x128xf32, #tpu.memory_space<vmem>>) target(%dma_start3A_235 : memref<120x128xf32, #tpu.memory_space<hbm>>) target_semaphore(%arg19 : memref<!tpu.dma_semaphore, #tpu.memory_space<semaphore_mem>>)
    %dma_wait3A_236 = arith.constant 0 : i32
    %dma_wait3A_237 = arith.constant 0 : i32
    %dma_wait3A_238 = tpu.memref_slice %arg4[%dma_wait3A_236, %dma_wait3A_237] : memref<1024x128xf32, #tpu.memory_space<hbm>> -> memref<1024x128xf32, #tpu.memory_space<hbm>>
    tpu.wait_indirect_dma semaphore(%arg16 : memref<!tpu.dma_semaphore, #tpu.memory_space<semaphore_mem>>) src(%dma_wait3A_238 : memref<1024x128xf32, #tpu.memory_space<hbm>>) dst(%arg12 : memref<120x128xf32, #tpu.memory_space<vmem>>)
    %dma_wait3A_239 = arith.constant 0 : i32
    %dma_wait3A_240 = arith.constant 0 : i32
    %dma_wait3A_241 = tpu.memref_slice %arg8[%dma_wait3A_239, %dma_wait3A_240] : memref<30720x128xf32, #tpu.memory_space<hbm>> -> memref<120x128xf32, #tpu.memory_space<hbm>>
    %dma_wait3A_242 = arith.constant 0 : i32
    %dma_wait3A_243 = arith.constant 0 : i32
    %dma_wait3A_244 = tpu.memref_slice %arg8[%dma_wait3A_242, %dma_wait3A_243] : memref<30720x128xf32, #tpu.memory_space<hbm>> -> memref<120x128xf32, #tpu.memory_space<hbm>>
    tpu.wait_dma2 semaphore(%arg19 : memref<!tpu.dma_semaphore, #tpu.memory_space<semaphore_mem>>) src(%arg13 : memref<120x128xf32, #tpu.memory_space<vmem>>) dst(%dma_wait3A_244 : memref<120x128xf32, #tpu.memory_space<hbm>>)
    %add3A_245 = arith.constant 600 : i32
    %add3A_246 = arith.addi %mul3A_2, %add3A_245 : i32
    "tpu.region"() ({
      %run_scoped3A = tpu.sem_alloc : memref<!tpu.dma_semaphore, #tpu.memory_space<semaphore_mem>>
      %dma_start3A_325 = tpu.memref_slice %arg5[%add3A_246] : memref<30720xi32, #tpu.memory_space<hbm>> -> memref<120xi32, #tpu.memory_space<hbm>>
      %dma_start3A_326 = tpu.memref_slice %arg5[%add3A_246] : memref<30720xi32, #tpu.memory_space<hbm>> -> memref<120xi32, #tpu.memory_space<hbm>>
      tpu.enqueue_dma source(%dma_start3A_326 : memref<120xi32, #tpu.memory_space<hbm>>) target(%arg11 : memref<120xi32, #tpu.memory_space<vmem>>) target_semaphore(%run_scoped3A : memref<!tpu.dma_semaphore, #tpu.memory_space<semaphore_mem>>)
      %dma_wait3A_327 = tpu.memref_slice %arg5[%add3A_246] : memref<30720xi32, #tpu.memory_space<hbm>> -> memref<120xi32, #tpu.memory_space<hbm>>
      %dma_wait3A_328 = tpu.memref_slice %arg5[%add3A_246] : memref<30720xi32, #tpu.memory_space<hbm>> -> memref<120xi32, #tpu.memory_space<hbm>>
      tpu.wait_dma2 semaphore(%run_scoped3A : memref<!tpu.dma_semaphore, #tpu.memory_space<semaphore_mem>>) src(%dma_wait3A_328 : memref<120xi32, #tpu.memory_space<hbm>>) dst(%arg11 : memref<120xi32, #tpu.memory_space<vmem>>)
      tpu.yield
    }) : () -> ()
    %dma_start3A_247 = arith.constant 0 : i32
    %dma_start3A_248 = arith.constant 0 : i32
    %dma_start3A_249 = tpu.memref_slice %arg4[%dma_start3A_247, %dma_start3A_248] : memref<1024x128xf32, #tpu.memory_space<hbm>> -> memref<1024x128xf32, #tpu.memory_space<hbm>>
    tpu.enqueue_indirect_dma source(%dma_start3A_249 : memref<1024x128xf32, #tpu.memory_space<hbm>>) target(%arg13 : memref<120x128xf32, #tpu.memory_space<vmem>>) offsets(%arg11 : memref<120xi32, #tpu.memory_space<vmem>>) semaphore(%arg17 : memref<!tpu.dma_semaphore, #tpu.memory_space<semaphore_mem>>)
    %add3A_250 = arith.constant 480 : i32
    %add3A_251 = arith.addi %mul3A_2, %add3A_250 : i32
    %dma_start3A_252 = arith.constant 0 : i32
    %dma_start3A_253 = tpu.memref_slice %arg8[%add3A_251, %dma_start3A_252] : memref<30720x128xf32, #tpu.memory_space<hbm>> -> memref<120x128xf32, #tpu.memory_space<hbm>>
    %dma_start3A_254 = arith.constant 0 : i32
    %dma_start3A_255 = tpu.memref_slice %arg8[%add3A_251, %dma_start3A_254] : memref<30720x128xf32, #tpu.memory_space<hbm>> -> memref<120x128xf32, #tpu.memory_space<hbm>>
    tpu.enqueue_dma source(%arg12 : memref<120x128xf32, #tpu.memory_space<vmem>>) target(%dma_start3A_255 : memref<120x128xf32, #tpu.memory_space<hbm>>) target_semaphore(%arg18 : memref<!tpu.dma_semaphore, #tpu.memory_space<semaphore_mem>>)
    %dma_wait3A_256 = arith.constant 0 : i32
    %dma_wait3A_257 = arith.constant 0 : i32
    %dma_wait3A_258 = tpu.memref_slice %arg4[%dma_wait3A_256, %dma_wait3A_257] : memref<1024x128xf32, #tpu.memory_space<hbm>> -> memref<1024x128xf32, #tpu.memory_space<hbm>>
    tpu.wait_indirect_dma semaphore(%arg17 : memref<!tpu.dma_semaphore, #tpu.memory_space<semaphore_mem>>) src(%dma_wait3A_258 : memref<1024x128xf32, #tpu.memory_space<hbm>>) dst(%arg13 : memref<120x128xf32, #tpu.memory_space<vmem>>)
    %dma_wait3A_259 = arith.constant 0 : i32
    %dma_wait3A_260 = arith.constant 0 : i32
    %dma_wait3A_261 = tpu.memref_slice %arg8[%dma_wait3A_259, %dma_wait3A_260] : memref<30720x128xf32, #tpu.memory_space<hbm>> -> memref<120x128xf32, #tpu.memory_space<hbm>>
    %dma_wait3A_262 = arith.constant 0 : i32
    %dma_wait3A_263 = arith.constant 0 : i32
    %dma_wait3A_264 = tpu.memref_slice %arg8[%dma_wait3A_262, %dma_wait3A_263] : memref<30720x128xf32, #tpu.memory_space<hbm>> -> memref<120x128xf32, #tpu.memory_space<hbm>>
    tpu.wait_dma2 semaphore(%arg18 : memref<!tpu.dma_semaphore, #tpu.memory_space<semaphore_mem>>) src(%arg12 : memref<120x128xf32, #tpu.memory_space<vmem>>) dst(%dma_wait3A_264 : memref<120x128xf32, #tpu.memory_space<hbm>>)
    %add3A_265 = arith.constant 720 : i32
    %add3A_266 = arith.addi %mul3A_2, %add3A_265 : i32
    "tpu.region"() ({
      %run_scoped3A = tpu.sem_alloc : memref<!tpu.dma_semaphore, #tpu.memory_space<semaphore_mem>>
      %dma_start3A_325 = tpu.memref_slice %arg5[%add3A_266] : memref<30720xi32, #tpu.memory_space<hbm>> -> memref<120xi32, #tpu.memory_space<hbm>>
      %dma_start3A_326 = tpu.memref_slice %arg5[%add3A_266] : memref<30720xi32, #tpu.memory_space<hbm>> -> memref<120xi32, #tpu.memory_space<hbm>>
      tpu.enqueue_dma source(%dma_start3A_326 : memref<120xi32, #tpu.memory_space<hbm>>) target(%arg10 : memref<120xi32, #tpu.memory_space<vmem>>) target_semaphore(%run_scoped3A : memref<!tpu.dma_semaphore, #tpu.memory_space<semaphore_mem>>)
      %dma_wait3A_327 = tpu.memref_slice %arg5[%add3A_266] : memref<30720xi32, #tpu.memory_space<hbm>> -> memref<120xi32, #tpu.memory_space<hbm>>
      %dma_wait3A_328 = tpu.memref_slice %arg5[%add3A_266] : memref<30720xi32, #tpu.memory_space<hbm>> -> memref<120xi32, #tpu.memory_space<hbm>>
      tpu.wait_dma2 semaphore(%run_scoped3A : memref<!tpu.dma_semaphore, #tpu.memory_space<semaphore_mem>>) src(%dma_wait3A_328 : memref<120xi32, #tpu.memory_space<hbm>>) dst(%arg10 : memref<120xi32, #tpu.memory_space<vmem>>)
      tpu.yield
    }) : () -> ()
    %dma_start3A_267 = arith.constant 0 : i32
    %dma_start3A_268 = arith.constant 0 : i32
    %dma_start3A_269 = tpu.memref_slice %arg4[%dma_start3A_267, %dma_start3A_268] : memref<1024x128xf32, #tpu.memory_space<hbm>> -> memref<1024x128xf32, #tpu.memory_space<hbm>>
    tpu.enqueue_indirect_dma source(%dma_start3A_269 : memref<1024x128xf32, #tpu.memory_space<hbm>>) target(%arg12 : memref<120x128xf32, #tpu.memory_space<vmem>>) offsets(%arg10 : memref<120xi32, #tpu.memory_space<vmem>>) semaphore(%arg16 : memref<!tpu.dma_semaphore, #tpu.memory_space<semaphore_mem>>)
    %add3A_270 = arith.constant 600 : i32
    %add3A_271 = arith.addi %mul3A_2, %add3A_270 : i32
    %dma_start3A_272 = arith.constant 0 : i32
    %dma_start3A_273 = tpu.memref_slice %arg8[%add3A_271, %dma_start3A_272] : memref<30720x128xf32, #tpu.memory_space<hbm>> -> memref<120x128xf32, #tpu.memory_space<hbm>>
    %dma_start3A_274 = arith.constant 0 : i32
    %dma_start3A_275 = tpu.memref_slice %arg8[%add3A_271, %dma_start3A_274] : memref<30720x128xf32, #tpu.memory_space<hbm>> -> memref<120x128xf32, #tpu.memory_space<hbm>>
    tpu.enqueue_dma source(%arg13 : memref<120x128xf32, #tpu.memory_space<vmem>>) target(%dma_start3A_275 : memref<120x128xf32, #tpu.memory_space<hbm>>) target_semaphore(%arg19 : memref<!tpu.dma_semaphore, #tpu.memory_space<semaphore_mem>>)
    %dma_wait3A_276 = arith.constant 0 : i32
    %dma_wait3A_277 = arith.constant 0 : i32
    %dma_wait3A_278 = tpu.memref_slice %arg4[%dma_wait3A_276, %dma_wait3A_277] : memref<1024x128xf32, #tpu.memory_space<hbm>> -> memref<1024x128xf32, #tpu.memory_space<hbm>>
    tpu.wait_indirect_dma semaphore(%arg16 : memref<!tpu.dma_semaphore, #tpu.memory_space<semaphore_mem>>) src(%dma_wait3A_278 : memref<1024x128xf32, #tpu.memory_space<hbm>>) dst(%arg12 : memref<120x128xf32, #tpu.memory_space<vmem>>)
    %dma_wait3A_279 = arith.constant 0 : i32
    %dma_wait3A_280 = arith.constant 0 : i32
    %dma_wait3A_281 = tpu.memref_slice %arg8[%dma_wait3A_279, %dma_wait3A_280] : memref<30720x128xf32, #tpu.memory_space<hbm>> -> memref<120x128xf32, #tpu.memory_space<hbm>>
    %dma_wait3A_282 = arith.constant 0 : i32
    %dma_wait3A_283 = arith.constant 0 : i32
    %dma_wait3A_284 = tpu.memref_slice %arg8[%dma_wait3A_282, %dma_wait3A_283] : memref<30720x128xf32, #tpu.memory_space<hbm>> -> memref<120x128xf32, #tpu.memory_space<hbm>>
    tpu.wait_dma2 semaphore(%arg19 : memref<!tpu.dma_semaphore, #tpu.memory_space<semaphore_mem>>) src(%arg13 : memref<120x128xf32, #tpu.memory_space<vmem>>) dst(%dma_wait3A_284 : memref<120x128xf32, #tpu.memory_space<hbm>>)
    %add3A_285 = arith.constant 840 : i32
    %add3A_286 = arith.addi %mul3A_2, %add3A_285 : i32
    "tpu.region"() ({
      %run_scoped3A = tpu.sem_alloc : memref<!tpu.dma_semaphore, #tpu.memory_space<semaphore_mem>>
      %dma_start3A_325 = tpu.memref_slice %arg5[%add3A_286] : memref<30720xi32, #tpu.memory_space<hbm>> -> memref<120xi32, #tpu.memory_space<hbm>>
      %dma_start3A_326 = tpu.memref_slice %arg5[%add3A_286] : memref<30720xi32, #tpu.memory_space<hbm>> -> memref<120xi32, #tpu.memory_space<hbm>>
      tpu.enqueue_dma source(%dma_start3A_326 : memref<120xi32, #tpu.memory_space<hbm>>) target(%arg11 : memref<120xi32, #tpu.memory_space<vmem>>) target_semaphore(%run_scoped3A : memref<!tpu.dma_semaphore, #tpu.memory_space<semaphore_mem>>)
      %dma_wait3A_327 = tpu.memref_slice %arg5[%add3A_286] : memref<30720xi32, #tpu.memory_space<hbm>> -> memref<120xi32, #tpu.memory_space<hbm>>
      %dma_wait3A_328 = tpu.memref_slice %arg5[%add3A_286] : memref<30720xi32, #tpu.memory_space<hbm>> -> memref<120xi32, #tpu.memory_space<hbm>>
      tpu.wait_dma2 semaphore(%run_scoped3A : memref<!tpu.dma_semaphore, #tpu.memory_space<semaphore_mem>>) src(%dma_wait3A_328 : memref<120xi32, #tpu.memory_space<hbm>>) dst(%arg11 : memref<120xi32, #tpu.memory_space<vmem>>)
      tpu.yield
    }) : () -> ()
    %dma_start3A_287 = arith.constant 0 : i32
    %dma_start3A_288 = arith.constant 0 : i32
    %dma_start3A_289 = tpu.memref_slice %arg4[%dma_start3A_287, %dma_start3A_288] : memref<1024x128xf32, #tpu.memory_space<hbm>> -> memref<1024x128xf32, #tpu.memory_space<hbm>>
    tpu.enqueue_indirect_dma source(%dma_start3A_289 : memref<1024x128xf32, #tpu.memory_space<hbm>>) target(%arg13 : memref<120x128xf32, #tpu.memory_space<vmem>>) offsets(%arg11 : memref<120xi32, #tpu.memory_space<vmem>>) semaphore(%arg17 : memref<!tpu.dma_semaphore, #tpu.memory_space<semaphore_mem>>)
    %add3A_290 = arith.constant 720 : i32
    %add3A_291 = arith.addi %mul3A_2, %add3A_290 : i32
    %dma_start3A_292 = arith.constant 0 : i32
    %dma_start3A_293 = tpu.memref_slice %arg8[%add3A_291, %dma_start3A_292] : memref<30720x128xf32, #tpu.memory_space<hbm>> -> memref<120x128xf32, #tpu.memory_space<hbm>>
    %dma_start3A_294 = arith.constant 0 : i32
    %dma_start3A_295 = tpu.memref_slice %arg8[%add3A_291, %dma_start3A_294] : memref<30720x128xf32, #tpu.memory_space<hbm>> -> memref<120x128xf32, #tpu.memory_space<hbm>>
    tpu.enqueue_dma source(%arg12 : memref<120x128xf32, #tpu.memory_space<vmem>>) target(%dma_start3A_295 : memref<120x128xf32, #tpu.memory_space<hbm>>) target_semaphore(%arg18 : memref<!tpu.dma_semaphore, #tpu.memory_space<semaphore_mem>>)
    %dma_wait3A_296 = arith.constant 0 : i32
    %dma_wait3A_297 = arith.constant 0 : i32
    %dma_wait3A_298 = tpu.memref_slice %arg4[%dma_wait3A_296, %dma_wait3A_297] : memref<1024x128xf32, #tpu.memory_space<hbm>> -> memref<1024x128xf32, #tpu.memory_space<hbm>>
    tpu.wait_indirect_dma semaphore(%arg17 : memref<!tpu.dma_semaphore, #tpu.memory_space<semaphore_mem>>) src(%dma_wait3A_298 : memref<1024x128xf32, #tpu.memory_space<hbm>>) dst(%arg13 : memref<120x128xf32, #tpu.memory_space<vmem>>)
    %dma_wait3A_299 = arith.constant 0 : i32
    %dma_wait3A_300 = arith.constant 0 : i32
    %dma_wait3A_301 = tpu.memref_slice %arg8[%dma_wait3A_299, %dma_wait3A_300] : memref<30720x128xf32, #tpu.memory_space<hbm>> -> memref<120x128xf32, #tpu.memory_space<hbm>>
    %dma_wait3A_302 = arith.constant 0 : i32
    %dma_wait3A_303 = arith.constant 0 : i32
    %dma_wait3A_304 = tpu.memref_slice %arg8[%dma_wait3A_302, %dma_wait3A_303] : memref<30720x128xf32, #tpu.memory_space<hbm>> -> memref<120x128xf32, #tpu.memory_space<hbm>>
    tpu.wait_dma2 semaphore(%arg18 : memref<!tpu.dma_semaphore, #tpu.memory_space<semaphore_mem>>) src(%arg12 : memref<120x128xf32, #tpu.memory_space<vmem>>) dst(%dma_wait3A_304 : memref<120x128xf32, #tpu.memory_space<hbm>>)
    %add3A_305 = arith.constant 840 : i32
    %add3A_306 = arith.addi %mul3A_2, %add3A_305 : i32
    %dma_start3A_307 = arith.constant 0 : i32
    %dma_start3A_308 = tpu.memref_slice %arg8[%add3A_306, %dma_start3A_307] : memref<30720x128xf32, #tpu.memory_space<hbm>> -> memref<120x128xf32, #tpu.memory_space<hbm>>
    %dma_start3A_309 = arith.constant 0 : i32
    %dma_start3A_310 = tpu.memref_slice %arg8[%add3A_306, %dma_start3A_309] : memref<30720x128xf32, #tpu.memory_space<hbm>> -> memref<120x128xf32, #tpu.memory_space<hbm>>
    tpu.enqueue_dma source(%arg13 : memref<120x128xf32, #tpu.memory_space<vmem>>) target(%dma_start3A_310 : memref<120x128xf32, #tpu.memory_space<hbm>>) target_semaphore(%arg19 : memref<!tpu.dma_semaphore, #tpu.memory_space<semaphore_mem>>)
    %dma_wait3A_311 = arith.constant 0 : i32
    %dma_wait3A_312 = arith.constant 0 : i32
    %dma_wait3A_313 = tpu.memref_slice %arg8[%dma_wait3A_311, %dma_wait3A_312] : memref<30720x128xf32, #tpu.memory_space<hbm>> -> memref<120x128xf32, #tpu.memory_space<hbm>>
    %dma_wait3A_314 = arith.constant 0 : i32
    %dma_wait3A_315 = arith.constant 0 : i32
    %dma_wait3A_316 = tpu.memref_slice %arg8[%dma_wait3A_314, %dma_wait3A_315] : memref<30720x128xf32, #tpu.memory_space<hbm>> -> memref<120x128xf32, #tpu.memory_space<hbm>>
    tpu.wait_dma2 semaphore(%arg19 : memref<!tpu.dma_semaphore, #tpu.memory_space<semaphore_mem>>) src(%arg13 : memref<120x128xf32, #tpu.memory_space<vmem>>) dst(%dma_wait3A_316 : memref<120x128xf32, #tpu.memory_space<hbm>>)
    %mul3A_317 = arith.constant 32 : i32
    %mul3A_318 = arith.muli %add3A, %mul3A_317 : i32
    "tpu.region"() ({
      %run_scoped3A = tpu.sem_alloc : memref<!tpu.dma_semaphore, #tpu.memory_space<semaphore_mem>>
      %dma_start3A_325 = tpu.memref_slice %arg6[%mul3A_318] : memref<1024xi32, #tpu.memory_space<hbm>> -> memref<32xi32, #tpu.memory_space<hbm>>
      %dma_start3A_326 = tpu.memref_slice %arg6[%mul3A_318] : memref<1024xi32, #tpu.memory_space<hbm>> -> memref<32xi32, #tpu.memory_space<hbm>>
      tpu.enqueue_dma source(%dma_start3A_326 : memref<32xi32, #tpu.memory_space<hbm>>) target(%arg14 : memref<32xi32, #tpu.memory_space<vmem>>) target_semaphore(%run_scoped3A : memref<!tpu.dma_semaphore, #tpu.memory_space<semaphore_mem>>)
      %dma_wait3A_327 = tpu.memref_slice %arg6[%mul3A_318] : memref<1024xi32, #tpu.memory_space<hbm>> -> memref<32xi32, #tpu.memory_space<hbm>>
      %dma_wait3A_328 = tpu.memref_slice %arg6[%mul3A_318] : memref<1024xi32, #tpu.memory_space<hbm>> -> memref<32xi32, #tpu.memory_space<hbm>>
      tpu.wait_dma2 semaphore(%run_scoped3A : memref<!tpu.dma_semaphore, #tpu.memory_space<semaphore_mem>>) src(%dma_wait3A_328 : memref<32xi32, #tpu.memory_space<hbm>>) dst(%arg14 : memref<32xi32, #tpu.memory_space<vmem>>)
      tpu.yield
    }) : () -> ()
    %dma_start3A_319 = arith.constant 0 : i32
    %dma_start3A_320 = arith.constant 0 : i32
    %dma_start3A_321 = tpu.memref_slice %arg4[%dma_start3A_319, %dma_start3A_320] : memref<1024x128xf32, #tpu.memory_space<hbm>> -> memref<1024x128xf32, #tpu.memory_space<hbm>>
    tpu.enqueue_indirect_dma source(%dma_start3A_321 : memref<1024x128xf32, #tpu.memory_space<hbm>>) target(%arg15 : memref<32x128xf32, #tpu.memory_space<vmem>>) offsets(%arg14 : memref<32xi32, #tpu.memory_space<vmem>>) semaphore(%arg16 : memref<!tpu.dma_semaphore, #tpu.memory_space<semaphore_mem>>)
    %dma_wait3A_322 = arith.constant 0 : i32
    %dma_wait3A_323 = arith.constant 0 : i32
    %dma_wait3A_324 = tpu.memref_slice %arg4[%dma_wait3A_322, %dma_wait3A_323] : memref<1024x128xf32, #tpu.memory_space<hbm>> -> memref<1024x128xf32, #tpu.memory_space<hbm>>
    tpu.wait_indirect_dma semaphore(%arg16 : memref<!tpu.dma_semaphore, #tpu.memory_space<semaphore_mem>>) src(%dma_wait3A_324 : memref<1024x128xf32, #tpu.memory_space<hbm>>) dst(%arg15 : memref<32x128xf32, #tpu.memory_space<vmem>>)
    "tpu.region"() ({
      %run_scoped3A = tpu.sem_alloc : memref<!tpu.dma_semaphore, #tpu.memory_space<semaphore_mem>>
      %dma_start3A_325 = arith.constant 0 : i32
      %dma_start3A_326 = tpu.memref_slice %arg9[%mul3A_318, %dma_start3A_325] : memref<1024x128xf32, #tpu.memory_space<hbm>> -> memref<32x128xf32, #tpu.memory_space<hbm>>
      %dma_start3A_327 = arith.constant 0 : i32
      %dma_start3A_328 = tpu.memref_slice %arg9[%mul3A_318, %dma_start3A_327] : memref<1024x128xf32, #tpu.memory_space<hbm>> -> memref<32x128xf32, #tpu.memory_space<hbm>>
      tpu.enqueue_dma source(%arg15 : memref<32x128xf32, #tpu.memory_space<vmem>>) target(%dma_start3A_328 : memref<32x128xf32, #tpu.memory_space<hbm>>) target_semaphore(%run_scoped3A : memref<!tpu.dma_semaphore, #tpu.memory_space<semaphore_mem>>)
      %dma_wait3A_329 = arith.constant 0 : i32
      %dma_wait3A_330 = tpu.memref_slice %arg9[%mul3A_318, %dma_wait3A_329] : memref<1024x128xf32, #tpu.memory_space<hbm>> -> memref<32x128xf32, #tpu.memory_space<hbm>>
      %dma_wait3A_331 = arith.constant 0 : i32
      %dma_wait3A_332 = tpu.memref_slice %arg9[%mul3A_318, %dma_wait3A_331] : memref<1024x128xf32, #tpu.memory_space<hbm>> -> memref<32x128xf32, #tpu.memory_space<hbm>>
      tpu.wait_dma2 semaphore(%run_scoped3A : memref<!tpu.dma_semaphore, #tpu.memory_space<semaphore_mem>>) src(%arg15 : memref<32x128xf32, #tpu.memory_space<vmem>>) dst(%dma_wait3A_332 : memref<32x128xf32, #tpu.memory_space<hbm>>)
      tpu.yield
    }) : () -> ()
    return
  }
}

module attributes {stable_mosaic.version = 14 : i64} {
  func.func @_topk_body(%arg0: i32, %arg1: memref<1x512x3xf32, #tpu.memory_space<vmem>>, %arg2: memref<1x3x512xf32, #tpu.memory_space<vmem>>, %arg3: memref<1x512x30xi32, #tpu.memory_space<vmem>>) attributes {dimension_semantics = [#tpu.dimension_semantics<arbitrary>], iteration_bounds = array<i64: 2>, scalar_prefetch = 0 : i64, scratch_operands = 0 : i64, tpu.core_type = #tpu.core_type<tc>, window_params = [{transform_indices = @transform_0, window_bounds = array<i64: 1, 512, 3>}, {transform_indices = @transform_1, window_bounds = array<i64: 1, 3, 512>}, {transform_indices = @transform_2, window_bounds = array<i64: 1, 512, 30>}]} {
    %get3A = arith.constant 0 : index
    %get3A_0 = arith.constant 0 : index
    %get3A_1 = arith.constant 0 : index
    %get3A_2 = vector.load %arg1[%get3A, %get3A_0, %get3A_1] : memref<1x512x3xf32, #tpu.memory_space<vmem>>, vector<1x512x1xf32>
    %get3A_3 = vector.shape_cast %get3A_2 : vector<1x512x1xf32> to vector<512x1xf32>
    %get3A_4 = arith.constant 0 : index
    %get3A_5 = arith.constant 0 : index
    %get3A_6 = arith.constant 0 : index
    %get3A_7 = vector.load %arg2[%get3A_4, %get3A_5, %get3A_6] : memref<1x3x512xf32, #tpu.memory_space<vmem>>, vector<1x1x512xf32>
    %get3A_8 = vector.shape_cast %get3A_7 : vector<1x1x512xf32> to vector<1x512xf32>
    %sub3A = vector.broadcast %get3A_3 : vector<512x1xf32> to vector<512x512xf32>
    %sub3A_9 = vector.broadcast %get3A_8 : vector<1x512xf32> to vector<512x512xf32>
    %sub3A_10 = arith.subf %sub3A, %sub3A_9 : vector<512x512xf32>
    %mul3A = arith.mulf %sub3A_10, %sub3A_10 : vector<512x512xf32>
    %get3A_11 = arith.constant 0 : index
    %get3A_12 = arith.constant 0 : index
    %get3A_13 = arith.constant 1 : index
    %get3A_14 = vector.load %arg1[%get3A_11, %get3A_12, %get3A_13] : memref<1x512x3xf32, #tpu.memory_space<vmem>>, vector<1x512x1xf32>
    %get3A_15 = vector.shape_cast %get3A_14 : vector<1x512x1xf32> to vector<512x1xf32>
    %get3A_16 = arith.constant 0 : index
    %get3A_17 = arith.constant 1 : index
    %get3A_18 = arith.constant 0 : index
    %get3A_19 = vector.load %arg2[%get3A_16, %get3A_17, %get3A_18] : memref<1x3x512xf32, #tpu.memory_space<vmem>>, vector<1x1x512xf32>
    %get3A_20 = vector.shape_cast %get3A_19 : vector<1x1x512xf32> to vector<1x512xf32>
    %sub3A_21 = vector.broadcast %get3A_15 : vector<512x1xf32> to vector<512x512xf32>
    %sub3A_22 = vector.broadcast %get3A_20 : vector<1x512xf32> to vector<512x512xf32>
    %sub3A_23 = arith.subf %sub3A_21, %sub3A_22 : vector<512x512xf32>
    %mul3A_24 = arith.mulf %sub3A_23, %sub3A_23 : vector<512x512xf32>
    %add3A = arith.addf %mul3A, %mul3A_24 : vector<512x512xf32>
    %get3A_25 = arith.constant 0 : index
    %get3A_26 = arith.constant 0 : index
    %get3A_27 = arith.constant 2 : index
    %get3A_28 = vector.load %arg1[%get3A_25, %get3A_26, %get3A_27] : memref<1x512x3xf32, #tpu.memory_space<vmem>>, vector<1x512x1xf32>
    %get3A_29 = vector.shape_cast %get3A_28 : vector<1x512x1xf32> to vector<512x1xf32>
    %get3A_30 = arith.constant 0 : index
    %get3A_31 = arith.constant 2 : index
    %get3A_32 = arith.constant 0 : index
    %get3A_33 = vector.load %arg2[%get3A_30, %get3A_31, %get3A_32] : memref<1x3x512xf32, #tpu.memory_space<vmem>>, vector<1x1x512xf32>
    %get3A_34 = vector.shape_cast %get3A_33 : vector<1x1x512xf32> to vector<1x512xf32>
    %sub3A_35 = vector.broadcast %get3A_29 : vector<512x1xf32> to vector<512x512xf32>
    %sub3A_36 = vector.broadcast %get3A_34 : vector<1x512xf32> to vector<512x512xf32>
    %sub3A_37 = arith.subf %sub3A_35, %sub3A_36 : vector<512x512xf32>
    %mul3A_38 = arith.mulf %sub3A_37, %sub3A_37 : vector<512x512xf32>
    %add3A_39 = arith.addf %add3A, %mul3A_38 : vector<512x512xf32>
    %add3A_40 = arith.constant 9.99999997E-7 : f32
    %add3A_41 = vector.broadcast %add3A_40 : f32 to vector<512x512xf32>
    %add3A_42 = arith.addf %add3A_39, %add3A_41 : vector<512x512xf32>
    %sqrt3A = math.sqrt %add3A_42 : vector<512x512xf32>
    %iota3A = tpu.iota {dimensions = array<i32: 1>} : vector<512x512xi32>
    %reduce_min3A = arith.constant dense<0x7F800000> : vector<512xf32>
    %reduce_min3A_43 = vector.multi_reduction <minimumf>, %sqrt3A, %reduce_min3A [1] : vector<512x512xf32> to vector<512xf32>
    %broadcast_in_dim3A = vector.shape_cast %reduce_min3A_43 : vector<512xf32> to vector<512x1xf32>
    %eq3A = vector.broadcast %broadcast_in_dim3A : vector<512x1xf32> to vector<512x512xf32>
    %eq3A_44 = arith.cmpf oeq, %sqrt3A, %eq3A : vector<512x512xf32>
    %jit3A = arith.constant 512 : i32
    %broadcast_in_dim3A_45 = vector.broadcast %jit3A : i32 to vector<512x512xi32>
    %select_n3A = arith.select %eq3A_44, %iota3A, %broadcast_in_dim3A_45 : vector<512x512xi1>, vector<512x512xi32>
    %reduce_min3A_46 = arith.constant dense<2147483647> : vector<512xi32>
    %reduce_min3A_47 = vector.multi_reduction <minsi>, %select_n3A, %reduce_min3A_46 [1] : vector<512x512xi32> to vector<512xi32>
    %broadcast_in_dim3A_48 = vector.shape_cast %reduce_min3A_47 : vector<512xi32> to vector<512x1xi32>
    %swap3A = arith.constant 0 : index
    %swap3A_49 = arith.constant 0 : index
    %swap3A_50 = arith.constant 0 : index
    %swap3A_51 = vector.load %arg3[%swap3A, %swap3A_49, %swap3A_50] : memref<1x512x30xi32, #tpu.memory_space<vmem>>, vector<1x512x1xi32>
    %swap3A_52 = vector.shape_cast %swap3A_51 : vector<1x512x1xi32> to vector<512x1xi32>
    %swap3A_53 = vector.shape_cast %broadcast_in_dim3A_48 : vector<512x1xi32> to vector<1x512x1xi32>
    tpu.vector_store %arg3[%swap3A, %swap3A_49, %swap3A_50], %swap3A_53 {strides = array<i32>} : memref<1x512x30xi32, #tpu.memory_space<vmem>>, vector<1x512x1xi32>,
    %eq3A_54 = vector.broadcast %broadcast_in_dim3A_48 : vector<512x1xi32> to vector<512x512xi32>
    %eq3A_55 = arith.cmpi eq, %iota3A, %eq3A_54 : vector<512x512xi32>
    %jit3A_56 = arith.constant 0x7F800000 : f32
    %broadcast_in_dim3A_57 = vector.broadcast %jit3A_56 : f32 to vector<512x512xf32>
    %select_n3A_58 = arith.select %eq3A_55, %broadcast_in_dim3A_57, %sqrt3A : vector<512x512xi1>, vector<512x512xf32>
    %reduce_min3A_59 = arith.constant dense<0x7F800000> : vector<512xf32>
    %reduce_min3A_60 = vector.multi_reduction <minimumf>, %select_n3A_58, %reduce_min3A_59 [1] : vector<512x512xf32> to vector<512xf32>
    %broadcast_in_dim3A_61 = vector.shape_cast %reduce_min3A_60 : vector<512xf32> to vector<512x1xf32>
    %eq3A_62 = vector.broadcast %broadcast_in_dim3A_61 : vector<512x1xf32> to vector<512x512xf32>
    %eq3A_63 = arith.cmpf oeq, %select_n3A_58, %eq3A_62 : vector<512x512xf32>
    %jit3A_64 = arith.constant 512 : i32
    %broadcast_in_dim3A_65 = vector.broadcast %jit3A_64 : i32 to vector<512x512xi32>
    %select_n3A_66 = arith.select %eq3A_63, %iota3A, %broadcast_in_dim3A_65 : vector<512x512xi1>, vector<512x512xi32>
    %reduce_min3A_67 = arith.constant dense<2147483647> : vector<512xi32>
    %reduce_min3A_68 = vector.multi_reduction <minsi>, %select_n3A_66, %reduce_min3A_67 [1] : vector<512x512xi32> to vector<512xi32>
    %broadcast_in_dim3A_69 = vector.shape_cast %reduce_min3A_68 : vector<512xi32> to vector<512x1xi32>
    %swap3A_70 = arith.constant 0 : index
    %swap3A_71 = arith.constant 0 : index
    %swap3A_72 = arith.constant 1 : index
    %swap3A_73 = vector.load %arg3[%swap3A_70, %swap3A_71, %swap3A_72] : memref<1x512x30xi32, #tpu.memory_space<vmem>>, vector<1x512x1xi32>
    %swap3A_74 = vector.shape_cast %swap3A_73 : vector<1x512x1xi32> to vector<512x1xi32>
    %swap3A_75 = vector.shape_cast %broadcast_in_dim3A_69 : vector<512x1xi32> to vector<1x512x1xi32>
    tpu.vector_store %arg3[%swap3A_70, %swap3A_71, %swap3A_72], %swap3A_75 {strides = array<i32>} : memref<1x512x30xi32, #tpu.memory_space<vmem>>, vector<1x512x1xi32>,
    %eq3A_76 = vector.broadcast %broadcast_in_dim3A_69 : vector<512x1xi32> to vector<512x512xi32>
    %eq3A_77 = arith.cmpi eq, %iota3A, %eq3A_76 : vector<512x512xi32>
    %jit3A_78 = arith.constant 0x7F800000 : f32
    %broadcast_in_dim3A_79 = vector.broadcast %jit3A_78 : f32 to vector<512x512xf32>
    %select_n3A_80 = arith.select %eq3A_77, %broadcast_in_dim3A_79, %select_n3A_58 : vector<512x512xi1>, vector<512x512xf32>
    %reduce_min3A_81 = arith.constant dense<0x7F800000> : vector<512xf32>
    %reduce_min3A_82 = vector.multi_reduction <minimumf>, %select_n3A_80, %reduce_min3A_81 [1] : vector<512x512xf32> to vector<512xf32>
    %broadcast_in_dim3A_83 = vector.shape_cast %reduce_min3A_82 : vector<512xf32> to vector<512x1xf32>
    %eq3A_84 = vector.broadcast %broadcast_in_dim3A_83 : vector<512x1xf32> to vector<512x512xf32>
    %eq3A_85 = arith.cmpf oeq, %select_n3A_80, %eq3A_84 : vector<512x512xf32>
    %jit3A_86 = arith.constant 512 : i32
    %broadcast_in_dim3A_87 = vector.broadcast %jit3A_86 : i32 to vector<512x512xi32>
    %select_n3A_88 = arith.select %eq3A_85, %iota3A, %broadcast_in_dim3A_87 : vector<512x512xi1>, vector<512x512xi32>
    %reduce_min3A_89 = arith.constant dense<2147483647> : vector<512xi32>
    %reduce_min3A_90 = vector.multi_reduction <minsi>, %select_n3A_88, %reduce_min3A_89 [1] : vector<512x512xi32> to vector<512xi32>
    %broadcast_in_dim3A_91 = vector.shape_cast %reduce_min3A_90 : vector<512xi32> to vector<512x1xi32>
    %swap3A_92 = arith.constant 0 : index
    %swap3A_93 = arith.constant 0 : index
    %swap3A_94 = arith.constant 2 : index
    %swap3A_95 = vector.load %arg3[%swap3A_92, %swap3A_93, %swap3A_94] : memref<1x512x30xi32, #tpu.memory_space<vmem>>, vector<1x512x1xi32>
    %swap3A_96 = vector.shape_cast %swap3A_95 : vector<1x512x1xi32> to vector<512x1xi32>
    %swap3A_97 = vector.shape_cast %broadcast_in_dim3A_91 : vector<512x1xi32> to vector<1x512x1xi32>
    tpu.vector_store %arg3[%swap3A_92, %swap3A_93, %swap3A_94], %swap3A_97 {strides = array<i32>} : memref<1x512x30xi32, #tpu.memory_space<vmem>>, vector<1x512x1xi32>,
    %eq3A_98 = vector.broadcast %broadcast_in_dim3A_91 : vector<512x1xi32> to vector<512x512xi32>
    %eq3A_99 = arith.cmpi eq, %iota3A, %eq3A_98 : vector<512x512xi32>
    %jit3A_100 = arith.constant 0x7F800000 : f32
    %broadcast_in_dim3A_101 = vector.broadcast %jit3A_100 : f32 to vector<512x512xf32>
    %select_n3A_102 = arith.select %eq3A_99, %broadcast_in_dim3A_101, %select_n3A_80 : vector<512x512xi1>, vector<512x512xf32>
    %reduce_min3A_103 = arith.constant dense<0x7F800000> : vector<512xf32>
    %reduce_min3A_104 = vector.multi_reduction <minimumf>, %select_n3A_102, %reduce_min3A_103 [1] : vector<512x512xf32> to vector<512xf32>
    %broadcast_in_dim3A_105 = vector.shape_cast %reduce_min3A_104 : vector<512xf32> to vector<512x1xf32>
    %eq3A_106 = vector.broadcast %broadcast_in_dim3A_105 : vector<512x1xf32> to vector<512x512xf32>
    %eq3A_107 = arith.cmpf oeq, %select_n3A_102, %eq3A_106 : vector<512x512xf32>
    %jit3A_108 = arith.constant 512 : i32
    %broadcast_in_dim3A_109 = vector.broadcast %jit3A_108 : i32 to vector<512x512xi32>
    %select_n3A_110 = arith.select %eq3A_107, %iota3A, %broadcast_in_dim3A_109 : vector<512x512xi1>, vector<512x512xi32>
    %reduce_min3A_111 = arith.constant dense<2147483647> : vector<512xi32>
    %reduce_min3A_112 = vector.multi_reduction <minsi>, %select_n3A_110, %reduce_min3A_111 [1] : vector<512x512xi32> to vector<512xi32>
    %broadcast_in_dim3A_113 = vector.shape_cast %reduce_min3A_112 : vector<512xi32> to vector<512x1xi32>
    %swap3A_114 = arith.constant 0 : index
    %swap3A_115 = arith.constant 0 : index
    %swap3A_116 = arith.constant 3 : index
    %swap3A_117 = vector.load %arg3[%swap3A_114, %swap3A_115, %swap3A_116] : memref<1x512x30xi32, #tpu.memory_space<vmem>>, vector<1x512x1xi32>
    %swap3A_118 = vector.shape_cast %swap3A_117 : vector<1x512x1xi32> to vector<512x1xi32>
    %swap3A_119 = vector.shape_cast %broadcast_in_dim3A_113 : vector<512x1xi32> to vector<1x512x1xi32>
    tpu.vector_store %arg3[%swap3A_114, %swap3A_115, %swap3A_116], %swap3A_119 {strides = array<i32>} : memref<1x512x30xi32, #tpu.memory_space<vmem>>, vector<1x512x1xi32>,
    %eq3A_120 = vector.broadcast %broadcast_in_dim3A_113 : vector<512x1xi32> to vector<512x512xi32>
    %eq3A_121 = arith.cmpi eq, %iota3A, %eq3A_120 : vector<512x512xi32>
    %jit3A_122 = arith.constant 0x7F800000 : f32
    %broadcast_in_dim3A_123 = vector.broadcast %jit3A_122 : f32 to vector<512x512xf32>
    %select_n3A_124 = arith.select %eq3A_121, %broadcast_in_dim3A_123, %select_n3A_102 : vector<512x512xi1>, vector<512x512xf32>
    %reduce_min3A_125 = arith.constant dense<0x7F800000> : vector<512xf32>
    %reduce_min3A_126 = vector.multi_reduction <minimumf>, %select_n3A_124, %reduce_min3A_125 [1] : vector<512x512xf32> to vector<512xf32>
    %broadcast_in_dim3A_127 = vector.shape_cast %reduce_min3A_126 : vector<512xf32> to vector<512x1xf32>
    %eq3A_128 = vector.broadcast %broadcast_in_dim3A_127 : vector<512x1xf32> to vector<512x512xf32>
    %eq3A_129 = arith.cmpf oeq, %select_n3A_124, %eq3A_128 : vector<512x512xf32>
    %jit3A_130 = arith.constant 512 : i32
    %broadcast_in_dim3A_131 = vector.broadcast %jit3A_130 : i32 to vector<512x512xi32>
    %select_n3A_132 = arith.select %eq3A_129, %iota3A, %broadcast_in_dim3A_131 : vector<512x512xi1>, vector<512x512xi32>
    %reduce_min3A_133 = arith.constant dense<2147483647> : vector<512xi32>
    %reduce_min3A_134 = vector.multi_reduction <minsi>, %select_n3A_132, %reduce_min3A_133 [1] : vector<512x512xi32> to vector<512xi32>
    %broadcast_in_dim3A_135 = vector.shape_cast %reduce_min3A_134 : vector<512xi32> to vector<512x1xi32>
    %swap3A_136 = arith.constant 0 : index
    %swap3A_137 = arith.constant 0 : index
    %swap3A_138 = arith.constant 4 : index
    %swap3A_139 = vector.load %arg3[%swap3A_136, %swap3A_137, %swap3A_138] : memref<1x512x30xi32, #tpu.memory_space<vmem>>, vector<1x512x1xi32>
    %swap3A_140 = vector.shape_cast %swap3A_139 : vector<1x512x1xi32> to vector<512x1xi32>
    %swap3A_141 = vector.shape_cast %broadcast_in_dim3A_135 : vector<512x1xi32> to vector<1x512x1xi32>
    tpu.vector_store %arg3[%swap3A_136, %swap3A_137, %swap3A_138], %swap3A_141 {strides = array<i32>} : memref<1x512x30xi32, #tpu.memory_space<vmem>>, vector<1x512x1xi32>,
    %eq3A_142 = vector.broadcast %broadcast_in_dim3A_135 : vector<512x1xi32> to vector<512x512xi32>
    %eq3A_143 = arith.cmpi eq, %iota3A, %eq3A_142 : vector<512x512xi32>
    %jit3A_144 = arith.constant 0x7F800000 : f32
    %broadcast_in_dim3A_145 = vector.broadcast %jit3A_144 : f32 to vector<512x512xf32>
    %select_n3A_146 = arith.select %eq3A_143, %broadcast_in_dim3A_145, %select_n3A_124 : vector<512x512xi1>, vector<512x512xf32>
    %reduce_min3A_147 = arith.constant dense<0x7F800000> : vector<512xf32>
    %reduce_min3A_148 = vector.multi_reduction <minimumf>, %select_n3A_146, %reduce_min3A_147 [1] : vector<512x512xf32> to vector<512xf32>
    %broadcast_in_dim3A_149 = vector.shape_cast %reduce_min3A_148 : vector<512xf32> to vector<512x1xf32>
    %eq3A_150 = vector.broadcast %broadcast_in_dim3A_149 : vector<512x1xf32> to vector<512x512xf32>
    %eq3A_151 = arith.cmpf oeq, %select_n3A_146, %eq3A_150 : vector<512x512xf32>
    %jit3A_152 = arith.constant 512 : i32
    %broadcast_in_dim3A_153 = vector.broadcast %jit3A_152 : i32 to vector<512x512xi32>
    %select_n3A_154 = arith.select %eq3A_151, %iota3A, %broadcast_in_dim3A_153 : vector<512x512xi1>, vector<512x512xi32>
    %reduce_min3A_155 = arith.constant dense<2147483647> : vector<512xi32>
    %reduce_min3A_156 = vector.multi_reduction <minsi>, %select_n3A_154, %reduce_min3A_155 [1] : vector<512x512xi32> to vector<512xi32>
    %broadcast_in_dim3A_157 = vector.shape_cast %reduce_min3A_156 : vector<512xi32> to vector<512x1xi32>
    %swap3A_158 = arith.constant 0 : index
    %swap3A_159 = arith.constant 0 : index
    %swap3A_160 = arith.constant 5 : index
    %swap3A_161 = vector.load %arg3[%swap3A_158, %swap3A_159, %swap3A_160] : memref<1x512x30xi32, #tpu.memory_space<vmem>>, vector<1x512x1xi32>
    %swap3A_162 = vector.shape_cast %swap3A_161 : vector<1x512x1xi32> to vector<512x1xi32>
    %swap3A_163 = vector.shape_cast %broadcast_in_dim3A_157 : vector<512x1xi32> to vector<1x512x1xi32>
    tpu.vector_store %arg3[%swap3A_158, %swap3A_159, %swap3A_160], %swap3A_163 {strides = array<i32>} : memref<1x512x30xi32, #tpu.memory_space<vmem>>, vector<1x512x1xi32>,
    %eq3A_164 = vector.broadcast %broadcast_in_dim3A_157 : vector<512x1xi32> to vector<512x512xi32>
    %eq3A_165 = arith.cmpi eq, %iota3A, %eq3A_164 : vector<512x512xi32>
    %jit3A_166 = arith.constant 0x7F800000 : f32
    %broadcast_in_dim3A_167 = vector.broadcast %jit3A_166 : f32 to vector<512x512xf32>
    %select_n3A_168 = arith.select %eq3A_165, %broadcast_in_dim3A_167, %select_n3A_146 : vector<512x512xi1>, vector<512x512xf32>
    %reduce_min3A_169 = arith.constant dense<0x7F800000> : vector<512xf32>
    %reduce_min3A_170 = vector.multi_reduction <minimumf>, %select_n3A_168, %reduce_min3A_169 [1] : vector<512x512xf32> to vector<512xf32>
    %broadcast_in_dim3A_171 = vector.shape_cast %reduce_min3A_170 : vector<512xf32> to vector<512x1xf32>
    %eq3A_172 = vector.broadcast %broadcast_in_dim3A_171 : vector<512x1xf32> to vector<512x512xf32>
    %eq3A_173 = arith.cmpf oeq, %select_n3A_168, %eq3A_172 : vector<512x512xf32>
    %jit3A_174 = arith.constant 512 : i32
    %broadcast_in_dim3A_175 = vector.broadcast %jit3A_174 : i32 to vector<512x512xi32>
    %select_n3A_176 = arith.select %eq3A_173, %iota3A, %broadcast_in_dim3A_175 : vector<512x512xi1>, vector<512x512xi32>
    %reduce_min3A_177 = arith.constant dense<2147483647> : vector<512xi32>
    %reduce_min3A_178 = vector.multi_reduction <minsi>, %select_n3A_176, %reduce_min3A_177 [1] : vector<512x512xi32> to vector<512xi32>
    %broadcast_in_dim3A_179 = vector.shape_cast %reduce_min3A_178 : vector<512xi32> to vector<512x1xi32>
    %swap3A_180 = arith.constant 0 : index
    %swap3A_181 = arith.constant 0 : index
    %swap3A_182 = arith.constant 6 : index
    %swap3A_183 = vector.load %arg3[%swap3A_180, %swap3A_181, %swap3A_182] : memref<1x512x30xi32, #tpu.memory_space<vmem>>, vector<1x512x1xi32>
    %swap3A_184 = vector.shape_cast %swap3A_183 : vector<1x512x1xi32> to vector<512x1xi32>
    %swap3A_185 = vector.shape_cast %broadcast_in_dim3A_179 : vector<512x1xi32> to vector<1x512x1xi32>
    tpu.vector_store %arg3[%swap3A_180, %swap3A_181, %swap3A_182], %swap3A_185 {strides = array<i32>} : memref<1x512x30xi32, #tpu.memory_space<vmem>>, vector<1x512x1xi32>,
    %eq3A_186 = vector.broadcast %broadcast_in_dim3A_179 : vector<512x1xi32> to vector<512x512xi32>
    %eq3A_187 = arith.cmpi eq, %iota3A, %eq3A_186 : vector<512x512xi32>
    %jit3A_188 = arith.constant 0x7F800000 : f32
    %broadcast_in_dim3A_189 = vector.broadcast %jit3A_188 : f32 to vector<512x512xf32>
    %select_n3A_190 = arith.select %eq3A_187, %broadcast_in_dim3A_189, %select_n3A_168 : vector<512x512xi1>, vector<512x512xf32>
    %reduce_min3A_191 = arith.constant dense<0x7F800000> : vector<512xf32>
    %reduce_min3A_192 = vector.multi_reduction <minimumf>, %select_n3A_190, %reduce_min3A_191 [1] : vector<512x512xf32> to vector<512xf32>
    %broadcast_in_dim3A_193 = vector.shape_cast %reduce_min3A_192 : vector<512xf32> to vector<512x1xf32>
    %eq3A_194 = vector.broadcast %broadcast_in_dim3A_193 : vector<512x1xf32> to vector<512x512xf32>
    %eq3A_195 = arith.cmpf oeq, %select_n3A_190, %eq3A_194 : vector<512x512xf32>
    %jit3A_196 = arith.constant 512 : i32
    %broadcast_in_dim3A_197 = vector.broadcast %jit3A_196 : i32 to vector<512x512xi32>
    %select_n3A_198 = arith.select %eq3A_195, %iota3A, %broadcast_in_dim3A_197 : vector<512x512xi1>, vector<512x512xi32>
    %reduce_min3A_199 = arith.constant dense<2147483647> : vector<512xi32>
    %reduce_min3A_200 = vector.multi_reduction <minsi>, %select_n3A_198, %reduce_min3A_199 [1] : vector<512x512xi32> to vector<512xi32>
    %broadcast_in_dim3A_201 = vector.shape_cast %reduce_min3A_200 : vector<512xi32> to vector<512x1xi32>
    %swap3A_202 = arith.constant 0 : index
    %swap3A_203 = arith.constant 0 : index
    %swap3A_204 = arith.constant 7 : index
    %swap3A_205 = vector.load %arg3[%swap3A_202, %swap3A_203, %swap3A_204] : memref<1x512x30xi32, #tpu.memory_space<vmem>>, vector<1x512x1xi32>
    %swap3A_206 = vector.shape_cast %swap3A_205 : vector<1x512x1xi32> to vector<512x1xi32>
    %swap3A_207 = vector.shape_cast %broadcast_in_dim3A_201 : vector<512x1xi32> to vector<1x512x1xi32>
    tpu.vector_store %arg3[%swap3A_202, %swap3A_203, %swap3A_204], %swap3A_207 {strides = array<i32>} : memref<1x512x30xi32, #tpu.memory_space<vmem>>, vector<1x512x1xi32>,
    %eq3A_208 = vector.broadcast %broadcast_in_dim3A_201 : vector<512x1xi32> to vector<512x512xi32>
    %eq3A_209 = arith.cmpi eq, %iota3A, %eq3A_208 : vector<512x512xi32>
    %jit3A_210 = arith.constant 0x7F800000 : f32
    %broadcast_in_dim3A_211 = vector.broadcast %jit3A_210 : f32 to vector<512x512xf32>
    %select_n3A_212 = arith.select %eq3A_209, %broadcast_in_dim3A_211, %select_n3A_190 : vector<512x512xi1>, vector<512x512xf32>
    %reduce_min3A_213 = arith.constant dense<0x7F800000> : vector<512xf32>
    %reduce_min3A_214 = vector.multi_reduction <minimumf>, %select_n3A_212, %reduce_min3A_213 [1] : vector<512x512xf32> to vector<512xf32>
    %broadcast_in_dim3A_215 = vector.shape_cast %reduce_min3A_214 : vector<512xf32> to vector<512x1xf32>
    %eq3A_216 = vector.broadcast %broadcast_in_dim3A_215 : vector<512x1xf32> to vector<512x512xf32>
    %eq3A_217 = arith.cmpf oeq, %select_n3A_212, %eq3A_216 : vector<512x512xf32>
    %jit3A_218 = arith.constant 512 : i32
    %broadcast_in_dim3A_219 = vector.broadcast %jit3A_218 : i32 to vector<512x512xi32>
    %select_n3A_220 = arith.select %eq3A_217, %iota3A, %broadcast_in_dim3A_219 : vector<512x512xi1>, vector<512x512xi32>
    %reduce_min3A_221 = arith.constant dense<2147483647> : vector<512xi32>
    %reduce_min3A_222 = vector.multi_reduction <minsi>, %select_n3A_220, %reduce_min3A_221 [1] : vector<512x512xi32> to vector<512xi32>
    %broadcast_in_dim3A_223 = vector.shape_cast %reduce_min3A_222 : vector<512xi32> to vector<512x1xi32>
    %swap3A_224 = arith.constant 0 : index
    %swap3A_225 = arith.constant 0 : index
    %swap3A_226 = arith.constant 8 : index
    %swap3A_227 = vector.load %arg3[%swap3A_224, %swap3A_225, %swap3A_226] : memref<1x512x30xi32, #tpu.memory_space<vmem>>, vector<1x512x1xi32>
    %swap3A_228 = vector.shape_cast %swap3A_227 : vector<1x512x1xi32> to vector<512x1xi32>
    %swap3A_229 = vector.shape_cast %broadcast_in_dim3A_223 : vector<512x1xi32> to vector<1x512x1xi32>
    tpu.vector_store %arg3[%swap3A_224, %swap3A_225, %swap3A_226], %swap3A_229 {strides = array<i32>} : memref<1x512x30xi32, #tpu.memory_space<vmem>>, vector<1x512x1xi32>,
    %eq3A_230 = vector.broadcast %broadcast_in_dim3A_223 : vector<512x1xi32> to vector<512x512xi32>
    %eq3A_231 = arith.cmpi eq, %iota3A, %eq3A_230 : vector<512x512xi32>
    %jit3A_232 = arith.constant 0x7F800000 : f32
    %broadcast_in_dim3A_233 = vector.broadcast %jit3A_232 : f32 to vector<512x512xf32>
    %select_n3A_234 = arith.select %eq3A_231, %broadcast_in_dim3A_233, %select_n3A_212 : vector<512x512xi1>, vector<512x512xf32>
    %reduce_min3A_235 = arith.constant dense<0x7F800000> : vector<512xf32>
    %reduce_min3A_236 = vector.multi_reduction <minimumf>, %select_n3A_234, %reduce_min3A_235 [1] : vector<512x512xf32> to vector<512xf32>
    %broadcast_in_dim3A_237 = vector.shape_cast %reduce_min3A_236 : vector<512xf32> to vector<512x1xf32>
    %eq3A_238 = vector.broadcast %broadcast_in_dim3A_237 : vector<512x1xf32> to vector<512x512xf32>
    %eq3A_239 = arith.cmpf oeq, %select_n3A_234, %eq3A_238 : vector<512x512xf32>
    %jit3A_240 = arith.constant 512 : i32
    %broadcast_in_dim3A_241 = vector.broadcast %jit3A_240 : i32 to vector<512x512xi32>
    %select_n3A_242 = arith.select %eq3A_239, %iota3A, %broadcast_in_dim3A_241 : vector<512x512xi1>, vector<512x512xi32>
    %reduce_min3A_243 = arith.constant dense<2147483647> : vector<512xi32>
    %reduce_min3A_244 = vector.multi_reduction <minsi>, %select_n3A_242, %reduce_min3A_243 [1] : vector<512x512xi32> to vector<512xi32>
    %broadcast_in_dim3A_245 = vector.shape_cast %reduce_min3A_244 : vector<512xi32> to vector<512x1xi32>
    %swap3A_246 = arith.constant 0 : index
    %swap3A_247 = arith.constant 0 : index
    %swap3A_248 = arith.constant 9 : index
    %swap3A_249 = vector.load %arg3[%swap3A_246, %swap3A_247, %swap3A_248] : memref<1x512x30xi32, #tpu.memory_space<vmem>>, vector<1x512x1xi32>
    %swap3A_250 = vector.shape_cast %swap3A_249 : vector<1x512x1xi32> to vector<512x1xi32>
    %swap3A_251 = vector.shape_cast %broadcast_in_dim3A_245 : vector<512x1xi32> to vector<1x512x1xi32>
    tpu.vector_store %arg3[%swap3A_246, %swap3A_247, %swap3A_248], %swap3A_251 {strides = array<i32>} : memref<1x512x30xi32, #tpu.memory_space<vmem>>, vector<1x512x1xi32>,
    %eq3A_252 = vector.broadcast %broadcast_in_dim3A_245 : vector<512x1xi32> to vector<512x512xi32>
    %eq3A_253 = arith.cmpi eq, %iota3A, %eq3A_252 : vector<512x512xi32>
    %jit3A_254 = arith.constant 0x7F800000 : f32
    %broadcast_in_dim3A_255 = vector.broadcast %jit3A_254 : f32 to vector<512x512xf32>
    %select_n3A_256 = arith.select %eq3A_253, %broadcast_in_dim3A_255, %select_n3A_234 : vector<512x512xi1>, vector<512x512xf32>
    %reduce_min3A_257 = arith.constant dense<0x7F800000> : vector<512xf32>
    %reduce_min3A_258 = vector.multi_reduction <minimumf>, %select_n3A_256, %reduce_min3A_257 [1] : vector<512x512xf32> to vector<512xf32>
    %broadcast_in_dim3A_259 = vector.shape_cast %reduce_min3A_258 : vector<512xf32> to vector<512x1xf32>
    %eq3A_260 = vector.broadcast %broadcast_in_dim3A_259 : vector<512x1xf32> to vector<512x512xf32>
    %eq3A_261 = arith.cmpf oeq, %select_n3A_256, %eq3A_260 : vector<512x512xf32>
    %jit3A_262 = arith.constant 512 : i32
    %broadcast_in_dim3A_263 = vector.broadcast %jit3A_262 : i32 to vector<512x512xi32>
    %select_n3A_264 = arith.select %eq3A_261, %iota3A, %broadcast_in_dim3A_263 : vector<512x512xi1>, vector<512x512xi32>
    %reduce_min3A_265 = arith.constant dense<2147483647> : vector<512xi32>
    %reduce_min3A_266 = vector.multi_reduction <minsi>, %select_n3A_264, %reduce_min3A_265 [1] : vector<512x512xi32> to vector<512xi32>
    %broadcast_in_dim3A_267 = vector.shape_cast %reduce_min3A_266 : vector<512xi32> to vector<512x1xi32>
    %swap3A_268 = arith.constant 0 : index
    %swap3A_269 = arith.constant 0 : index
    %swap3A_270 = arith.constant 10 : index
    %swap3A_271 = vector.load %arg3[%swap3A_268, %swap3A_269, %swap3A_270] : memref<1x512x30xi32, #tpu.memory_space<vmem>>, vector<1x512x1xi32>
    %swap3A_272 = vector.shape_cast %swap3A_271 : vector<1x512x1xi32> to vector<512x1xi32>
    %swap3A_273 = vector.shape_cast %broadcast_in_dim3A_267 : vector<512x1xi32> to vector<1x512x1xi32>
    tpu.vector_store %arg3[%swap3A_268, %swap3A_269, %swap3A_270], %swap3A_273 {strides = array<i32>} : memref<1x512x30xi32, #tpu.memory_space<vmem>>, vector<1x512x1xi32>,
    %eq3A_274 = vector.broadcast %broadcast_in_dim3A_267 : vector<512x1xi32> to vector<512x512xi32>
    %eq3A_275 = arith.cmpi eq, %iota3A, %eq3A_274 : vector<512x512xi32>
    %jit3A_276 = arith.constant 0x7F800000 : f32
    %broadcast_in_dim3A_277 = vector.broadcast %jit3A_276 : f32 to vector<512x512xf32>
    %select_n3A_278 = arith.select %eq3A_275, %broadcast_in_dim3A_277, %select_n3A_256 : vector<512x512xi1>, vector<512x512xf32>
    %reduce_min3A_279 = arith.constant dense<0x7F800000> : vector<512xf32>
    %reduce_min3A_280 = vector.multi_reduction <minimumf>, %select_n3A_278, %reduce_min3A_279 [1] : vector<512x512xf32> to vector<512xf32>
    %broadcast_in_dim3A_281 = vector.shape_cast %reduce_min3A_280 : vector<512xf32> to vector<512x1xf32>
    %eq3A_282 = vector.broadcast %broadcast_in_dim3A_281 : vector<512x1xf32> to vector<512x512xf32>
    %eq3A_283 = arith.cmpf oeq, %select_n3A_278, %eq3A_282 : vector<512x512xf32>
    %jit3A_284 = arith.constant 512 : i32
    %broadcast_in_dim3A_285 = vector.broadcast %jit3A_284 : i32 to vector<512x512xi32>
    %select_n3A_286 = arith.select %eq3A_283, %iota3A, %broadcast_in_dim3A_285 : vector<512x512xi1>, vector<512x512xi32>
    %reduce_min3A_287 = arith.constant dense<2147483647> : vector<512xi32>
    %reduce_min3A_288 = vector.multi_reduction <minsi>, %select_n3A_286, %reduce_min3A_287 [1] : vector<512x512xi32> to vector<512xi32>
    %broadcast_in_dim3A_289 = vector.shape_cast %reduce_min3A_288 : vector<512xi32> to vector<512x1xi32>
    %swap3A_290 = arith.constant 0 : index
    %swap3A_291 = arith.constant 0 : index
    %swap3A_292 = arith.constant 11 : index
    %swap3A_293 = vector.load %arg3[%swap3A_290, %swap3A_291, %swap3A_292] : memref<1x512x30xi32, #tpu.memory_space<vmem>>, vector<1x512x1xi32>
    %swap3A_294 = vector.shape_cast %swap3A_293 : vector<1x512x1xi32> to vector<512x1xi32>
    %swap3A_295 = vector.shape_cast %broadcast_in_dim3A_289 : vector<512x1xi32> to vector<1x512x1xi32>
    tpu.vector_store %arg3[%swap3A_290, %swap3A_291, %swap3A_292], %swap3A_295 {strides = array<i32>} : memref<1x512x30xi32, #tpu.memory_space<vmem>>, vector<1x512x1xi32>,
    %eq3A_296 = vector.broadcast %broadcast_in_dim3A_289 : vector<512x1xi32> to vector<512x512xi32>
    %eq3A_297 = arith.cmpi eq, %iota3A, %eq3A_296 : vector<512x512xi32>
    %jit3A_298 = arith.constant 0x7F800000 : f32
    %broadcast_in_dim3A_299 = vector.broadcast %jit3A_298 : f32 to vector<512x512xf32>
    %select_n3A_300 = arith.select %eq3A_297, %broadcast_in_dim3A_299, %select_n3A_278 : vector<512x512xi1>, vector<512x512xf32>
    %reduce_min3A_301 = arith.constant dense<0x7F800000> : vector<512xf32>
    %reduce_min3A_302 = vector.multi_reduction <minimumf>, %select_n3A_300, %reduce_min3A_301 [1] : vector<512x512xf32> to vector<512xf32>
    %broadcast_in_dim3A_303 = vector.shape_cast %reduce_min3A_302 : vector<512xf32> to vector<512x1xf32>
    %eq3A_304 = vector.broadcast %broadcast_in_dim3A_303 : vector<512x1xf32> to vector<512x512xf32>
    %eq3A_305 = arith.cmpf oeq, %select_n3A_300, %eq3A_304 : vector<512x512xf32>
    %jit3A_306 = arith.constant 512 : i32
    %broadcast_in_dim3A_307 = vector.broadcast %jit3A_306 : i32 to vector<512x512xi32>
    %select_n3A_308 = arith.select %eq3A_305, %iota3A, %broadcast_in_dim3A_307 : vector<512x512xi1>, vector<512x512xi32>
    %reduce_min3A_309 = arith.constant dense<2147483647> : vector<512xi32>
    %reduce_min3A_310 = vector.multi_reduction <minsi>, %select_n3A_308, %reduce_min3A_309 [1] : vector<512x512xi32> to vector<512xi32>
    %broadcast_in_dim3A_311 = vector.shape_cast %reduce_min3A_310 : vector<512xi32> to vector<512x1xi32>
    %swap3A_312 = arith.constant 0 : index
    %swap3A_313 = arith.constant 0 : index
    %swap3A_314 = arith.constant 12 : index
    %swap3A_315 = vector.load %arg3[%swap3A_312, %swap3A_313, %swap3A_314] : memref<1x512x30xi32, #tpu.memory_space<vmem>>, vector<1x512x1xi32>
    %swap3A_316 = vector.shape_cast %swap3A_315 : vector<1x512x1xi32> to vector<512x1xi32>
    %swap3A_317 = vector.shape_cast %broadcast_in_dim3A_311 : vector<512x1xi32> to vector<1x512x1xi32>
    tpu.vector_store %arg3[%swap3A_312, %swap3A_313, %swap3A_314], %swap3A_317 {strides = array<i32>} : memref<1x512x30xi32, #tpu.memory_space<vmem>>, vector<1x512x1xi32>,
    %eq3A_318 = vector.broadcast %broadcast_in_dim3A_311 : vector<512x1xi32> to vector<512x512xi32>
    %eq3A_319 = arith.cmpi eq, %iota3A, %eq3A_318 : vector<512x512xi32>
    %jit3A_320 = arith.constant 0x7F800000 : f32
    %broadcast_in_dim3A_321 = vector.broadcast %jit3A_320 : f32 to vector<512x512xf32>
    %select_n3A_322 = arith.select %eq3A_319, %broadcast_in_dim3A_321, %select_n3A_300 : vector<512x512xi1>, vector<512x512xf32>
    %reduce_min3A_323 = arith.constant dense<0x7F800000> : vector<512xf32>
    %reduce_min3A_324 = vector.multi_reduction <minimumf>, %select_n3A_322, %reduce_min3A_323 [1] : vector<512x512xf32> to vector<512xf32>
    %broadcast_in_dim3A_325 = vector.shape_cast %reduce_min3A_324 : vector<512xf32> to vector<512x1xf32>
    %eq3A_326 = vector.broadcast %broadcast_in_dim3A_325 : vector<512x1xf32> to vector<512x512xf32>
    %eq3A_327 = arith.cmpf oeq, %select_n3A_322, %eq3A_326 : vector<512x512xf32>
    %jit3A_328 = arith.constant 512 : i32
    %broadcast_in_dim3A_329 = vector.broadcast %jit3A_328 : i32 to vector<512x512xi32>
    %select_n3A_330 = arith.select %eq3A_327, %iota3A, %broadcast_in_dim3A_329 : vector<512x512xi1>, vector<512x512xi32>
    %reduce_min3A_331 = arith.constant dense<2147483647> : vector<512xi32>
    %reduce_min3A_332 = vector.multi_reduction <minsi>, %select_n3A_330, %reduce_min3A_331 [1] : vector<512x512xi32> to vector<512xi32>
    %broadcast_in_dim3A_333 = vector.shape_cast %reduce_min3A_332 : vector<512xi32> to vector<512x1xi32>
    %swap3A_334 = arith.constant 0 : index
    %swap3A_335 = arith.constant 0 : index
    %swap3A_336 = arith.constant 13 : index
    %swap3A_337 = vector.load %arg3[%swap3A_334, %swap3A_335, %swap3A_336] : memref<1x512x30xi32, #tpu.memory_space<vmem>>, vector<1x512x1xi32>
    %swap3A_338 = vector.shape_cast %swap3A_337 : vector<1x512x1xi32> to vector<512x1xi32>
    %swap3A_339 = vector.shape_cast %broadcast_in_dim3A_333 : vector<512x1xi32> to vector<1x512x1xi32>
    tpu.vector_store %arg3[%swap3A_334, %swap3A_335, %swap3A_336], %swap3A_339 {strides = array<i32>} : memref<1x512x30xi32, #tpu.memory_space<vmem>>, vector<1x512x1xi32>,
    %eq3A_340 = vector.broadcast %broadcast_in_dim3A_333 : vector<512x1xi32> to vector<512x512xi32>
    %eq3A_341 = arith.cmpi eq, %iota3A, %eq3A_340 : vector<512x512xi32>
    %jit3A_342 = arith.constant 0x7F800000 : f32
    %broadcast_in_dim3A_343 = vector.broadcast %jit3A_342 : f32 to vector<512x512xf32>
    %select_n3A_344 = arith.select %eq3A_341, %broadcast_in_dim3A_343, %select_n3A_322 : vector<512x512xi1>, vector<512x512xf32>
    %reduce_min3A_345 = arith.constant dense<0x7F800000> : vector<512xf32>
    %reduce_min3A_346 = vector.multi_reduction <minimumf>, %select_n3A_344, %reduce_min3A_345 [1] : vector<512x512xf32> to vector<512xf32>
    %broadcast_in_dim3A_347 = vector.shape_cast %reduce_min3A_346 : vector<512xf32> to vector<512x1xf32>
    %eq3A_348 = vector.broadcast %broadcast_in_dim3A_347 : vector<512x1xf32> to vector<512x512xf32>
    %eq3A_349 = arith.cmpf oeq, %select_n3A_344, %eq3A_348 : vector<512x512xf32>
    %jit3A_350 = arith.constant 512 : i32
    %broadcast_in_dim3A_351 = vector.broadcast %jit3A_350 : i32 to vector<512x512xi32>
    %select_n3A_352 = arith.select %eq3A_349, %iota3A, %broadcast_in_dim3A_351 : vector<512x512xi1>, vector<512x512xi32>
    %reduce_min3A_353 = arith.constant dense<2147483647> : vector<512xi32>
    %reduce_min3A_354 = vector.multi_reduction <minsi>, %select_n3A_352, %reduce_min3A_353 [1] : vector<512x512xi32> to vector<512xi32>
    %broadcast_in_dim3A_355 = vector.shape_cast %reduce_min3A_354 : vector<512xi32> to vector<512x1xi32>
    %swap3A_356 = arith.constant 0 : index
    %swap3A_357 = arith.constant 0 : index
    %swap3A_358 = arith.constant 14 : index
    %swap3A_359 = vector.load %arg3[%swap3A_356, %swap3A_357, %swap3A_358] : memref<1x512x30xi32, #tpu.memory_space<vmem>>, vector<1x512x1xi32>
    %swap3A_360 = vector.shape_cast %swap3A_359 : vector<1x512x1xi32> to vector<512x1xi32>
    %swap3A_361 = vector.shape_cast %broadcast_in_dim3A_355 : vector<512x1xi32> to vector<1x512x1xi32>
    tpu.vector_store %arg3[%swap3A_356, %swap3A_357, %swap3A_358], %swap3A_361 {strides = array<i32>} : memref<1x512x30xi32, #tpu.memory_space<vmem>>, vector<1x512x1xi32>,
    %eq3A_362 = vector.broadcast %broadcast_in_dim3A_355 : vector<512x1xi32> to vector<512x512xi32>
    %eq3A_363 = arith.cmpi eq, %iota3A, %eq3A_362 : vector<512x512xi32>
    %jit3A_364 = arith.constant 0x7F800000 : f32
    %broadcast_in_dim3A_365 = vector.broadcast %jit3A_364 : f32 to vector<512x512xf32>
    %select_n3A_366 = arith.select %eq3A_363, %broadcast_in_dim3A_365, %select_n3A_344 : vector<512x512xi1>, vector<512x512xf32>
    %reduce_min3A_367 = arith.constant dense<0x7F800000> : vector<512xf32>
    %reduce_min3A_368 = vector.multi_reduction <minimumf>, %select_n3A_366, %reduce_min3A_367 [1] : vector<512x512xf32> to vector<512xf32>
    %broadcast_in_dim3A_369 = vector.shape_cast %reduce_min3A_368 : vector<512xf32> to vector<512x1xf32>
    %eq3A_370 = vector.broadcast %broadcast_in_dim3A_369 : vector<512x1xf32> to vector<512x512xf32>
    %eq3A_371 = arith.cmpf oeq, %select_n3A_366, %eq3A_370 : vector<512x512xf32>
    %jit3A_372 = arith.constant 512 : i32
    %broadcast_in_dim3A_373 = vector.broadcast %jit3A_372 : i32 to vector<512x512xi32>
    %select_n3A_374 = arith.select %eq3A_371, %iota3A, %broadcast_in_dim3A_373 : vector<512x512xi1>, vector<512x512xi32>
    %reduce_min3A_375 = arith.constant dense<2147483647> : vector<512xi32>
    %reduce_min3A_376 = vector.multi_reduction <minsi>, %select_n3A_374, %reduce_min3A_375 [1] : vector<512x512xi32> to vector<512xi32>
    %broadcast_in_dim3A_377 = vector.shape_cast %reduce_min3A_376 : vector<512xi32> to vector<512x1xi32>
    %swap3A_378 = arith.constant 0 : index
    %swap3A_379 = arith.constant 0 : index
    %swap3A_380 = arith.constant 15 : index
    %swap3A_381 = vector.load %arg3[%swap3A_378, %swap3A_379, %swap3A_380] : memref<1x512x30xi32, #tpu.memory_space<vmem>>, vector<1x512x1xi32>
    %swap3A_382 = vector.shape_cast %swap3A_381 : vector<1x512x1xi32> to vector<512x1xi32>
    %swap3A_383 = vector.shape_cast %broadcast_in_dim3A_377 : vector<512x1xi32> to vector<1x512x1xi32>
    tpu.vector_store %arg3[%swap3A_378, %swap3A_379, %swap3A_380], %swap3A_383 {strides = array<i32>} : memref<1x512x30xi32, #tpu.memory_space<vmem>>, vector<1x512x1xi32>,
    %eq3A_384 = vector.broadcast %broadcast_in_dim3A_377 : vector<512x1xi32> to vector<512x512xi32>
    %eq3A_385 = arith.cmpi eq, %iota3A, %eq3A_384 : vector<512x512xi32>
    %jit3A_386 = arith.constant 0x7F800000 : f32
    %broadcast_in_dim3A_387 = vector.broadcast %jit3A_386 : f32 to vector<512x512xf32>
    %select_n3A_388 = arith.select %eq3A_385, %broadcast_in_dim3A_387, %select_n3A_366 : vector<512x512xi1>, vector<512x512xf32>
    %reduce_min3A_389 = arith.constant dense<0x7F800000> : vector<512xf32>
    %reduce_min3A_390 = vector.multi_reduction <minimumf>, %select_n3A_388, %reduce_min3A_389 [1] : vector<512x512xf32> to vector<512xf32>
    %broadcast_in_dim3A_391 = vector.shape_cast %reduce_min3A_390 : vector<512xf32> to vector<512x1xf32>
    %eq3A_392 = vector.broadcast %broadcast_in_dim3A_391 : vector<512x1xf32> to vector<512x512xf32>
    %eq3A_393 = arith.cmpf oeq, %select_n3A_388, %eq3A_392 : vector<512x512xf32>
    %jit3A_394 = arith.constant 512 : i32
    %broadcast_in_dim3A_395 = vector.broadcast %jit3A_394 : i32 to vector<512x512xi32>
    %select_n3A_396 = arith.select %eq3A_393, %iota3A, %broadcast_in_dim3A_395 : vector<512x512xi1>, vector<512x512xi32>
    %reduce_min3A_397 = arith.constant dense<2147483647> : vector<512xi32>
    %reduce_min3A_398 = vector.multi_reduction <minsi>, %select_n3A_396, %reduce_min3A_397 [1] : vector<512x512xi32> to vector<512xi32>
    %broadcast_in_dim3A_399 = vector.shape_cast %reduce_min3A_398 : vector<512xi32> to vector<512x1xi32>
    %swap3A_400 = arith.constant 0 : index
    %swap3A_401 = arith.constant 0 : index
    %swap3A_402 = arith.constant 16 : index
    %swap3A_403 = vector.load %arg3[%swap3A_400, %swap3A_401, %swap3A_402] : memref<1x512x30xi32, #tpu.memory_space<vmem>>, vector<1x512x1xi32>
    %swap3A_404 = vector.shape_cast %swap3A_403 : vector<1x512x1xi32> to vector<512x1xi32>
    %swap3A_405 = vector.shape_cast %broadcast_in_dim3A_399 : vector<512x1xi32> to vector<1x512x1xi32>
    tpu.vector_store %arg3[%swap3A_400, %swap3A_401, %swap3A_402], %swap3A_405 {strides = array<i32>} : memref<1x512x30xi32, #tpu.memory_space<vmem>>, vector<1x512x1xi32>,
    %eq3A_406 = vector.broadcast %broadcast_in_dim3A_399 : vector<512x1xi32> to vector<512x512xi32>
    %eq3A_407 = arith.cmpi eq, %iota3A, %eq3A_406 : vector<512x512xi32>
    %jit3A_408 = arith.constant 0x7F800000 : f32
    %broadcast_in_dim3A_409 = vector.broadcast %jit3A_408 : f32 to vector<512x512xf32>
    %select_n3A_410 = arith.select %eq3A_407, %broadcast_in_dim3A_409, %select_n3A_388 : vector<512x512xi1>, vector<512x512xf32>
    %reduce_min3A_411 = arith.constant dense<0x7F800000> : vector<512xf32>
    %reduce_min3A_412 = vector.multi_reduction <minimumf>, %select_n3A_410, %reduce_min3A_411 [1] : vector<512x512xf32> to vector<512xf32>
    %broadcast_in_dim3A_413 = vector.shape_cast %reduce_min3A_412 : vector<512xf32> to vector<512x1xf32>
    %eq3A_414 = vector.broadcast %broadcast_in_dim3A_413 : vector<512x1xf32> to vector<512x512xf32>
    %eq3A_415 = arith.cmpf oeq, %select_n3A_410, %eq3A_414 : vector<512x512xf32>
    %jit3A_416 = arith.constant 512 : i32
    %broadcast_in_dim3A_417 = vector.broadcast %jit3A_416 : i32 to vector<512x512xi32>
    %select_n3A_418 = arith.select %eq3A_415, %iota3A, %broadcast_in_dim3A_417 : vector<512x512xi1>, vector<512x512xi32>
    %reduce_min3A_419 = arith.constant dense<2147483647> : vector<512xi32>
    %reduce_min3A_420 = vector.multi_reduction <minsi>, %select_n3A_418, %reduce_min3A_419 [1] : vector<512x512xi32> to vector<512xi32>
    %broadcast_in_dim3A_421 = vector.shape_cast %reduce_min3A_420 : vector<512xi32> to vector<512x1xi32>
    %swap3A_422 = arith.constant 0 : index
    %swap3A_423 = arith.constant 0 : index
    %swap3A_424 = arith.constant 17 : index
    %swap3A_425 = vector.load %arg3[%swap3A_422, %swap3A_423, %swap3A_424] : memref<1x512x30xi32, #tpu.memory_space<vmem>>, vector<1x512x1xi32>
    %swap3A_426 = vector.shape_cast %swap3A_425 : vector<1x512x1xi32> to vector<512x1xi32>
    %swap3A_427 = vector.shape_cast %broadcast_in_dim3A_421 : vector<512x1xi32> to vector<1x512x1xi32>
    tpu.vector_store %arg3[%swap3A_422, %swap3A_423, %swap3A_424], %swap3A_427 {strides = array<i32>} : memref<1x512x30xi32, #tpu.memory_space<vmem>>, vector<1x512x1xi32>,
    %eq3A_428 = vector.broadcast %broadcast_in_dim3A_421 : vector<512x1xi32> to vector<512x512xi32>
    %eq3A_429 = arith.cmpi eq, %iota3A, %eq3A_428 : vector<512x512xi32>
    %jit3A_430 = arith.constant 0x7F800000 : f32
    %broadcast_in_dim3A_431 = vector.broadcast %jit3A_430 : f32 to vector<512x512xf32>
    %select_n3A_432 = arith.select %eq3A_429, %broadcast_in_dim3A_431, %select_n3A_410 : vector<512x512xi1>, vector<512x512xf32>
    %reduce_min3A_433 = arith.constant dense<0x7F800000> : vector<512xf32>
    %reduce_min3A_434 = vector.multi_reduction <minimumf>, %select_n3A_432, %reduce_min3A_433 [1] : vector<512x512xf32> to vector<512xf32>
    %broadcast_in_dim3A_435 = vector.shape_cast %reduce_min3A_434 : vector<512xf32> to vector<512x1xf32>
    %eq3A_436 = vector.broadcast %broadcast_in_dim3A_435 : vector<512x1xf32> to vector<512x512xf32>
    %eq3A_437 = arith.cmpf oeq, %select_n3A_432, %eq3A_436 : vector<512x512xf32>
    %jit3A_438 = arith.constant 512 : i32
    %broadcast_in_dim3A_439 = vector.broadcast %jit3A_438 : i32 to vector<512x512xi32>
    %select_n3A_440 = arith.select %eq3A_437, %iota3A, %broadcast_in_dim3A_439 : vector<512x512xi1>, vector<512x512xi32>
    %reduce_min3A_441 = arith.constant dense<2147483647> : vector<512xi32>
    %reduce_min3A_442 = vector.multi_reduction <minsi>, %select_n3A_440, %reduce_min3A_441 [1] : vector<512x512xi32> to vector<512xi32>
    %broadcast_in_dim3A_443 = vector.shape_cast %reduce_min3A_442 : vector<512xi32> to vector<512x1xi32>
    %swap3A_444 = arith.constant 0 : index
    %swap3A_445 = arith.constant 0 : index
    %swap3A_446 = arith.constant 18 : index
    %swap3A_447 = vector.load %arg3[%swap3A_444, %swap3A_445, %swap3A_446] : memref<1x512x30xi32, #tpu.memory_space<vmem>>, vector<1x512x1xi32>
    %swap3A_448 = vector.shape_cast %swap3A_447 : vector<1x512x1xi32> to vector<512x1xi32>
    %swap3A_449 = vector.shape_cast %broadcast_in_dim3A_443 : vector<512x1xi32> to vector<1x512x1xi32>
    tpu.vector_store %arg3[%swap3A_444, %swap3A_445, %swap3A_446], %swap3A_449 {strides = array<i32>} : memref<1x512x30xi32, #tpu.memory_space<vmem>>, vector<1x512x1xi32>,
    %eq3A_450 = vector.broadcast %broadcast_in_dim3A_443 : vector<512x1xi32> to vector<512x512xi32>
    %eq3A_451 = arith.cmpi eq, %iota3A, %eq3A_450 : vector<512x512xi32>
    %jit3A_452 = arith.constant 0x7F800000 : f32
    %broadcast_in_dim3A_453 = vector.broadcast %jit3A_452 : f32 to vector<512x512xf32>
    %select_n3A_454 = arith.select %eq3A_451, %broadcast_in_dim3A_453, %select_n3A_432 : vector<512x512xi1>, vector<512x512xf32>
    %reduce_min3A_455 = arith.constant dense<0x7F800000> : vector<512xf32>
    %reduce_min3A_456 = vector.multi_reduction <minimumf>, %select_n3A_454, %reduce_min3A_455 [1] : vector<512x512xf32> to vector<512xf32>
    %broadcast_in_dim3A_457 = vector.shape_cast %reduce_min3A_456 : vector<512xf32> to vector<512x1xf32>
    %eq3A_458 = vector.broadcast %broadcast_in_dim3A_457 : vector<512x1xf32> to vector<512x512xf32>
    %eq3A_459 = arith.cmpf oeq, %select_n3A_454, %eq3A_458 : vector<512x512xf32>
    %jit3A_460 = arith.constant 512 : i32
    %broadcast_in_dim3A_461 = vector.broadcast %jit3A_460 : i32 to vector<512x512xi32>
    %select_n3A_462 = arith.select %eq3A_459, %iota3A, %broadcast_in_dim3A_461 : vector<512x512xi1>, vector<512x512xi32>
    %reduce_min3A_463 = arith.constant dense<2147483647> : vector<512xi32>
    %reduce_min3A_464 = vector.multi_reduction <minsi>, %select_n3A_462, %reduce_min3A_463 [1] : vector<512x512xi32> to vector<512xi32>
    %broadcast_in_dim3A_465 = vector.shape_cast %reduce_min3A_464 : vector<512xi32> to vector<512x1xi32>
    %swap3A_466 = arith.constant 0 : index
    %swap3A_467 = arith.constant 0 : index
    %swap3A_468 = arith.constant 19 : index
    %swap3A_469 = vector.load %arg3[%swap3A_466, %swap3A_467, %swap3A_468] : memref<1x512x30xi32, #tpu.memory_space<vmem>>, vector<1x512x1xi32>
    %swap3A_470 = vector.shape_cast %swap3A_469 : vector<1x512x1xi32> to vector<512x1xi32>
    %swap3A_471 = vector.shape_cast %broadcast_in_dim3A_465 : vector<512x1xi32> to vector<1x512x1xi32>
    tpu.vector_store %arg3[%swap3A_466, %swap3A_467, %swap3A_468], %swap3A_471 {strides = array<i32>} : memref<1x512x30xi32, #tpu.memory_space<vmem>>, vector<1x512x1xi32>,
    %eq3A_472 = vector.broadcast %broadcast_in_dim3A_465 : vector<512x1xi32> to vector<512x512xi32>
    %eq3A_473 = arith.cmpi eq, %iota3A, %eq3A_472 : vector<512x512xi32>
    %jit3A_474 = arith.constant 0x7F800000 : f32
    %broadcast_in_dim3A_475 = vector.broadcast %jit3A_474 : f32 to vector<512x512xf32>
    %select_n3A_476 = arith.select %eq3A_473, %broadcast_in_dim3A_475, %select_n3A_454 : vector<512x512xi1>, vector<512x512xf32>
    %reduce_min3A_477 = arith.constant dense<0x7F800000> : vector<512xf32>
    %reduce_min3A_478 = vector.multi_reduction <minimumf>, %select_n3A_476, %reduce_min3A_477 [1] : vector<512x512xf32> to vector<512xf32>
    %broadcast_in_dim3A_479 = vector.shape_cast %reduce_min3A_478 : vector<512xf32> to vector<512x1xf32>
    %eq3A_480 = vector.broadcast %broadcast_in_dim3A_479 : vector<512x1xf32> to vector<512x512xf32>
    %eq3A_481 = arith.cmpf oeq, %select_n3A_476, %eq3A_480 : vector<512x512xf32>
    %jit3A_482 = arith.constant 512 : i32
    %broadcast_in_dim3A_483 = vector.broadcast %jit3A_482 : i32 to vector<512x512xi32>
    %select_n3A_484 = arith.select %eq3A_481, %iota3A, %broadcast_in_dim3A_483 : vector<512x512xi1>, vector<512x512xi32>
    %reduce_min3A_485 = arith.constant dense<2147483647> : vector<512xi32>
    %reduce_min3A_486 = vector.multi_reduction <minsi>, %select_n3A_484, %reduce_min3A_485 [1] : vector<512x512xi32> to vector<512xi32>
    %broadcast_in_dim3A_487 = vector.shape_cast %reduce_min3A_486 : vector<512xi32> to vector<512x1xi32>
    %swap3A_488 = arith.constant 0 : index
    %swap3A_489 = arith.constant 0 : index
    %swap3A_490 = arith.constant 20 : index
    %swap3A_491 = vector.load %arg3[%swap3A_488, %swap3A_489, %swap3A_490] : memref<1x512x30xi32, #tpu.memory_space<vmem>>, vector<1x512x1xi32>
    %swap3A_492 = vector.shape_cast %swap3A_491 : vector<1x512x1xi32> to vector<512x1xi32>
    %swap3A_493 = vector.shape_cast %broadcast_in_dim3A_487 : vector<512x1xi32> to vector<1x512x1xi32>
    tpu.vector_store %arg3[%swap3A_488, %swap3A_489, %swap3A_490], %swap3A_493 {strides = array<i32>} : memref<1x512x30xi32, #tpu.memory_space<vmem>>, vector<1x512x1xi32>,
    %eq3A_494 = vector.broadcast %broadcast_in_dim3A_487 : vector<512x1xi32> to vector<512x512xi32>
    %eq3A_495 = arith.cmpi eq, %iota3A, %eq3A_494 : vector<512x512xi32>
    %jit3A_496 = arith.constant 0x7F800000 : f32
    %broadcast_in_dim3A_497 = vector.broadcast %jit3A_496 : f32 to vector<512x512xf32>
    %select_n3A_498 = arith.select %eq3A_495, %broadcast_in_dim3A_497, %select_n3A_476 : vector<512x512xi1>, vector<512x512xf32>
    %reduce_min3A_499 = arith.constant dense<0x7F800000> : vector<512xf32>
    %reduce_min3A_500 = vector.multi_reduction <minimumf>, %select_n3A_498, %reduce_min3A_499 [1] : vector<512x512xf32> to vector<512xf32>
    %broadcast_in_dim3A_501 = vector.shape_cast %reduce_min3A_500 : vector<512xf32> to vector<512x1xf32>
    %eq3A_502 = vector.broadcast %broadcast_in_dim3A_501 : vector<512x1xf32> to vector<512x512xf32>
    %eq3A_503 = arith.cmpf oeq, %select_n3A_498, %eq3A_502 : vector<512x512xf32>
    %jit3A_504 = arith.constant 512 : i32
    %broadcast_in_dim3A_505 = vector.broadcast %jit3A_504 : i32 to vector<512x512xi32>
    %select_n3A_506 = arith.select %eq3A_503, %iota3A, %broadcast_in_dim3A_505 : vector<512x512xi1>, vector<512x512xi32>
    %reduce_min3A_507 = arith.constant dense<2147483647> : vector<512xi32>
    %reduce_min3A_508 = vector.multi_reduction <minsi>, %select_n3A_506, %reduce_min3A_507 [1] : vector<512x512xi32> to vector<512xi32>
    %broadcast_in_dim3A_509 = vector.shape_cast %reduce_min3A_508 : vector<512xi32> to vector<512x1xi32>
    %swap3A_510 = arith.constant 0 : index
    %swap3A_511 = arith.constant 0 : index
    %swap3A_512 = arith.constant 21 : index
    %swap3A_513 = vector.load %arg3[%swap3A_510, %swap3A_511, %swap3A_512] : memref<1x512x30xi32, #tpu.memory_space<vmem>>, vector<1x512x1xi32>
    %swap3A_514 = vector.shape_cast %swap3A_513 : vector<1x512x1xi32> to vector<512x1xi32>
    %swap3A_515 = vector.shape_cast %broadcast_in_dim3A_509 : vector<512x1xi32> to vector<1x512x1xi32>
    tpu.vector_store %arg3[%swap3A_510, %swap3A_511, %swap3A_512], %swap3A_515 {strides = array<i32>} : memref<1x512x30xi32, #tpu.memory_space<vmem>>, vector<1x512x1xi32>,
    %eq3A_516 = vector.broadcast %broadcast_in_dim3A_509 : vector<512x1xi32> to vector<512x512xi32>
    %eq3A_517 = arith.cmpi eq, %iota3A, %eq3A_516 : vector<512x512xi32>
    %jit3A_518 = arith.constant 0x7F800000 : f32
    %broadcast_in_dim3A_519 = vector.broadcast %jit3A_518 : f32 to vector<512x512xf32>
    %select_n3A_520 = arith.select %eq3A_517, %broadcast_in_dim3A_519, %select_n3A_498 : vector<512x512xi1>, vector<512x512xf32>
    %reduce_min3A_521 = arith.constant dense<0x7F800000> : vector<512xf32>
    %reduce_min3A_522 = vector.multi_reduction <minimumf>, %select_n3A_520, %reduce_min3A_521 [1] : vector<512x512xf32> to vector<512xf32>
    %broadcast_in_dim3A_523 = vector.shape_cast %reduce_min3A_522 : vector<512xf32> to vector<512x1xf32>
    %eq3A_524 = vector.broadcast %broadcast_in_dim3A_523 : vector<512x1xf32> to vector<512x512xf32>
    %eq3A_525 = arith.cmpf oeq, %select_n3A_520, %eq3A_524 : vector<512x512xf32>
    %jit3A_526 = arith.constant 512 : i32
    %broadcast_in_dim3A_527 = vector.broadcast %jit3A_526 : i32 to vector<512x512xi32>
    %select_n3A_528 = arith.select %eq3A_525, %iota3A, %broadcast_in_dim3A_527 : vector<512x512xi1>, vector<512x512xi32>
    %reduce_min3A_529 = arith.constant dense<2147483647> : vector<512xi32>
    %reduce_min3A_530 = vector.multi_reduction <minsi>, %select_n3A_528, %reduce_min3A_529 [1] : vector<512x512xi32> to vector<512xi32>
    %broadcast_in_dim3A_531 = vector.shape_cast %reduce_min3A_530 : vector<512xi32> to vector<512x1xi32>
    %swap3A_532 = arith.constant 0 : index
    %swap3A_533 = arith.constant 0 : index
    %swap3A_534 = arith.constant 22 : index
    %swap3A_535 = vector.load %arg3[%swap3A_532, %swap3A_533, %swap3A_534] : memref<1x512x30xi32, #tpu.memory_space<vmem>>, vector<1x512x1xi32>
    %swap3A_536 = vector.shape_cast %swap3A_535 : vector<1x512x1xi32> to vector<512x1xi32>
    %swap3A_537 = vector.shape_cast %broadcast_in_dim3A_531 : vector<512x1xi32> to vector<1x512x1xi32>
    tpu.vector_store %arg3[%swap3A_532, %swap3A_533, %swap3A_534], %swap3A_537 {strides = array<i32>} : memref<1x512x30xi32, #tpu.memory_space<vmem>>, vector<1x512x1xi32>,
    %eq3A_538 = vector.broadcast %broadcast_in_dim3A_531 : vector<512x1xi32> to vector<512x512xi32>
    %eq3A_539 = arith.cmpi eq, %iota3A, %eq3A_538 : vector<512x512xi32>
    %jit3A_540 = arith.constant 0x7F800000 : f32
    %broadcast_in_dim3A_541 = vector.broadcast %jit3A_540 : f32 to vector<512x512xf32>
    %select_n3A_542 = arith.select %eq3A_539, %broadcast_in_dim3A_541, %select_n3A_520 : vector<512x512xi1>, vector<512x512xf32>
    %reduce_min3A_543 = arith.constant dense<0x7F800000> : vector<512xf32>
    %reduce_min3A_544 = vector.multi_reduction <minimumf>, %select_n3A_542, %reduce_min3A_543 [1] : vector<512x512xf32> to vector<512xf32>
    %broadcast_in_dim3A_545 = vector.shape_cast %reduce_min3A_544 : vector<512xf32> to vector<512x1xf32>
    %eq3A_546 = vector.broadcast %broadcast_in_dim3A_545 : vector<512x1xf32> to vector<512x512xf32>
    %eq3A_547 = arith.cmpf oeq, %select_n3A_542, %eq3A_546 : vector<512x512xf32>
    %jit3A_548 = arith.constant 512 : i32
    %broadcast_in_dim3A_549 = vector.broadcast %jit3A_548 : i32 to vector<512x512xi32>
    %select_n3A_550 = arith.select %eq3A_547, %iota3A, %broadcast_in_dim3A_549 : vector<512x512xi1>, vector<512x512xi32>
    %reduce_min3A_551 = arith.constant dense<2147483647> : vector<512xi32>
    %reduce_min3A_552 = vector.multi_reduction <minsi>, %select_n3A_550, %reduce_min3A_551 [1] : vector<512x512xi32> to vector<512xi32>
    %broadcast_in_dim3A_553 = vector.shape_cast %reduce_min3A_552 : vector<512xi32> to vector<512x1xi32>
    %swap3A_554 = arith.constant 0 : index
    %swap3A_555 = arith.constant 0 : index
    %swap3A_556 = arith.constant 23 : index
    %swap3A_557 = vector.load %arg3[%swap3A_554, %swap3A_555, %swap3A_556] : memref<1x512x30xi32, #tpu.memory_space<vmem>>, vector<1x512x1xi32>
    %swap3A_558 = vector.shape_cast %swap3A_557 : vector<1x512x1xi32> to vector<512x1xi32>
    %swap3A_559 = vector.shape_cast %broadcast_in_dim3A_553 : vector<512x1xi32> to vector<1x512x1xi32>
    tpu.vector_store %arg3[%swap3A_554, %swap3A_555, %swap3A_556], %swap3A_559 {strides = array<i32>} : memref<1x512x30xi32, #tpu.memory_space<vmem>>, vector<1x512x1xi32>,
    %eq3A_560 = vector.broadcast %broadcast_in_dim3A_553 : vector<512x1xi32> to vector<512x512xi32>
    %eq3A_561 = arith.cmpi eq, %iota3A, %eq3A_560 : vector<512x512xi32>
    %jit3A_562 = arith.constant 0x7F800000 : f32
    %broadcast_in_dim3A_563 = vector.broadcast %jit3A_562 : f32 to vector<512x512xf32>
    %select_n3A_564 = arith.select %eq3A_561, %broadcast_in_dim3A_563, %select_n3A_542 : vector<512x512xi1>, vector<512x512xf32>
    %reduce_min3A_565 = arith.constant dense<0x7F800000> : vector<512xf32>
    %reduce_min3A_566 = vector.multi_reduction <minimumf>, %select_n3A_564, %reduce_min3A_565 [1] : vector<512x512xf32> to vector<512xf32>
    %broadcast_in_dim3A_567 = vector.shape_cast %reduce_min3A_566 : vector<512xf32> to vector<512x1xf32>
    %eq3A_568 = vector.broadcast %broadcast_in_dim3A_567 : vector<512x1xf32> to vector<512x512xf32>
    %eq3A_569 = arith.cmpf oeq, %select_n3A_564, %eq3A_568 : vector<512x512xf32>
    %jit3A_570 = arith.constant 512 : i32
    %broadcast_in_dim3A_571 = vector.broadcast %jit3A_570 : i32 to vector<512x512xi32>
    %select_n3A_572 = arith.select %eq3A_569, %iota3A, %broadcast_in_dim3A_571 : vector<512x512xi1>, vector<512x512xi32>
    %reduce_min3A_573 = arith.constant dense<2147483647> : vector<512xi32>
    %reduce_min3A_574 = vector.multi_reduction <minsi>, %select_n3A_572, %reduce_min3A_573 [1] : vector<512x512xi32> to vector<512xi32>
    %broadcast_in_dim3A_575 = vector.shape_cast %reduce_min3A_574 : vector<512xi32> to vector<512x1xi32>
    %swap3A_576 = arith.constant 0 : index
    %swap3A_577 = arith.constant 0 : index
    %swap3A_578 = arith.constant 24 : index
    %swap3A_579 = vector.load %arg3[%swap3A_576, %swap3A_577, %swap3A_578] : memref<1x512x30xi32, #tpu.memory_space<vmem>>, vector<1x512x1xi32>
    %swap3A_580 = vector.shape_cast %swap3A_579 : vector<1x512x1xi32> to vector<512x1xi32>
    %swap3A_581 = vector.shape_cast %broadcast_in_dim3A_575 : vector<512x1xi32> to vector<1x512x1xi32>
    tpu.vector_store %arg3[%swap3A_576, %swap3A_577, %swap3A_578], %swap3A_581 {strides = array<i32>} : memref<1x512x30xi32, #tpu.memory_space<vmem>>, vector<1x512x1xi32>,
    %eq3A_582 = vector.broadcast %broadcast_in_dim3A_575 : vector<512x1xi32> to vector<512x512xi32>
    %eq3A_583 = arith.cmpi eq, %iota3A, %eq3A_582 : vector<512x512xi32>
    %jit3A_584 = arith.constant 0x7F800000 : f32
    %broadcast_in_dim3A_585 = vector.broadcast %jit3A_584 : f32 to vector<512x512xf32>
    %select_n3A_586 = arith.select %eq3A_583, %broadcast_in_dim3A_585, %select_n3A_564 : vector<512x512xi1>, vector<512x512xf32>
    %reduce_min3A_587 = arith.constant dense<0x7F800000> : vector<512xf32>
    %reduce_min3A_588 = vector.multi_reduction <minimumf>, %select_n3A_586, %reduce_min3A_587 [1] : vector<512x512xf32> to vector<512xf32>
    %broadcast_in_dim3A_589 = vector.shape_cast %reduce_min3A_588 : vector<512xf32> to vector<512x1xf32>
    %eq3A_590 = vector.broadcast %broadcast_in_dim3A_589 : vector<512x1xf32> to vector<512x512xf32>
    %eq3A_591 = arith.cmpf oeq, %select_n3A_586, %eq3A_590 : vector<512x512xf32>
    %jit3A_592 = arith.constant 512 : i32
    %broadcast_in_dim3A_593 = vector.broadcast %jit3A_592 : i32 to vector<512x512xi32>
    %select_n3A_594 = arith.select %eq3A_591, %iota3A, %broadcast_in_dim3A_593 : vector<512x512xi1>, vector<512x512xi32>
    %reduce_min3A_595 = arith.constant dense<2147483647> : vector<512xi32>
    %reduce_min3A_596 = vector.multi_reduction <minsi>, %select_n3A_594, %reduce_min3A_595 [1] : vector<512x512xi32> to vector<512xi32>
    %broadcast_in_dim3A_597 = vector.shape_cast %reduce_min3A_596 : vector<512xi32> to vector<512x1xi32>
    %swap3A_598 = arith.constant 0 : index
    %swap3A_599 = arith.constant 0 : index
    %swap3A_600 = arith.constant 25 : index
    %swap3A_601 = vector.load %arg3[%swap3A_598, %swap3A_599, %swap3A_600] : memref<1x512x30xi32, #tpu.memory_space<vmem>>, vector<1x512x1xi32>
    %swap3A_602 = vector.shape_cast %swap3A_601 : vector<1x512x1xi32> to vector<512x1xi32>
    %swap3A_603 = vector.shape_cast %broadcast_in_dim3A_597 : vector<512x1xi32> to vector<1x512x1xi32>
    tpu.vector_store %arg3[%swap3A_598, %swap3A_599, %swap3A_600], %swap3A_603 {strides = array<i32>} : memref<1x512x30xi32, #tpu.memory_space<vmem>>, vector<1x512x1xi32>,
    %eq3A_604 = vector.broadcast %broadcast_in_dim3A_597 : vector<512x1xi32> to vector<512x512xi32>
    %eq3A_605 = arith.cmpi eq, %iota3A, %eq3A_604 : vector<512x512xi32>
    %jit3A_606 = arith.constant 0x7F800000 : f32
    %broadcast_in_dim3A_607 = vector.broadcast %jit3A_606 : f32 to vector<512x512xf32>
    %select_n3A_608 = arith.select %eq3A_605, %broadcast_in_dim3A_607, %select_n3A_586 : vector<512x512xi1>, vector<512x512xf32>
    %reduce_min3A_609 = arith.constant dense<0x7F800000> : vector<512xf32>
    %reduce_min3A_610 = vector.multi_reduction <minimumf>, %select_n3A_608, %reduce_min3A_609 [1] : vector<512x512xf32> to vector<512xf32>
    %broadcast_in_dim3A_611 = vector.shape_cast %reduce_min3A_610 : vector<512xf32> to vector<512x1xf32>
    %eq3A_612 = vector.broadcast %broadcast_in_dim3A_611 : vector<512x1xf32> to vector<512x512xf32>
    %eq3A_613 = arith.cmpf oeq, %select_n3A_608, %eq3A_612 : vector<512x512xf32>
    %jit3A_614 = arith.constant 512 : i32
    %broadcast_in_dim3A_615 = vector.broadcast %jit3A_614 : i32 to vector<512x512xi32>
    %select_n3A_616 = arith.select %eq3A_613, %iota3A, %broadcast_in_dim3A_615 : vector<512x512xi1>, vector<512x512xi32>
    %reduce_min3A_617 = arith.constant dense<2147483647> : vector<512xi32>
    %reduce_min3A_618 = vector.multi_reduction <minsi>, %select_n3A_616, %reduce_min3A_617 [1] : vector<512x512xi32> to vector<512xi32>
    %broadcast_in_dim3A_619 = vector.shape_cast %reduce_min3A_618 : vector<512xi32> to vector<512x1xi32>
    %swap3A_620 = arith.constant 0 : index
    %swap3A_621 = arith.constant 0 : index
    %swap3A_622 = arith.constant 26 : index
    %swap3A_623 = vector.load %arg3[%swap3A_620, %swap3A_621, %swap3A_622] : memref<1x512x30xi32, #tpu.memory_space<vmem>>, vector<1x512x1xi32>
    %swap3A_624 = vector.shape_cast %swap3A_623 : vector<1x512x1xi32> to vector<512x1xi32>
    %swap3A_625 = vector.shape_cast %broadcast_in_dim3A_619 : vector<512x1xi32> to vector<1x512x1xi32>
    tpu.vector_store %arg3[%swap3A_620, %swap3A_621, %swap3A_622], %swap3A_625 {strides = array<i32>} : memref<1x512x30xi32, #tpu.memory_space<vmem>>, vector<1x512x1xi32>,
    %eq3A_626 = vector.broadcast %broadcast_in_dim3A_619 : vector<512x1xi32> to vector<512x512xi32>
    %eq3A_627 = arith.cmpi eq, %iota3A, %eq3A_626 : vector<512x512xi32>
    %jit3A_628 = arith.constant 0x7F800000 : f32
    %broadcast_in_dim3A_629 = vector.broadcast %jit3A_628 : f32 to vector<512x512xf32>
    %select_n3A_630 = arith.select %eq3A_627, %broadcast_in_dim3A_629, %select_n3A_608 : vector<512x512xi1>, vector<512x512xf32>
    %reduce_min3A_631 = arith.constant dense<0x7F800000> : vector<512xf32>
    %reduce_min3A_632 = vector.multi_reduction <minimumf>, %select_n3A_630, %reduce_min3A_631 [1] : vector<512x512xf32> to vector<512xf32>
    %broadcast_in_dim3A_633 = vector.shape_cast %reduce_min3A_632 : vector<512xf32> to vector<512x1xf32>
    %eq3A_634 = vector.broadcast %broadcast_in_dim3A_633 : vector<512x1xf32> to vector<512x512xf32>
    %eq3A_635 = arith.cmpf oeq, %select_n3A_630, %eq3A_634 : vector<512x512xf32>
    %jit3A_636 = arith.constant 512 : i32
    %broadcast_in_dim3A_637 = vector.broadcast %jit3A_636 : i32 to vector<512x512xi32>
    %select_n3A_638 = arith.select %eq3A_635, %iota3A, %broadcast_in_dim3A_637 : vector<512x512xi1>, vector<512x512xi32>
    %reduce_min3A_639 = arith.constant dense<2147483647> : vector<512xi32>
    %reduce_min3A_640 = vector.multi_reduction <minsi>, %select_n3A_638, %reduce_min3A_639 [1] : vector<512x512xi32> to vector<512xi32>
    %broadcast_in_dim3A_641 = vector.shape_cast %reduce_min3A_640 : vector<512xi32> to vector<512x1xi32>
    %swap3A_642 = arith.constant 0 : index
    %swap3A_643 = arith.constant 0 : index
    %swap3A_644 = arith.constant 27 : index
    %swap3A_645 = vector.load %arg3[%swap3A_642, %swap3A_643, %swap3A_644] : memref<1x512x30xi32, #tpu.memory_space<vmem>>, vector<1x512x1xi32>
    %swap3A_646 = vector.shape_cast %swap3A_645 : vector<1x512x1xi32> to vector<512x1xi32>
    %swap3A_647 = vector.shape_cast %broadcast_in_dim3A_641 : vector<512x1xi32> to vector<1x512x1xi32>
    tpu.vector_store %arg3[%swap3A_642, %swap3A_643, %swap3A_644], %swap3A_647 {strides = array<i32>} : memref<1x512x30xi32, #tpu.memory_space<vmem>>, vector<1x512x1xi32>,
    %eq3A_648 = vector.broadcast %broadcast_in_dim3A_641 : vector<512x1xi32> to vector<512x512xi32>
    %eq3A_649 = arith.cmpi eq, %iota3A, %eq3A_648 : vector<512x512xi32>
    %jit3A_650 = arith.constant 0x7F800000 : f32
    %broadcast_in_dim3A_651 = vector.broadcast %jit3A_650 : f32 to vector<512x512xf32>
    %select_n3A_652 = arith.select %eq3A_649, %broadcast_in_dim3A_651, %select_n3A_630 : vector<512x512xi1>, vector<512x512xf32>
    %reduce_min3A_653 = arith.constant dense<0x7F800000> : vector<512xf32>
    %reduce_min3A_654 = vector.multi_reduction <minimumf>, %select_n3A_652, %reduce_min3A_653 [1] : vector<512x512xf32> to vector<512xf32>
    %broadcast_in_dim3A_655 = vector.shape_cast %reduce_min3A_654 : vector<512xf32> to vector<512x1xf32>
    %eq3A_656 = vector.broadcast %broadcast_in_dim3A_655 : vector<512x1xf32> to vector<512x512xf32>
    %eq3A_657 = arith.cmpf oeq, %select_n3A_652, %eq3A_656 : vector<512x512xf32>
    %jit3A_658 = arith.constant 512 : i32
    %broadcast_in_dim3A_659 = vector.broadcast %jit3A_658 : i32 to vector<512x512xi32>
    %select_n3A_660 = arith.select %eq3A_657, %iota3A, %broadcast_in_dim3A_659 : vector<512x512xi1>, vector<512x512xi32>
    %reduce_min3A_661 = arith.constant dense<2147483647> : vector<512xi32>
    %reduce_min3A_662 = vector.multi_reduction <minsi>, %select_n3A_660, %reduce_min3A_661 [1] : vector<512x512xi32> to vector<512xi32>
    %broadcast_in_dim3A_663 = vector.shape_cast %reduce_min3A_662 : vector<512xi32> to vector<512x1xi32>
    %swap3A_664 = arith.constant 0 : index
    %swap3A_665 = arith.constant 0 : index
    %swap3A_666 = arith.constant 28 : index
    %swap3A_667 = vector.load %arg3[%swap3A_664, %swap3A_665, %swap3A_666] : memref<1x512x30xi32, #tpu.memory_space<vmem>>, vector<1x512x1xi32>
    %swap3A_668 = vector.shape_cast %swap3A_667 : vector<1x512x1xi32> to vector<512x1xi32>
    %swap3A_669 = vector.shape_cast %broadcast_in_dim3A_663 : vector<512x1xi32> to vector<1x512x1xi32>
    tpu.vector_store %arg3[%swap3A_664, %swap3A_665, %swap3A_666], %swap3A_669 {strides = array<i32>} : memref<1x512x30xi32, #tpu.memory_space<vmem>>, vector<1x512x1xi32>,
    %eq3A_670 = vector.broadcast %broadcast_in_dim3A_663 : vector<512x1xi32> to vector<512x512xi32>
    %eq3A_671 = arith.cmpi eq, %iota3A, %eq3A_670 : vector<512x512xi32>
    %jit3A_672 = arith.constant 0x7F800000 : f32
    %broadcast_in_dim3A_673 = vector.broadcast %jit3A_672 : f32 to vector<512x512xf32>
    %select_n3A_674 = arith.select %eq3A_671, %broadcast_in_dim3A_673, %select_n3A_652 : vector<512x512xi1>, vector<512x512xf32>
    %reduce_min3A_675 = arith.constant dense<0x7F800000> : vector<512xf32>
    %reduce_min3A_676 = vector.multi_reduction <minimumf>, %select_n3A_674, %reduce_min3A_675 [1] : vector<512x512xf32> to vector<512xf32>
    %broadcast_in_dim3A_677 = vector.shape_cast %reduce_min3A_676 : vector<512xf32> to vector<512x1xf32>
    %eq3A_678 = vector.broadcast %broadcast_in_dim3A_677 : vector<512x1xf32> to vector<512x512xf32>
    %eq3A_679 = arith.cmpf oeq, %select_n3A_674, %eq3A_678 : vector<512x512xf32>
    %jit3A_680 = arith.constant 512 : i32
    %broadcast_in_dim3A_681 = vector.broadcast %jit3A_680 : i32 to vector<512x512xi32>
    %select_n3A_682 = arith.select %eq3A_679, %iota3A, %broadcast_in_dim3A_681 : vector<512x512xi1>, vector<512x512xi32>
    %reduce_min3A_683 = arith.constant dense<2147483647> : vector<512xi32>
    %reduce_min3A_684 = vector.multi_reduction <minsi>, %select_n3A_682, %reduce_min3A_683 [1] : vector<512x512xi32> to vector<512xi32>
    %broadcast_in_dim3A_685 = vector.shape_cast %reduce_min3A_684 : vector<512xi32> to vector<512x1xi32>
    %swap3A_686 = arith.constant 0 : index
    %swap3A_687 = arith.constant 0 : index
    %swap3A_688 = arith.constant 29 : index
    %swap3A_689 = vector.load %arg3[%swap3A_686, %swap3A_687, %swap3A_688] : memref<1x512x30xi32, #tpu.memory_space<vmem>>, vector<1x512x1xi32>
    %swap3A_690 = vector.shape_cast %swap3A_689 : vector<1x512x1xi32> to vector<512x1xi32>
    %swap3A_691 = vector.shape_cast %broadcast_in_dim3A_685 : vector<512x1xi32> to vector<1x512x1xi32>
    tpu.vector_store %arg3[%swap3A_686, %swap3A_687, %swap3A_688], %swap3A_691 {strides = array<i32>} : memref<1x512x30xi32, #tpu.memory_space<vmem>>, vector<1x512x1xi32>,
    return
  }
  func.func @transform_0(%arg0: i32) -> (i32, i32, i32) {
    %c0_i32 = arith.constant 0 : i32
    %c0_i32_0 = arith.constant 0 : i32
    %c0_i32_1 = arith.constant 0 : i32
    return %arg0, %c0_i32, %c0_i32_0 : i32, i32, i32
  }
  func.func @transform_1(%arg0: i32) -> (i32, i32, i32) {
    %c0_i32 = arith.constant 0 : i32
    %c0_i32_0 = arith.constant 0 : i32
    %c0_i32_1 = arith.constant 0 : i32
    return %arg0, %c0_i32, %c0_i32_0 : i32, i32, i32
  }
  func.func @transform_2(%arg0: i32) -> (i32, i32, i32) {
    %c0_i32 = arith.constant 0 : i32
    %c0_i32_0 = arith.constant 0 : i32
    %c0_i32_1 = arith.constant 0 : i32
    return %arg0, %c0_i32, %c0_i32_0 : i32, i32, i32
  }
}

module attributes {stable_mosaic.version = 14 : i64} {
  func.func @_linear_body(%arg0: i32, %arg1: i32, %arg2: memref<512x128xf32, #tpu.memory_space<vmem>>, %arg3: memref<512x128xf32, #tpu.memory_space<vmem>>, %arg4: memref<512x128xf32, #tpu.memory_space<vmem>>, %arg5: memref<384x400xf32, #tpu.memory_space<vmem>>, %arg6: memref<400x1xf32, #tpu.memory_space<vmem>>, %arg7: memref<1x1x400x512xf32, #tpu.memory_space<vmem>>, %arg8: memref<400x512xf32, #tpu.memory_space<vmem>>) attributes {dimension_semantics = [#tpu.dimension_semantics<arbitrary>, #tpu.dimension_semantics<arbitrary>], iteration_bounds = array<i64: 2, 30>, scalar_prefetch = 0 : i64, scratch_operands = 1 : i64, tpu.core_type = #tpu.core_type<tc>, window_params = [{transform_indices = @transform_0, window_bounds = array<i64: 512, 128>}, {transform_indices = @transform_1, window_bounds = array<i64: 512, 128>}, {transform_indices = @transform_2, window_bounds = array<i64: 512, 128>}, {pipeline_mode = #tpu.pipeline_mode<synchronous>, transform_indices = @transform_3, window_bounds = array<i64: 384, 400>}, {pipeline_mode = #tpu.pipeline_mode<synchronous>, transform_indices = @transform_4, window_bounds = array<i64: 400, 1>}, {transform_indices = @transform_5, window_bounds = array<i64: 1, 1, 400, 512>}]} {
    %eq3A = arith.constant 0 : i32
    %eq3A_0 = arith.cmpi eq, %arg1, %eq3A : i32
    %convert_element_type3A = arith.extui %eq3A_0 : i1 to i32
    %cond3A = arith.constant 0 : i32
    %cond3A_1 = arith.cmpi ne, %convert_element_type3A, %cond3A : i32
    scf.if %cond3A_1 {
      %get3A_26 = arith.constant 0 : index
      %get3A_27 = arith.constant 0 : index
      %get3A_28 = vector.load %arg5[%get3A_26, %get3A_27] : memref<384x400xf32, #tpu.memory_space<vmem>>, vector<128x400xf32>
      %get3A_29 = arith.constant 0 : index
      %get3A_30 = arith.constant 0 : index
      %get3A_31 = vector.load %arg4[%get3A_29, %get3A_30] : memref<512x128xf32, #tpu.memory_space<vmem>>, vector<512x128xf32>
      %dot_general3A_32 = arith.constant dense<0.000000e+00> : vector<400x512xf32>
      %dot_general3A_33 = tpu.matmul %get3A_28, %get3A_31, %dot_general3A_32 {dimension_numbers = #tpu.dot_dimension_numbers<[0], [1], [1], [0], [0, 1, 1, 0], [], []>, transpose_lhs_hint = false} : vector<128x400xf32>, vector<512x128xf32>, vector<400x512xf32> -> vector<400x512xf32>
      %get3A_34 = arith.constant 0 : index
      %get3A_35 = arith.constant 0 : index
      %get3A_36 = vector.load %arg6[%get3A_34, %get3A_35] : memref<400x1xf32, #tpu.memory_space<vmem>>, vector<400x1xf32>
      %add3A_37 = vector.broadcast %get3A_36 : vector<400x1xf32> to vector<400x512xf32>
      %add3A_38 = arith.addf %dot_general3A_33, %add3A_37 : vector<400x512xf32>
      %swap3A_39 = arith.constant 0 : index
      %swap3A_40 = arith.constant 0 : index
      %swap3A_41 = vector.load %arg8[%swap3A_39, %swap3A_40] : memref<400x512xf32, #tpu.memory_space<vmem>>, vector<400x512xf32>
      tpu.vector_store %arg8[%swap3A_39, %swap3A_40], %add3A_38 {strides = array<i32>} : memref<400x512xf32, #tpu.memory_space<vmem>>, vector<400x512xf32>,
    } else {
    }
    %get3A = arith.constant 128 : index
    %get3A_2 = arith.constant 0 : index
    %get3A_3 = vector.load %arg5[%get3A, %get3A_2] : memref<384x400xf32, #tpu.memory_space<vmem>>, vector<128x400xf32>
    %get3A_4 = arith.constant 256 : index
    %get3A_5 = arith.constant 0 : index
    %get3A_6 = vector.load %arg5[%get3A_4, %get3A_5] : memref<384x400xf32, #tpu.memory_space<vmem>>, vector<128x400xf32>
    %get3A_7 = arith.constant 0 : index
    %get3A_8 = arith.constant 0 : index
    %get3A_9 = vector.load %arg3[%get3A_7, %get3A_8] : memref<512x128xf32, #tpu.memory_space<vmem>>, vector<512x128xf32>
    %dot_general3A = arith.constant dense<0.000000e+00> : vector<400x512xf32>
    %dot_general3A_10 = tpu.matmul %get3A_3, %get3A_9, %dot_general3A {dimension_numbers = #tpu.dot_dimension_numbers<[0], [1], [1], [0], [0, 1, 1, 0], [], []>, transpose_lhs_hint = false} : vector<128x400xf32>, vector<512x128xf32>, vector<400x512xf32> -> vector<400x512xf32>
    %get3A_11 = arith.constant 0 : index
    %get3A_12 = arith.constant 0 : index
    %get3A_13 = vector.load %arg2[%get3A_11, %get3A_12] : memref<512x128xf32, #tpu.memory_space<vmem>>, vector<512x128xf32>
    %dot_general3A_14 = arith.constant dense<0.000000e+00> : vector<400x512xf32>
    %dot_general3A_15 = tpu.matmul %get3A_6, %get3A_13, %dot_general3A_14 {dimension_numbers = #tpu.dot_dimension_numbers<[0], [1], [1], [0], [0, 1, 1, 0], [], []>, transpose_lhs_hint = false} : vector<128x400xf32>, vector<512x128xf32>, vector<400x512xf32> -> vector<400x512xf32>
    %add3A = arith.addf %dot_general3A_10, %dot_general3A_15 : vector<400x512xf32>
    %get3A_16 = arith.constant 0 : index
    %get3A_17 = arith.constant 0 : index
    %get3A_18 = vector.load %arg8[%get3A_16, %get3A_17] : memref<400x512xf32, #tpu.memory_space<vmem>>, vector<400x512xf32>
    %add3A_19 = arith.addf %add3A, %get3A_18 : vector<400x512xf32>
    %swap3A = arith.constant 0 : index
    %swap3A_20 = arith.constant 0 : index
    %swap3A_21 = arith.constant 0 : index
    %swap3A_22 = arith.constant 0 : index
    %swap3A_23 = vector.load %arg7[%swap3A, %swap3A_20, %swap3A_21, %swap3A_22] : memref<1x1x400x512xf32, #tpu.memory_space<vmem>>, vector<1x1x400x512xf32>
    %swap3A_24 = vector.shape_cast %swap3A_23 : vector<1x1x400x512xf32> to vector<400x512xf32>
    %swap3A_25 = vector.shape_cast %add3A_19 : vector<400x512xf32> to vector<1x1x400x512xf32>
    tpu.vector_store %arg7[%swap3A, %swap3A_20, %swap3A_21, %swap3A_22], %swap3A_25 {strides = array<i32>} : memref<1x1x400x512xf32, #tpu.memory_space<vmem>>, vector<1x1x400x512xf32>,
    return
  }
  func.func @transform_0(%arg0: i32, %arg1: i32) -> (i32, i32) {
    %mul3A = arith.constant 30 : i32
    %mul3A_0 = arith.muli %arg0, %mul3A : i32
    %add3A = arith.addi %mul3A_0, %arg1 : i32
    %c0_i32 = arith.constant 0 : i32
    %c0_i32_1 = arith.constant 0 : i32
    return %add3A, %c0_i32 : i32, i32
  }
  func.func @transform_1(%arg0: i32, %arg1: i32) -> (i32, i32) {
    %mul3A = arith.constant 30 : i32
    %mul3A_0 = arith.muli %arg0, %mul3A : i32
    %add3A = arith.addi %mul3A_0, %arg1 : i32
    %c0_i32 = arith.constant 0 : i32
    %c0_i32_1 = arith.constant 0 : i32
    return %add3A, %c0_i32 : i32, i32
  }
  func.func @transform_2(%arg0: i32, %arg1: i32) -> (i32, i32) {
    %c0_i32 = arith.constant 0 : i32
    %c0_i32_0 = arith.constant 0 : i32
    return %arg0, %c0_i32 : i32, i32
  }
  func.func @transform_3(%arg0: i32, %arg1: i32) -> (i32, i32) {
    %c0_i32 = arith.constant 0 : i32
    %c0_i32_0 = arith.constant 0 : i32
    %c0_i32_1 = arith.constant 0 : i32
    return %c0_i32, %c0_i32_0 : i32, i32
  }
  func.func @transform_4(%arg0: i32, %arg1: i32) -> (i32, i32) {
    %c0_i32 = arith.constant 0 : i32
    %c0_i32_0 = arith.constant 0 : i32
    %c0_i32_1 = arith.constant 0 : i32
    return %c0_i32, %c0_i32_0 : i32, i32
  }
  func.func @transform_5(%arg0: i32, %arg1: i32) -> (i32, i32, i32, i32) {
    %c0_i32 = arith.constant 0 : i32
    %c0_i32_0 = arith.constant 0 : i32
    %c0_i32_1 = arith.constant 0 : i32
    return %arg0, %arg1, %c0_i32, %c0_i32_0 : i32, i32, i32, i32
  }
}

</mosaic_0001>

<sc_bundles>
// kernel: kernel.5.cloned.1.call-start
scs
__scs_entry_jumppad:
0x0: {  	(pc) =	sbr.rel $0x88, $3  }
0x1: {  	(tag) =	ssettag $0x0;
	lr =	simm.s32 $0x1  }
0x2: {  	[smem:$0x3F9C] =	sst lr;
	_ =	strace $0xD0000000  }
0x3: {  	_ = 	snop  }
0x4: {  	_ = 	snop  }
0x5: {  	_ = 	snop  }
0x6: {  	_ = 	snop  }
0x7: {  	_ = 	snop  }
__scs_overlays_trampoline_lowered:
0x8: {  	[smem:$0x3FAB] =	sst s0  }
0x9: {  	[smem:$0x3FAC] =	sst s1  }
0xa: {  	[smem:$0x3FAD] =	sst s2  }
0xb: {  	[smem:$0x3FAE] =	sst s3  }
0xc: {  	[smem:$0x3FAF] =	sst s4  }
0xd: {  	[smem:$0x3FB0] =	sst s5  }
0xe: {  	[smem:$0x3FB1] =	sst s6  }
0xf: {  	[smem:$0x3FB2] =	sst s7  }
0x10: {  	[smem:$0x3FB3] =	sst s8  }
0x11: {  	[smem:$0x3FB4] =	sst s9;
	s0 =	simm.s32 @!p0 $0x0  }
0x12: {  	s1 =	sld [smem:$0x3F9A];
	s0 =	simm.s32 @p0 $0x1  }
0x13: {  	[smem:$0x3FB5] =	sst s0;
	s0 =	simm.s32 @!p1 $0x0  }
0x14: {  	s2 =	sld [smem:$0x3F99];
	s0 =	simm.s32 @p1 $0x1  }
0x15: {  	[smem:$0x3FB6] =	sst s0;
	s0 =	simm.s32 @!p2 $0x0  }
0x16: {  	s3 =	sld [smem:$0x3FDB];
	s0 =	simm.s32 @p2 $0x1  }
0x17: {  	s4 =	simm.s32 $0x1BF5;
	[smem:$0x3FB8] =	sst s0  }
0x18: {  	s0 =	sld [smem:$0x3F9B];
	_ =	swait.ge [sflag:s4], $0x0  }
0x19: {  	s7 =	sld [smem:$0x3F9C]  }
0x1a: {  	s8 =	sadd.s32 $0xFFFFE003, lr  }
0x1b: {  	s9 =	sadd.s32 $0xFFFFFEF7, lr;
	s5 =	simm.s32 $0xFFFFFFFF;
	p2 =	slt.u32 s8, $0xFFFFF086  }
0x1c: {  	p1 =	slt.u32 s9, $0xF7A;
	s5 =	simm.s32 @!p2 $0x0  }
0x1d: {  	s5 =	simm.s32 @p1 $0x1;
	p0 =	seq.s32 s7, s2  }
0x1e: {  	s7 =	smul.u32 @!p0 $0xF7A, s2;
	p2 =	seq.s32 @!p0 s5, $0x0  }
0x1f: {  	s9 =	smul.u32 $0xF7A, s1;
	s8 =	simm.s32 @!p0 $0x1BF5;
	p2 =	por !p2, p0  }
0x20: {  	[sflag:s8] =	ssyncset.s32 @!p0 $0xFFFFF086;
	s6 =	sadd.s32 @!p0 s3, s7;
	s7 =	simm.s32 @!p0 $0x108  }
0x21: {  	s3 =	sadd.s32 s3, s9;
	s6 =	sadd.s32 @!p0 $0x88, s6;
	s7 =	simm.s32 @p2 $0x1082  }
0x22: {  	[simem:s7], [sflag:s8] =	dma.local @!p0 [hbm:s6], $0xF7A  }
0x23: {  	s9 =	sor.u32 $0xD0000000, s2;
	s6 =	simm.s32 $0x108;
	_ =	swait.ge @!p0 [sflag:s8], $0x0  }
0x24: {  	s3 =	sadd.s32 $0x88, s3;
	s6 =	simm.s32 @!p1 $0x1082;
	[sflag:s4] =	ssyncset.s32 $0xFFFFF086  }
0x25: {  	[simem:s6], [sflag:s4] =	dma.local [hbm:s3], $0xF7A  }
0x26: {  	[smem:$0x3F9C] =	sst s1;
	(tag) =	ssettag s2;
	_ =	strace s9  }
0x27: {  	s1 =	sld [smem:$0x3FAC]  }
0x28: {  	s2 =	sld [smem:$0x3FAD]  }
0x29: {  	s4 =	sld [smem:$0x3FAF]  }
0x2a: {  	p0 =	seq.s32 s5, $0x0;
	s5 =	sld [smem:$0x3FB0]  }
0x2b: {  	s6 =	sld [smem:$0x3FB1]  }
0x2c: {  	s7 =	sld [smem:$0x3FB2]  }
0x2d: {  	s3 =	simm.s32 $0x108;
	s8 =	sld [smem:$0x3FB3]  }
0x2e: {  	s3 =	simm.s32 @!p0 $0x1082;
	s9 =	sld [smem:$0x3FB4]  }
0x2f: {  	lr =	sadd.s32 s0, s3;
	s0 =	sld [smem:$0x3FAB]  }
0x30: {  	s3 =	sld [smem:$0x3FAE]  }
0x31: {  	[smem:$0x3FB7] =	sst s10  }
0x32: {  	s10 =	sld [smem:$0x3FB5];
	_ =	sdelay $0x3  }
0x33: {  	p0 =	seq.s32 s10, $0x1;
	s10 =	sld [smem:$0x3FB7];
	_ =	sdelay $0x3  }
0x34: {  	[smem:$0x3FB7] =	sst s10  }
0x35: {  	s10 =	sld [smem:$0x3FB6];
	_ =	sdelay $0x3  }
0x36: {  	p1 =	seq.s32 s10, $0x1;
	s10 =	sld [smem:$0x3FB7];
	_ =	sdelay $0x3  }
0x37: {  	[smem:$0x3FB7] =	sst s10  }
0x38: {  	s10 =	sld [smem:$0x3FB8]  }
0x39: {  	_ = 	snop;
	(pc) =	sbr.ind lr, $3  }
0x3a: {  	_ = 	snop  }
0x3b: {  	_ = 	snop  }
0x3c: {  	p2 =	seq.s32 s10, $0x1;
	s10 =	sld [smem:$0x3FB7]  }
0x3d: {  	_ =	shalt  }
0x3e: {  	_ =	shalt  }
0x3f: {  	_ =	shalt  }
0x40: {  	_ =	shalt  }
0x41: {  	_ =	shalt  }
0x42: {  	_ =	shalt  }
0x43: {  	_ =	shalt  }
0x44: {  	_ =	shalt  }
0x45: {  	_ =	shalt  }
0x46: {  	_ =	shalt  }
0x47: {  	_ =	shalt  }
0x48: {  	_ =	shalt  }
0x49: {  	_ =	shalt  }
0x4a: {  	_ =	shalt  }
0x4b: {  	_ =	shalt  }
0x4c: {  	_ =	shalt  }
0x4d: {  	_ =	shalt  }
0x4e: {  	_ =	shalt  }
0x4f: {  	_ =	shalt  }
0x50: {  	_ =	shalt  }
0x51: {  	_ =	shalt  }
0x52: {  	_ =	shalt  }
0x53: {  	_ =	shalt  }
0x54: {  	_ =	shalt  }
0x55: {  	_ =	shalt  }
0x56: {  	_ =	shalt  }
0x57: {  	_ =	shalt  }
0x58: {  	_ =	shalt  }
0x59: {  	_ =	shalt  }
0x5a: {  	_ =	shalt  }
0x5b: {  	_ =	shalt  }
0x5c: {  	_ =	shalt  }
0x5d: {  	_ =	shalt  }
0x5e: {  	_ =	shalt  }
0x5f: {  	_ =	shalt  }
0x60: {  	_ =	shalt  }
0x61: {  	_ =	shalt  }
0x62: {  	_ =	shalt  }
0x63: {  	_ =	shalt  }
0x64: {  	_ =	shalt  }
0x65: {  	_ =	shalt  }
0x66: {  	_ =	shalt  }
0x67: {  	_ =	shalt  }
0x68: {  	_ =	shalt  }
0x69: {  	_ =	shalt  }
0x6a: {  	_ =	shalt  }
0x6b: {  	_ =	shalt  }
0x6c: {  	_ =	shalt  }
0x6d: {  	_ =	shalt  }
0x6e: {  	_ =	shalt  }
0x6f: {  	_ =	shalt  }
0x70: {  	_ =	shalt  }
0x71: {  	_ =	shalt  }
0x72: {  	_ =	shalt  }
0x73: {  	_ =	shalt  }
0x74: {  	_ =	shalt  }
0x75: {  	_ =	shalt  }
0x76: {  	_ =	shalt  }
0x77: {  	_ =	shalt  }
0x78: {  	_ =	shalt  }
0x79: {  	_ =	shalt  }
0x7a: {  	_ =	shalt  }
0x7b: {  	_ =	shalt  }
0x7c: {  	_ =	shalt  }
0x7d: {  	_ =	shalt  }
0x7e: {  	_ =	shalt  }
0x7f: {  	_ =	shalt  }
0x80: {  	_ =	shalt  }
0x81: {  	_ =	shalt  }
0x82: {  	_ =	shalt  }
0x83: {  	_ =	shalt  }
0x84: {  	_ =	shalt  }
0x85: {  	_ =	shalt  }
0x86: {  	_ =	shalt  }
0x87: {  	_ =	shalt  }
.Lfunc_end0:
.L_simem_size_0:
called_computation_lowered:
.L_overlay_start_0:
0x88: {  	s2 =	sld [smem:$0x3FD9]  }
0x89: {  	s3 =	sld [smem:$0x3FFE];
	_ =	sdelay $0x1  }
0x8a: {  	s1 =	srdreg.scid  }
0x8b: {  	s0 =	sand.u32 $0x1, s1  }
0x8c: {  	s14 =	sshll.u32 s0, $0xA;
	s2 =	sadd.s32 s3, s2  }
0x8d: {  	s2 =	sadd.s32 s2, s14  }
0x8e: {  	[smem:$0x3FC3] =	sst s2  }
0x8f: {  	_ = 	snop  }
0x90: {  	s2 =	sld [smem:$0x3FD0];
	_ =	sdelay $0x1  }
0x91: {  	s15 =	sld [smem:$0x3FC9]  }
0x92: {  	s5 =	simm.s32 $0xA;
	s6 =	simm.s32 $0x10;
	s4 =	sld [smem:$0x3FC8]  }
0x93: {  	[smem:s6], [sflag:s5] =	dma.local [hbm:s2], $0x1  }
0x94: {  	_ =	swait.eq [sflag:s5], $0x1  }
0x95: {  	[sflag:s5] =	ssyncset.done $0x0  }
0x96: {  	[sflag:s5] =	ssyncadd.s32 $0xFFFFFFFF  }
0x97: {  	s16 =	sld [smem:$0x10];
	(tm) =	ssettm $0x1  }
0x98: {  	s17 =	sld [smem:$0x3FFB];
	_ =	sdelay $0x3  }
0x99: {  	_ =	strace s17  }
0x9a: {  	s5 =	sld [smem:$0x3FFC];
	_ =	sdelay $0x3  }
0x9b: {  	_ =	strace s5  }
0x9c: {  	s5 =	sld [smem:$0x3FFD];
	_ =	sdelay $0x3  }
0x9d: {  	_ =	strace s5  }
0x9e: {  	_ =	strace $0x8FFFFFFF  }
0x9f: {  	s18 =	sld [smem:$0x3FDB];
	_ =	sdelay $0x1  }
0xa0: {  	s19 =	simm.s32 $_scs_section_size  }
0xa1: {  	s7 =	simm.s32 $_size__tile_overlayer_lowered;
	s8 =	simm.s32 $_tile_overlayer_lowered  }
0xa2: {  	s22 =	simm.s32 $0x1BFF;
	s21 =	sshll.u32 s8, $0x1;
	s5 =	sadd.s32 s19, s18  }
0xa3: {  	s9 =	simm.s32 $0x0;
	s20 =	sshll.u32 s7, $0x1;
	s7 =	sadd.s32 s21, s5  }
0xa4: {  	[timem:s9], [sflag:s22] =	dma.local [hbm:s7], s20  }
0xa5: {  	_ =	swait.ge [sflag:s22], s20  }
0xa6: {  	s6 =	ssub.s32 $0x0, s20;
	[sflag:s22] =	ssyncset.done $0x0  }
0xa7: {  	[sflag:s22] =	ssyncadd.s32 s6;
	_ =	sdelay $0x1  }
0xa8: {  	s23 =	simm.s32 $0x1B8B  }
0xa9: {  	_ =	swait.ge [sflag:s23], $0x1  }
0xaa: {  	[sflag:s23] =	ssyncset.done $0x0  }
0xab: {  	s25 =	simm.s32 $0x1B8E;
	s24 =	sld [smem:$0x3FFE];
	[sflag:s23] =	ssyncadd.s32 $0xFFFFFFFF  }
0xac: {  	s26 =	simm.s32 $execute0_lowered;
	[smem:$0x3FD2] =	sst s25  }
0xad: {  	s7 =	sshll.u32 s26, $0x1;
	_ =	strace $0x80000046;
	[dreg:$0x1] =	wrdreg $0xFFFFFFFF  }
0xae: {  	s28 =	simm.s32 $_size_execute0_lowered;
	s5 =	sadd.s32 s5, s7;
	[dreg:$0x0] =	wrdreg $0x0  }
0xaf: {  	s7 =	sshll.u32 s28, $0x1;
	[dreg:$0x2] =	wrdreg s5  }
0xb0: {  	[dreg:$0x3] =	wrdreg s7  }
0xb1: {  	[dreg:$0x4] =	wrdreg $0xC0  }
0xb2: {  	_ =	task [dreg:s9], $0x5FFFF  }
0xb3: {  	[dreg:$0x1] =	wrdreg $0xFFFFFFFF  }
0xb4: {  	[dreg:$0x0] =	wrdreg $0x60  }
0xb5: {  	[dreg:$0x2] =	wrdreg s4  }
0xb6: {  	[dreg:$0x3] =	wrdreg s24  }
0xb7: {  	[dreg:$0x4] =	wrdreg s15  }
0xb8: {  	[dreg:$0x5] =	wrdreg s16  }
0xb9: {  	[dreg:$0x6] =	wrdreg $0x9  }
0xba: {  	_ =	task.clear_ibuf [dreg:s9], $0x7FFFF;
	_ =	strace $0x90000046  }
0xbb: {  	s29 =	simm.s32 $0x9;
	_ =	strace $0x80000048  }
0xbc: {  	_ =	swait.ge [sflag:s29], $0x1  }
0xbd: {  	[sflag:s29] =	ssyncadd.s32 $0xFFFFFFFF  }
0xbe: {  	_ =	strace $0x90000048  }
0xbf: {  	_ =	sfence  }
0xc0: {  	s30 =	sld [smem:$0x0];
	_ =	sdelay $0x2  }
0xc1: {  	s31 =	sshll.u32 s1, $0xD;
	s1 =	sshrl.u32 s1, $0x2  }
0xc2: {  	s3 =	sand.u32 $0x4000, s31;
	s1 =	sadd.s32 s1, s30  }
0xc3: {  	s0 =	sor.u32 s3, s0;
	s1 =	sshll.u32 s1, $0x11  }
0xc4: {  	s0 =	sor.u32 s1, s0  }
0xc5: {  	s0 =	sadd.s32 $0x8F2B, s0  }
0xc6: {  	[sflag:s0] =	ssyncadd.remote.s32 $0x1  }
0xc7: {  	_ =	sfence.sel $0xFFFF  }
0xc8: {  	[dreg:$0x0] =	wrdreg $0xFFFFFFFF;
	(pc) =	sbr.abs _section_cstart, $3  }
0xc9: {  	[dreg:$0x1] =	wrdreg $0xFFFFFFFF  }
0xca: {  	_ =	task.clear_ibuf [dreg:s9], $0x2FFFF;
	_ =	strace $0x9FFFFFFF  }
0xcb: {  	(tm) =	ssettm $0x7FFFFFFF  }
tec
execute0_lowered:
.L_overlay_start_1:
0x0: {  	(tag) =	ssettag $0x1  }
0x1: {  	s15 =	rddreg [dreg:$0x0]  }
0x2: {  	s0 =	srdreg.scid;
	s1 =	stileid.u32  }
0x3: {  	s24 =	rddreg [dreg:$0x1];
	s25 =	sand.u32 $0x1, s0;
	s17 =	sshll.u32 s1, $0x1  }
0x4: {  	s2 =	rddreg [dreg:$0x2];
	s0 =	sor.u32 s25, s17  }
0x5: {  	s5 =	rddreg [dreg:$0x3];
	s3 =	simm.s32 $0x0;
	s6 =	smul.u32 $0x3C0, s0  }
0x6: {  	[smem:$0x7FF] =	sst s3;
	s12 =	smul.u32 $0x3C00, s0  }
0x7: {  	p0 =	por $0x0, $0x0;
	s7 =	sadd.s32 $0x6200, s24;
	_ =	strace $0x80000047  }
0x8: {  	s8 =	sshrl.u32 s6, $0x3;
	s9 =	sadd.s32 $0x78, s6;
	s19 =	sadd.s32 s5, s12  }
0x9: {  	s13 =	sadd.s32 $0xF0, s6;
	s16 =	sadd.s32 $0x168, s6;
	s10 =	sadd.s32 s7, s8  }
0xa: {  	s11 =	sshrl.u32 s9, $0x3;
	[dreg:$0x7] =	wrdreg s19;
	s9 =	sshll.u32 s9, $0x4  }
0xb: {  	s17 =	sshrl.u32 s16, $0x3;
	[dreg:$0x5] =	wrdreg s10;
	s18 =	sadd.s32 s7, s11  }
0xc: {  	s16 =	sshll.u32 s16, $0x4;
	s20 =	sadd.s32 s5, s9;
	[dreg:$0x6] =	wrdreg s18  }
0xd: {  	s10 =	sshrl.u32 s13, $0x3;
	s21 =	sadd.s32 s7, s17;
	[dreg:$0x9] =	wrdreg s20  }
0xe: {  	s13 =	sshll.u32 s13, $0x4;
	s23 =	sadd.s32 s5, s16;
	[dreg:$0xa] =	wrdreg s21  }
0xf: {  	s14 =	sadd.s32 s7, s10;
	s22 =	sadd.s32 s5, s13;
	[dreg:$0xd] =	wrdreg s23  }
0x10: {  	s18 =	sadd.s32 $0x1E0, s6;
	s20 =	sadd.s32 $0x258, s6;
	[dreg:$0x8] =	wrdreg s14  }
0x11: {  	[dreg:$0xb] =	wrdreg s22;
	s14 =	sshrl.u32 s18, $0x3;
	s21 =	sshrl.u32 s20, $0x3  }
0x12: {  	s18 =	sshll.u32 s18, $0x4;
	s22 =	sadd.s32 $0x2D0, s6;
	s19 =	sadd.s32 s7, s14  }
0x13: {  	s20 =	sshll.u32 s20, $0x4;
	s26 =	sadd.s32 s7, s21;
	[dreg:$0xc] =	wrdreg s19  }
0x14: {  	s6 =	sadd.s32 $0x348, s6;
	s1 =	sadd.s32 s5, s18;
	[dreg:$0xe] =	wrdreg s26  }
0x15: {  	s4 =	sadd.s32 s5, s20;
	[dreg:$0xf] =	wrdreg s1;
	s19 =	sshrl.u32 s22, $0x3  }
0x16: {  	s1 =	sshrl.u32 s6, $0x3;
	[dreg:$0x11] =	wrdreg s4;
	s22 =	sshll.u32 s22, $0x4  }
0x17: {  	s6 =	sshll.u32 s6, $0x4;
	s4 =	sshll.u32 s0, $0x2;
	s23 =	sadd.s32 s7, s19  }
0x18: {  	s0 =	sshll.u32 s0, $0x9;
	s7 =	sadd.s32 s7, s1;
	[dreg:$0x10] =	wrdreg s23  }
0x19: {  	s26 =	sadd.s32 s5, s22;
	s5 =	sadd.s32 s5, s6;
	[dreg:$0x12] =	wrdreg s7  }
0x1a: {  	s0 =	sadd.s32 s0, s24;
	[dreg:$0x13] =	wrdreg s26;
	s7 =	sadd.s32 $0x5200, s24  }
0x1b: {  	[dreg:$0x14] =	wrdreg s5;
	s5 =	sadd.s32 s4, s24;
	s4 =	sadd.s32 $0xB400, s24  }
0x1c: {  	s24 =	ssub.s32 $0x2, s25;
	s8 =	sadd.s32 s7, s8;
	s23 =	sadd.s32 s7, s11  }
0x1d: {  	s25 =	sadd.s32 s4, s12;
	s26 =	sshrl.u32 s24, $0x1;
	s10 =	sadd.s32 s7, s10  }
0x1e: {  	s31 =	sadd.s32 s4, s9;
	s30 =	sadd.s32 s7, s17;
	s29 =	sadd.s32 s4, s13  }
0x1f: {  	s28 =	sadd.s32 s7, s14;
	s20 =	sadd.s32 s4, s20;
	[dreg:$0x15] =	wrdreg s8  }
0x20: {  	s14 =	sadd.s32 s7, s1;
	s9 =	sadd.s32 s4, s22;
	[dreg:$0x16] =	wrdreg s23  }
0x21: {  	s17 =	simm.s32 $0x78;
	s11 =	simm.s32 $0x7900;
	[dreg:$0x17] =	wrdreg s25  }
0x22: {  	s13 =	simm.s32 $0x20;
	s12 =	ssub.s32 s24, s26;
	[dreg:$0x18] =	wrdreg s10  }
0x23: {  	s26 =	sadd.s32 s4, s16;
	s25 =	sadd.s32 s7, s21;
	s22 =	smax.u32 s12, $0x1  }
0x24: {  	s24 =	sadd.s32 s4, s18;
	s23 =	sadd.s32 s7, s19;
	p1 =	sne.s32 s22, $0x1  }
.Ltmp0:
0x25: {  	s8 =	sadd.s32 s4, s6;
	s7 =	sadd.s32 $0x7200, s5;
	(pc) =	sbr.rel @!p1 .LBB2_3-.Ltmp0, $4  }
0x26: {  	s5 =	sadd.s32 $0x7400, s0;
	s4 =	simm.s32 $0x5;
	s18 =	simm.s32 $0x100  }
0x27: {  	s6 =	simm.s32 $0x1;
	s21 =	simm.s32 $0x80;
	s19 =	simm.s32 $0x3  }
0x28: {  	s16 =	simm.s32 $0x4;
	s10 =	simm.s32 $0x7980;
	s0 =	rddreg [dreg:$0x5]  }
0x29: {  	s12 =	simm.s32 $0x3D00;
	s1 =	sadd.s32 $0xFFFFFFFF, s22;
	s22 =	simm.s32 $0x2  }
0x2a: {  	[tilespmem:s3], [sflag:$0x5] =	stream.linear.gather [hbm4b:s0+s3], $0x78, $0x38;
	[tilespmem:$0x8980] =	vst v63  }
0x2b: {  	_ =	swait.ge [sflag:s4], $0x78  }
0x2c: {  	[sflag:s4] =	ssyncset.done $0x0  }
0x2d: {  	[sflag:s4] =	ssyncadd.s32 $0xFFFFFF88  }
0x2e: {  	[tilespmem:s18], [sflag:$0x1] =	stream.indirect.gather [hbm4b:s15+s17], $0x80, s3, s17, $0xb8;
	[tilespmem:$0x8980] =	vst v63  }
0x2f: {  	_ =	swait.ge [sflag:s6], $0x3C00  }
0x30: {  	[sflag:s6] =	ssyncset.done $0x0  }
0x31: {  	s0 =	rddreg [dreg:$0x6];
	[sflag:s6] =	ssyncadd.s32 $0xFFFFC400  }
0x32: {  	[tilespmem:s21], [sflag:$0x5] =	stream.linear.gather [hbm4b:s0+s3], $0x78, $0x38;
	[tilespmem:$0x8980] =	vst v63  }
0x33: {  	_ =	swait.ge [sflag:s4], $0x78  }
0x34: {  	[sflag:s4] =	ssyncset.done $0x0  }
0x35: {  	[sflag:s4] =	ssyncadd.s32 $0xFFFFFF88  }
0x36: {  	[tilespmem:s12], [sflag:$0x2] =	stream.indirect.gather [hbm4b:s15+s17], $0x80, s21, s17, $0xb8;
	[tilespmem:$0x8980] =	vst v63  }
0x37: {  	s0 =	rddreg [dreg:$0x7]  }
0x38: {  	[hbm4b:s0+s3] =	stream.linear.scatter [tilespmem:s18], [sflag:$0x3], $0x3C00, $0x38;
	[tilespmem:$0x8980] =	vst v63  }
0x39: {  	_ =	swait.ge [sflag:s22], $0x3C00  }
0x3a: {  	[sflag:s22] =	ssyncset.done $0x0  }
0x3b: {  	[sflag:s22] =	ssyncadd.s32 $0xFFFFC400  }
0x3c: {  	_ =	swait.ge [sflag:s19], $0x3C00  }
0x3d: {  	[sflag:s19] =	ssyncset.done $0x0  }
0x3e: {  	s0 =	rddreg [dreg:$0x8];
	[sflag:s19] =	ssyncadd.s32 $0xFFFFC400  }
0x3f: {  	[tilespmem:s3], [sflag:$0x5] =	stream.linear.gather [hbm4b:s0+s3], $0x78, $0x38;
	[tilespmem:$0x8980] =	vst v63  }
0x40: {  	_ =	swait.ge [sflag:s4], $0x78  }
0x41: {  	[sflag:s4] =	ssyncset.done $0x0  }
0x42: {  	[sflag:s4] =	ssyncadd.s32 $0xFFFFFF88  }
0x43: {  	[tilespmem:s18], [sflag:$0x1] =	stream.indirect.gather [hbm4b:s15+s17], $0x80, s3, s17, $0xb8;
	[tilespmem:$0x8980] =	vst v63  }
0x44: {  	s0 =	rddreg [dreg:$0x9]  }
0x45: {  	[hbm4b:s0+s3] =	stream.linear.scatter [tilespmem:s12], [sflag:$0x4], $0x3C00, $0x38;
	[tilespmem:$0x8980] =	vst v63  }
0x46: {  	_ =	swait.ge [sflag:s6], $0x3C00  }
0x47: {  	[sflag:s6] =	ssyncset.done $0x0  }
0x48: {  	[sflag:s6] =	ssyncadd.s32 $0xFFFFC400  }
0x49: {  	_ =	swait.ge [sflag:s16], $0x3C00  }
0x4a: {  	[sflag:s16] =	ssyncset.done $0x0  }
0x4b: {  	s0 =	rddreg [dreg:$0xa];
	[sflag:s16] =	ssyncadd.s32 $0xFFFFC400  }
0x4c: {  	[tilespmem:s21], [sflag:$0x5] =	stream.linear.gather [hbm4b:s0+s3], $0x78, $0x38;
	[tilespmem:$0x8980] =	vst v63  }
0x4d: {  	_ =	swait.ge [sflag:s4], $0x78  }
0x4e: {  	[sflag:s4] =	ssyncset.done $0x0  }
0x4f: {  	[sflag:s4] =	ssyncadd.s32 $0xFFFFFF88  }
0x50: {  	[tilespmem:s12], [sflag:$0x2] =	stream.indirect.gather [hbm4b:s15+s17], $0x80, s21, s17, $0xb8;
	[tilespmem:$0x8980] =	vst v63  }
0x51: {  	s0 =	rddreg [dreg:$0xb]  }
0x52: {  	[hbm4b:s0+s3] =	stream.linear.scatter [tilespmem:s18], [sflag:$0x3], $0x3C00, $0x38;
	[tilespmem:$0x8980] =	vst v63  }
0x53: {  	_ =	swait.ge [sflag:s22], $0x3C00  }
0x54: {  	[sflag:s22] =	ssyncset.done $0x0  }
0x55: {  	[sflag:s22] =	ssyncadd.s32 $0xFFFFC400  }
0x56: {  	_ =	swait.ge [sflag:s19], $0x3C00  }
0x57: {  	[sflag:s19] =	ssyncset.done $0x0  }
0x58: {  	s0 =	rddreg [dreg:$0xc];
	[sflag:s19] =	ssyncadd.s32 $0xFFFFC400  }
0x59: {  	[tilespmem:s3], [sflag:$0x5] =	stream.linear.gather [hbm4b:s0+s3], $0x78, $0x38;
	[tilespmem:$0x8980] =	vst v63  }
0x5a: {  	_ =	swait.ge [sflag:s4], $0x78  }
0x5b: {  	[sflag:s4] =	ssyncset.done $0x0  }
0x5c: {  	[sflag:s4] =	ssyncadd.s32 $0xFFFFFF88  }
0x5d: {  	[tilespmem:s18], [sflag:$0x1] =	stream.indirect.gather [hbm4b:s15+s17], $0x80, s3, s17, $0xb8;
	[tilespmem:$0x8980] =	vst v63  }
0x5e: {  	s0 =	rddreg [dreg:$0xd]  }
0x5f: {  	[hbm4b:s0+s3] =	stream.linear.scatter [tilespmem:s12], [sflag:$0x4], $0x3C00, $0x38;
	[tilespmem:$0x8980] =	vst v63  }
0x60: {  	_ =	swait.ge [sflag:s6], $0x3C00  }
0x61: {  	[sflag:s6] =	ssyncset.done $0x0  }
0x62: {  	[sflag:s6] =	ssyncadd.s32 $0xFFFFC400  }
0x63: {  	_ =	swait.ge [sflag:s16], $0x3C00  }
0x64: {  	[sflag:s16] =	ssyncset.done $0x0  }
0x65: {  	s0 =	rddreg [dreg:$0xe];
	[sflag:s16] =	ssyncadd.s32 $0xFFFFC400  }
0x66: {  	[tilespmem:s21], [sflag:$0x5] =	stream.linear.gather [hbm4b:s0+s3], $0x78, $0x38;
	[tilespmem:$0x8980] =	vst v63  }
0x67: {  	_ =	swait.ge [sflag:s4], $0x78  }
0x68: {  	[sflag:s4] =	ssyncset.done $0x0  }
0x69: {  	[sflag:s4] =	ssyncadd.s32 $0xFFFFFF88  }
0x6a: {  	[tilespmem:s12], [sflag:$0x2] =	stream.indirect.gather [hbm4b:s15+s17], $0x80, s21, s17, $0xb8;
	[tilespmem:$0x8980] =	vst v63  }
0x6b: {  	s0 =	rddreg [dreg:$0xf]  }
0x6c: {  	[hbm4b:s0+s3] =	stream.linear.scatter [tilespmem:s18], [sflag:$0x3], $0x3C00, $0x38;
	[tilespmem:$0x8980] =	vst v63  }
0x6d: {  	_ =	swait.ge [sflag:s22], $0x3C00  }
0x6e: {  	[sflag:s22] =	ssyncset.done $0x0  }
0x6f: {  	[sflag:s22] =	ssyncadd.s32 $0xFFFFC400  }
0x70: {  	_ =	swait.ge [sflag:s19], $0x3C00  }
0x71: {  	[sflag:s19] =	ssyncset.done $0x0  }
0x72: {  	s0 =	rddreg [dreg:$0x10];
	[sflag:s19] =	ssyncadd.s32 $0xFFFFC400  }
0x73: {  	[tilespmem:s3], [sflag:$0x5] =	stream.linear.gather [hbm4b:s0+s3], $0x78, $0x38;
	[tilespmem:$0x8980] =	vst v63  }
0x74: {  	_ =	swait.ge [sflag:s4], $0x78  }
0x75: {  	[sflag:s4] =	ssyncset.done $0x0  }
0x76: {  	[sflag:s4] =	ssyncadd.s32 $0xFFFFFF88  }
0x77: {  	[tilespmem:s18], [sflag:$0x1] =	stream.indirect.gather [hbm4b:s15+s17], $0x80, s3, s17, $0xb8;
	[tilespmem:$0x8980] =	vst v63  }
0x78: {  	s0 =	rddreg [dreg:$0x11]  }
0x79: {  	[hbm4b:s0+s3] =	stream.linear.scatter [tilespmem:s12], [sflag:$0x4], $0x3C00, $0x38;
	[tilespmem:$0x8980] =	vst v63  }
0x7a: {  	_ =	swait.ge [sflag:s6], $0x3C00  }
0x7b: {  	[sflag:s6] =	ssyncset.done $0x0  }
0x7c: {  	[sflag:s6] =	ssyncadd.s32 $0xFFFFC400  }
0x7d: {  	_ =	swait.ge [sflag:s16], $0x3C00  }
0x7e: {  	[sflag:s16] =	ssyncset.done $0x0  }
0x7f: {  	s0 =	rddreg [dreg:$0x12];
	[sflag:s16] =	ssyncadd.s32 $0xFFFFC400  }
0x80: {  	[tilespmem:s21], [sflag:$0x5] =	stream.linear.gather [hbm4b:s0+s3], $0x78, $0x38;
	[tilespmem:$0x8980] =	vst v63  }
0x81: {  	_ =	swait.ge [sflag:s4], $0x78  }
0x82: {  	[sflag:s4] =	ssyncset.done $0x0  }
0x83: {  	[sflag:s4] =	ssyncadd.s32 $0xFFFFFF88  }
0x84: {  	[tilespmem:s12], [sflag:$0x2] =	stream.indirect.gather [hbm4b:s15+s17], $0x80, s21, s17, $0xb8;
	[tilespmem:$0x8980] =	vst v63  }
0x85: {  	s0 =	rddreg [dreg:$0x13]  }
0x86: {  	[hbm4b:s0+s3] =	stream.linear.scatter [tilespmem:s18], [sflag:$0x3], $0x3C00, $0x38;
	[tilespmem:$0x8980] =	vst v63  }
0x87: {  	_ =	swait.ge [sflag:s22], $0x3C00  }
0x88: {  	[sflag:s22] =	ssyncset.done $0x0  }
0x89: {  	[sflag:s22] =	ssyncadd.s32 $0xFFFFC400  }
0x8a: {  	_ =	swait.ge [sflag:s19], $0x3C00  }
0x8b: {  	[sflag:s19] =	ssyncset.done $0x0  }
0x8c: {  	s0 =	rddreg [dreg:$0x14];
	[sflag:s19] =	ssyncadd.s32 $0xFFFFC400  }
0x8d: {  	[hbm4b:s0+s3] =	stream.linear.scatter [tilespmem:s12], [sflag:$0x4], $0x3C00, $0x38;
	[tilespmem:$0x8980] =	vst v63  }
0x8e: {  	_ =	swait.ge [sflag:s16], $0x3C00  }
0x8f: {  	[sflag:s16] =	ssyncset.done $0x0  }
0x90: {  	s0 =	rddreg [dreg:$0x15];
	[sflag:s16] =	ssyncadd.s32 $0xFFFFC400  }
0x91: {  	[tilespmem:s3], [sflag:$0x5] =	stream.linear.gather [hbm4b:s0+s3], $0x78, $0x38;
	[tilespmem:$0x8980] =	vst v63  }
0x92: {  	_ =	swait.ge [sflag:s4], $0x78  }
0x93: {  	[sflag:s4] =	ssyncset.done $0x0  }
0x94: {  	[sflag:s4] =	ssyncadd.s32 $0xFFFFFF88  }
0x95: {  	[tilespmem:s18], [sflag:$0x1] =	stream.indirect.gather [hbm4b:s2+s17], $0x80, s3, s17, $0xb8;
	[tilespmem:$0x8980] =	vst v63  }
0x96: {  	_ =	swait.ge [sflag:s6], $0x3C00  }
0x97: {  	[sflag:s6] =	ssyncset.done $0x0  }
0x98: {  	s0 =	rddreg [dreg:$0x16];
	[sflag:s6] =	ssyncadd.s32 $0xFFFFC400  }
0x99: {  	[tilespmem:s21], [sflag:$0x5] =	stream.linear.gather [hbm4b:s0+s3], $0x78, $0x38;
	[tilespmem:$0x8980] =	vst v63  }
0x9a: {  	_ =	swait.ge [sflag:s4], $0x78  }
0x9b: {  	[sflag:s4] =	ssyncset.done $0x0  }
0x9c: {  	[sflag:s4] =	ssyncadd.s32 $0xFFFFFF88  }
0x9d: {  	[tilespmem:s12], [sflag:$0x2] =	stream.indirect.gather [hbm4b:s2+s17], $0x80, s21, s17, $0xb8;
	[tilespmem:$0x8980] =	vst v63  }
0x9e: {  	s0 =	rddreg [dreg:$0x17]  }
0x9f: {  	[hbm4b:s0+s3] =	stream.linear.scatter [tilespmem:s18], [sflag:$0x3], $0x3C00, $0x38;
	[tilespmem:$0x8980] =	vst v63  }
0xa0: {  	_ =	swait.ge [sflag:s22], $0x3C00  }
0xa1: {  	[sflag:s22] =	ssyncset.done $0x0  }
0xa2: {  	[sflag:s22] =	ssyncadd.s32 $0xFFFFC400  }
0xa3: {  	_ =	swait.ge [sflag:s19], $0x3C00  }
0xa4: {  	[sflag:s19] =	ssyncset.done $0x0  }
0xa5: {  	s0 =	rddreg [dreg:$0x18];
	[sflag:s19] =	ssyncadd.s32 $0xFFFFC400  }
0xa6: {  	[tilespmem:s3], [sflag:$0x5] =	stream.linear.gather [hbm4b:s0+s3], $0x78, $0x38;
	[tilespmem:$0x8980] =	vst v63  }
0xa7: {  	_ =	swait.ge [sflag:s4], $0x78  }
0xa8: {  	[sflag:s4] =	ssyncset.done $0x0  }
0xa9: {  	[sflag:s4] =	ssyncadd.s32 $0xFFFFFF88  }
0xaa: {  	[tilespmem:s18], [sflag:$0x1] =	stream.indirect.gather [hbm4b:s2+s17], $0x80, s3, s17, $0xb8;
	[tilespmem:$0x8980] =	vst v63  }
0xab: {  	_ = 	snop  }
0xac: {  	[hbm4b:s31+s3] =	stream.linear.scatter [tilespmem:s12], [sflag:$0x4], $0x3C00, $0x38;
	[tilespmem:$0x8980] =	vst v63  }
0xad: {  	_ =	swait.ge [sflag:s6], $0x3C00  }
0xae: {  	[sflag:s6] =	ssyncset.done $0x0  }
0xaf: {  	[sflag:s6] =	ssyncadd.s32 $0xFFFFC400  }
0xb0: {  	_ =	swait.ge [sflag:s16], $0x3C00  }
0xb1: {  	[sflag:s16] =	ssyncset.done $0x0  }
0xb2: {  	[sflag:s16] =	ssyncadd.s32 $0xFFFFC400  }
0xb3: {  	[tilespmem:s21], [sflag:$0x5] =	stream.linear.gather [hbm4b:s30+s3], $0x78, $0x38;
	[tilespmem:$0x8980] =	vst v63  }
0xb4: {  	_ =	swait.ge [sflag:s4], $0x78  }
0xb5: {  	[sflag:s4] =	ssyncset.done $0x0  }
0xb6: {  	[sflag:s4] =	ssyncadd.s32 $0xFFFFFF88  }
0xb7: {  	[tilespmem:s12], [sflag:$0x2] =	stream.indirect.gather [hbm4b:s2+s17], $0x80, s21, s17, $0xb8;
	[tilespmem:$0x8980] =	vst v63  }
0xb8: {  	_ = 	snop  }
0xb9: {  	[hbm4b:s29+s3] =	stream.linear.scatter [tilespmem:s18], [sflag:$0x3], $0x3C00, $0x38;
	[tilespmem:$0x8980] =	vst v63  }
0xba: {  	_ =	swait.ge [sflag:s22], $0x3C00  }
0xbb: {  	[sflag:s22] =	ssyncset.done $0x0  }
0xbc: {  	[sflag:s22] =	ssyncadd.s32 $0xFFFFC400  }
0xbd: {  	_ =	swait.ge [sflag:s19], $0x3C00  }
0xbe: {  	[sflag:s19] =	ssyncset.done $0x0  }
0xbf: {  	[sflag:s19] =	ssyncadd.s32 $0xFFFFC400  }
0xc0: {  	[tilespmem:s3], [sflag:$0x5] =	stream.linear.gather [hbm4b:s28+s3], $0x78, $0x38;
	[tilespmem:$0x8980] =	vst v63  }
0xc1: {  	_ =	swait.ge [sflag:s4], $0x78  }
0xc2: {  	[sflag:s4] =	ssyncset.done $0x0  }
0xc3: {  	[sflag:s4] =	ssyncadd.s32 $0xFFFFFF88  }
0xc4: {  	[tilespmem:s18], [sflag:$0x1] =	stream.indirect.gather [hbm4b:s2+s17], $0x80, s3, s17, $0xb8;
	[tilespmem:$0x8980] =	vst v63  }
0xc5: {  	_ = 	snop  }
0xc6: {  	[hbm4b:s26+s3] =	stream.linear.scatter [tilespmem:s12], [sflag:$0x4], $0x3C00, $0x38;
	[tilespmem:$0x8980] =	vst v63  }
0xc7: {  	_ =	swait.ge [sflag:s6], $0x3C00  }
0xc8: {  	[sflag:s6] =	ssyncset.done $0x0  }
0xc9: {  	[sflag:s6] =	ssyncadd.s32 $0xFFFFC400  }
0xca: {  	_ =	swait.ge [sflag:s16], $0x3C00  }
0xcb: {  	[sflag:s16] =	ssyncset.done $0x0  }
0xcc: {  	[sflag:s16] =	ssyncadd.s32 $0xFFFFC400  }
0xcd: {  	[tilespmem:s21], [sflag:$0x5] =	stream.linear.gather [hbm4b:s25+s3], $0x78, $0x38;
	[tilespmem:$0x8980] =	vst v63  }
0xce: {  	_ =	swait.ge [sflag:s4], $0x78  }
0xcf: {  	[sflag:s4] =	ssyncset.done $0x0  }
0xd0: {  	[sflag:s4] =	ssyncadd.s32 $0xFFFFFF88  }
0xd1: {  	[tilespmem:s12], [sflag:$0x2] =	stream.indirect.gather [hbm4b:s2+s17], $0x80, s21, s17, $0xb8;
	[tilespmem:$0x8980] =	vst v63  }
0xd2: {  	_ = 	snop  }
0xd3: {  	[hbm4b:s24+s3] =	stream.linear.scatter [tilespmem:s18], [sflag:$0x3], $0x3C00, $0x38;
	[tilespmem:$0x8980] =	vst v63  }
0xd4: {  	_ =	swait.ge [sflag:s22], $0x3C00  }
0xd5: {  	[sflag:s22] =	ssyncset.done $0x0  }
0xd6: {  	[sflag:s22] =	ssyncadd.s32 $0xFFFFC400  }
0xd7: {  	_ =	swait.ge [sflag:s19], $0x3C00  }
0xd8: {  	[sflag:s19] =	ssyncset.done $0x0  }
0xd9: {  	[sflag:s19] =	ssyncadd.s32 $0xFFFFC400  }
0xda: {  	[tilespmem:s3], [sflag:$0x5] =	stream.linear.gather [hbm4b:s23+s3], $0x78, $0x38;
	[tilespmem:$0x8980] =	vst v63  }
0xdb: {  	_ =	swait.ge [sflag:s4], $0x78  }
0xdc: {  	[sflag:s4] =	ssyncset.done $0x0  }
0xdd: {  	[sflag:s4] =	ssyncadd.s32 $0xFFFFFF88  }
0xde: {  	[tilespmem:s18], [sflag:$0x1] =	stream.indirect.gather [hbm4b:s2+s17], $0x80, s3, s17, $0xb8;
	[tilespmem:$0x8980] =	vst v63  }
0xdf: {  	_ = 	snop  }
0xe0: {  	[hbm4b:s20+s3] =	stream.linear.scatter [tilespmem:s12], [sflag:$0x4], $0x3C00, $0x38;
	[tilespmem:$0x8980] =	vst v63  }
0xe1: {  	_ =	swait.ge [sflag:s6], $0x3C00  }
0xe2: {  	[sflag:s6] =	ssyncset.done $0x0  }
0xe3: {  	[sflag:s6] =	ssyncadd.s32 $0xFFFFC400  }
0xe4: {  	_ =	swait.ge [sflag:s16], $0x3C00  }
0xe5: {  	[sflag:s16] =	ssyncset.done $0x0  }
0xe6: {  	[sflag:s16] =	ssyncadd.s32 $0xFFFFC400  }
0xe7: {  	[tilespmem:s21], [sflag:$0x5] =	stream.linear.gather [hbm4b:s14+s3], $0x78, $0x38;
	[tilespmem:$0x8980] =	vst v63  }
0xe8: {  	_ =	swait.ge [sflag:s4], $0x78  }
0xe9: {  	[sflag:s4] =	ssyncset.done $0x0  }
0xea: {  	[sflag:s4] =	ssyncadd.s32 $0xFFFFFF88  }
0xeb: {  	[tilespmem:s12], [sflag:$0x2] =	stream.indirect.gather [hbm4b:s2+s17], $0x80, s21, s17, $0xb8;
	[tilespmem:$0x8980] =	vst v63  }
0xec: {  	_ = 	snop  }
0xed: {  	[hbm4b:s9+s3] =	stream.linear.scatter [tilespmem:s18], [sflag:$0x3], $0x3C00, $0x38;
	[tilespmem:$0x8980] =	vst v63  }
0xee: {  	_ =	swait.ge [sflag:s22], $0x3C00  }
0xef: {  	[sflag:s22] =	ssyncset.done $0x0  }
0xf0: {  	[sflag:s22] =	ssyncadd.s32 $0xFFFFC400  }
0xf1: {  	_ =	swait.ge [sflag:s19], $0x3C00  }
0xf2: {  	[sflag:s19] =	ssyncset.done $0x0  }
0xf3: {  	[sflag:s19] =	ssyncadd.s32 $0xFFFFC400  }
0xf4: {  	[hbm4b:s8+s3] =	stream.linear.scatter [tilespmem:s12], [sflag:$0x4], $0x3C00, $0x38;
	[tilespmem:$0x8980] =	vst v63  }
0xf5: {  	_ =	swait.ge [sflag:s16], $0x3C00  }
0xf6: {  	[sflag:s16] =	ssyncset.done $0x0  }
0xf7: {  	[sflag:s16] =	ssyncadd.s32 $0xFFFFC400  }
0xf8: {  	[tilespmem:s11], [sflag:$0x5] =	stream.linear.gather [hbm4b:s7+s3], $0x20, $0x38;
	[tilespmem:$0x8980] =	vst v63  }
0xf9: {  	_ =	swait.ge [sflag:s4], $0x20  }
0xfa: {  	[sflag:s4] =	ssyncset.done $0x0  }
0xfb: {  	[sflag:s4] =	ssyncadd.s32 $0xFFFFFFE0  }
0xfc: {  	[tilespmem:s10], [sflag:$0x1] =	stream.indirect.gather [hbm4b:s2+s13], $0x80, s11, s13, $0xb8;
	[tilespmem:$0x8980] =	vst v63  }
0xfd: {  	p1 =	sne.s32 s1, $0x1;
	_ =	swait.ge [sflag:s6], $0x1000  }
.Ltmp1:
0xfe: {  	[sflag:s6] =	ssyncset.done $0x0;
	(pc) =	sbr.rel @!p1 .LBB2_3-.Ltmp1, $4  }
0xff: {  	[sflag:s6] =	ssyncadd.s32 $0xFFFFF000  }
0x100: {  	[hbm4b:s5+s3] =	stream.linear.scatter [tilespmem:s10], [sflag:$0x5], $0x1000, $0x38;
	[tilespmem:$0x8980] =	vst v63  }
0x101: {  	s1 =	sadd.s32 $0xFFFFFFFF, s1;
	_ =	swait.ge [sflag:s4], $0x1000  }
0x102: {  	p0 =	por $0x1, $0x1;
	s0 =	rddreg [dreg:$0x5];
	[sflag:s4] =	ssyncset.done $0x0  }
.LBB2_2:
0x103: {  	[sflag:s4] =	ssyncadd.s32 $0xFFFFF000  }
0x104: {  	[tilespmem:s3], [sflag:$0x5] =	stream.linear.gather [hbm4b:s0+s3], $0x78, $0x38;
	[tilespmem:$0x8980] =	vst v63  }
0x105: {  	_ =	swait.ge [sflag:s4], $0x78  }
0x106: {  	[sflag:s4] =	ssyncset.done $0x0  }
0x107: {  	[sflag:s4] =	ssyncadd.s32 $0xFFFFFF88  }
0x108: {  	[tilespmem:s18], [sflag:$0x1] =	stream.indirect.gather [hbm4b:s15+s17], $0x80, s3, s17, $0xb8;
	[tilespmem:$0x8980] =	vst v63  }
0x109: {  	_ =	swait.ge [sflag:s6], $0x3C00  }
0x10a: {  	[sflag:s6] =	ssyncset.done $0x0  }
0x10b: {  	s0 =	rddreg [dreg:$0x6];
	[sflag:s6] =	ssyncadd.s32 $0xFFFFC400  }
0x10c: {  	[tilespmem:s21], [sflag:$0x5] =	stream.linear.gather [hbm4b:s0+s3], $0x78, $0x38;
	[tilespmem:$0x8980] =	vst v63  }
0x10d: {  	_ =	swait.ge [sflag:s4], $0x78  }
0x10e: {  	[sflag:s4] =	ssyncset.done $0x0  }
0x10f: {  	[sflag:s4] =	ssyncadd.s32 $0xFFFFFF88  }
0x110: {  	[tilespmem:s12], [sflag:$0x2] =	stream.indirect.gather [hbm4b:s15+s17], $0x80, s21, s17, $0xb8;
	[tilespmem:$0x8980] =	vst v63  }
0x111: {  	s0 =	rddreg [dreg:$0x7]  }
0x112: {  	[hbm4b:s0+s3] =	stream.linear.scatter [tilespmem:s18], [sflag:$0x3], $0x3C00, $0x38;
	[tilespmem:$0x8980] =	vst v63  }
0x113: {  	_ =	swait.ge [sflag:s22], $0x3C00  }
0x114: {  	[sflag:s22] =	ssyncset.done $0x0  }
0x115: {  	[sflag:s22] =	ssyncadd.s32 $0xFFFFC400  }
0x116: {  	_ =	swait.ge [sflag:s19], $0x3C00  }
0x117: {  	[sflag:s19] =	ssyncset.done $0x0  }
0x118: {  	s0 =	rddreg [dreg:$0x8];
	[sflag:s19] =	ssyncadd.s32 $0xFFFFC400  }
0x119: {  	[tilespmem:s3], [sflag:$0x5] =	stream.linear.gather [hbm4b:s0+s3], $0x78, $0x38;
	[tilespmem:$0x8980] =	vst v63  }
0x11a: {  	_ =	swait.ge [sflag:s4], $0x78  }
0x11b: {  	[sflag:s4] =	ssyncset.done $0x0  }
0x11c: {  	[sflag:s4] =	ssyncadd.s32 $0xFFFFFF88  }
0x11d: {  	[tilespmem:s18], [sflag:$0x1] =	stream.indirect.gather [hbm4b:s15+s17], $0x80, s3, s17, $0xb8;
	[tilespmem:$0x8980] =	vst v63  }
0x11e: {  	s0 =	rddreg [dreg:$0x9]  }
0x11f: {  	[hbm4b:s0+s3] =	stream.linear.scatter [tilespmem:s12], [sflag:$0x4], $0x3C00, $0x38;
	[tilespmem:$0x8980] =	vst v63  }
0x120: {  	_ =	swait.ge [sflag:s6], $0x3C00  }
0x121: {  	[sflag:s6] =	ssyncset.done $0x0  }
0x122: {  	[sflag:s6] =	ssyncadd.s32 $0xFFFFC400  }
0x123: {  	_ =	swait.ge [sflag:s16], $0x3C00  }
0x124: {  	[sflag:s16] =	ssyncset.done $0x0  }
0x125: {  	s0 =	rddreg [dreg:$0xa];
	[sflag:s16] =	ssyncadd.s32 $0xFFFFC400  }
0x126: {  	[tilespmem:s21], [sflag:$0x5] =	stream.linear.gather [hbm4b:s0+s3], $0x78, $0x38;
	[tilespmem:$0x8980] =	vst v63  }
0x127: {  	_ =	swait.ge [sflag:s4], $0x78  }
0x128: {  	[sflag:s4] =	ssyncset.done $0x0  }
0x129: {  	[sflag:s4] =	ssyncadd.s32 $0xFFFFFF88  }
0x12a: {  	[tilespmem:s12], [sflag:$0x2] =	stream.indirect.gather [hbm4b:s15+s17], $0x80, s21, s17, $0xb8;
	[tilespmem:$0x8980] =	vst v63  }
0x12b: {  	s0 =	rddreg [dreg:$0xb]  }
0x12c: {  	[hbm4b:s0+s3] =	stream.linear.scatter [tilespmem:s18], [sflag:$0x3], $0x3C00, $0x38;
	[tilespmem:$0x8980] =	vst v63  }
0x12d: {  	_ =	swait.ge [sflag:s22], $0x3C00  }
0x12e: {  	[sflag:s22] =	ssyncset.done $0x0  }
0x12f: {  	[sflag:s22] =	ssyncadd.s32 $0xFFFFC400  }
0x130: {  	_ =	swait.ge [sflag:s19], $0x3C00  }
0x131: {  	[sflag:s19] =	ssyncset.done $0x0  }
0x132: {  	s0 =	rddreg [dreg:$0xc];
	[sflag:s19] =	ssyncadd.s32 $0xFFFFC400  }
0x133: {  	[tilespmem:s3], [sflag:$0x5] =	stream.linear.gather [hbm4b:s0+s3], $0x78, $0x38;
	[tilespmem:$0x8980] =	vst v63  }
0x134: {  	_ =	swait.ge [sflag:s4], $0x78  }
0x135: {  	[sflag:s4] =	ssyncset.done $0x0  }
0x136: {  	[sflag:s4] =	ssyncadd.s32 $0xFFFFFF88  }
0x137: {  	[tilespmem:s18], [sflag:$0x1] =	stream.indirect.gather [hbm4b:s15+s17], $0x80, s3, s17, $0xb8;
	[tilespmem:$0x8980] =	vst v63  }
0x138: {  	s0 =	rddreg [dreg:$0xd]  }
0x139: {  	[hbm4b:s0+s3] =	stream.linear.scatter [tilespmem:s12], [sflag:$0x4], $0x3C00, $0x38;
	[tilespmem:$0x8980] =	vst v63  }
0x13a: {  	_ =	swait.ge [sflag:s6], $0x3C00  }
0x13b: {  	[sflag:s6] =	ssyncset.done $0x0  }
0x13c: {  	[sflag:s6] =	ssyncadd.s32 $0xFFFFC400  }
0x13d: {  	_ =	swait.ge [sflag:s16], $0x3C00  }
0x13e: {  	[sflag:s16] =	ssyncset.done $0x0  }
0x13f: {  	s0 =	rddreg [dreg:$0xe];
	[sflag:s16] =	ssyncadd.s32 $0xFFFFC400  }
0x140: {  	[tilespmem:s21], [sflag:$0x5] =	stream.linear.gather [hbm4b:s0+s3], $0x78, $0x38;
	[tilespmem:$0x8980] =	vst v63  }
0x141: {  	_ =	swait.ge [sflag:s4], $0x78  }
0x142: {  	[sflag:s4] =	ssyncset.done $0x0  }
0x143: {  	[sflag:s4] =	ssyncadd.s32 $0xFFFFFF88  }
0x144: {  	[tilespmem:s12], [sflag:$0x2] =	stream.indirect.gather [hbm4b:s15+s17], $0x80, s21, s17, $0xb8;
	[tilespmem:$0x8980] =	vst v63  }
0x145: {  	s0 =	rddreg [dreg:$0xf]  }
0x146: {  	[hbm4b:s0+s3] =	stream.linear.scatter [tilespmem:s18], [sflag:$0x3], $0x3C00, $0x38;
	[tilespmem:$0x8980] =	vst v63  }
0x147: {  	_ =	swait.ge [sflag:s22], $0x3C00  }
0x148: {  	[sflag:s22] =	ssyncset.done $0x0  }
0x149: {  	[sflag:s22] =	ssyncadd.s32 $0xFFFFC400  }
0x14a: {  	_ =	swait.ge [sflag:s19], $0x3C00  }
0x14b: {  	[sflag:s19] =	ssyncset.done $0x0  }
0x14c: {  	s0 =	rddreg [dreg:$0x10];
	[sflag:s19] =	ssyncadd.s32 $0xFFFFC400  }
0x14d: {  	[tilespmem:s3], [sflag:$0x5] =	stream.linear.gather [hbm4b:s0+s3], $0x78, $0x38;
	[tilespmem:$0x8980] =	vst v63  }
0x14e: {  	_ =	swait.ge [sflag:s4], $0x78  }
0x14f: {  	[sflag:s4] =	ssyncset.done $0x0  }
0x150: {  	[sflag:s4] =	ssyncadd.s32 $0xFFFFFF88  }
0x151: {  	[tilespmem:s18], [sflag:$0x1] =	stream.indirect.gather [hbm4b:s15+s17], $0x80, s3, s17, $0xb8;
	[tilespmem:$0x8980] =	vst v63  }
0x152: {  	s0 =	rddreg [dreg:$0x11]  }
0x153: {  	[hbm4b:s0+s3] =	stream.linear.scatter [tilespmem:s12], [sflag:$0x4], $0x3C00, $0x38;
	[tilespmem:$0x8980] =	vst v63  }
0x154: {  	_ =	swait.ge [sflag:s6], $0x3C00  }
0x155: {  	[sflag:s6] =	ssyncset.done $0x0  }
0x156: {  	[sflag:s6] =	ssyncadd.s32 $0xFFFFC400  }
0x157: {  	_ =	swait.ge [sflag:s16], $0x3C00  }
0x158: {  	[sflag:s16] =	ssyncset.done $0x0  }
0x159: {  	s0 =	rddreg [dreg:$0x12];
	[sflag:s16] =	ssyncadd.s32 $0xFFFFC400  }
0x15a: {  	[tilespmem:s21], [sflag:$0x5] =	stream.linear.gather [hbm4b:s0+s3], $0x78, $0x38;
	[tilespmem:$0x8980] =	vst v63  }
0x15b: {  	_ =	swait.ge [sflag:s4], $0x78  }
0x15c: {  	[sflag:s4] =	ssyncset.done $0x0  }
0x15d: {  	[sflag:s4] =	ssyncadd.s32 $0xFFFFFF88  }
0x15e: {  	[tilespmem:s12], [sflag:$0x2] =	stream.indirect.gather [hbm4b:s15+s17], $0x80, s21, s17, $0xb8;
	[tilespmem:$0x8980] =	vst v63  }
0x15f: {  	s0 =	rddreg [dreg:$0x13]  }
0x160: {  	[hbm4b:s0+s3] =	stream.linear.scatter [tilespmem:s18], [sflag:$0x3], $0x3C00, $0x38;
	[tilespmem:$0x8980] =	vst v63  }
0x161: {  	_ =	swait.ge [sflag:s22], $0x3C00  }
0x162: {  	[sflag:s22] =	ssyncset.done $0x0  }
0x163: {  	[sflag:s22] =	ssyncadd.s32 $0xFFFFC400  }
0x164: {  	_ =	swait.ge [sflag:s19], $0x3C00  }
0x165: {  	[sflag:s19] =	ssyncset.done $0x0  }
0x166: {  	s0 =	rddreg [dreg:$0x14];
	[sflag:s19] =	ssyncadd.s32 $0xFFFFC400  }
0x167: {  	[hbm4b:s0+s3] =	stream.linear.scatter [tilespmem:s12], [sflag:$0x4], $0x3C00, $0x38;
	[tilespmem:$0x8980] =	vst v63  }
0x168: {  	_ =	swait.ge [sflag:s16], $0x3C00  }
0x169: {  	[sflag:s16] =	ssyncset.done $0x0  }
0x16a: {  	s0 =	rddreg [dreg:$0x15];
	[sflag:s16] =	ssyncadd.s32 $0xFFFFC400  }
0x16b: {  	[tilespmem:s3], [sflag:$0x5] =	stream.linear.gather [hbm4b:s0+s3], $0x78, $0x38;
	[tilespmem:$0x8980] =	vst v63  }
0x16c: {  	_ =	swait.ge [sflag:s4], $0x78  }
0x16d: {  	[sflag:s4] =	ssyncset.done $0x0  }
0x16e: {  	[sflag:s4] =	ssyncadd.s32 $0xFFFFFF88  }
0x16f: {  	[tilespmem:s18], [sflag:$0x1] =	stream.indirect.gather [hbm4b:s2+s17], $0x80, s3, s17, $0xb8;
	[tilespmem:$0x8980] =	vst v63  }
0x170: {  	_ =	swait.ge [sflag:s6], $0x3C00  }
0x171: {  	[sflag:s6] =	ssyncset.done $0x0  }
0x172: {  	s0 =	rddreg [dreg:$0x16];
	[sflag:s6] =	ssyncadd.s32 $0xFFFFC400  }
0x173: {  	[tilespmem:s21], [sflag:$0x5] =	stream.linear.gather [hbm4b:s0+s3], $0x78, $0x38;
	[tilespmem:$0x8980] =	vst v63  }
0x174: {  	_ =	swait.ge [sflag:s4], $0x78  }
0x175: {  	[sflag:s4] =	ssyncset.done $0x0  }
0x176: {  	[sflag:s4] =	ssyncadd.s32 $0xFFFFFF88  }
0x177: {  	[tilespmem:s12], [sflag:$0x2] =	stream.indirect.gather [hbm4b:s2+s17], $0x80, s21, s17, $0xb8;
	[tilespmem:$0x8980] =	vst v63  }
0x178: {  	s0 =	rddreg [dreg:$0x17]  }
0x179: {  	[hbm4b:s0+s3] =	stream.linear.scatter [tilespmem:s18], [sflag:$0x3], $0x3C00, $0x38;
	[tilespmem:$0x8980] =	vst v63  }
0x17a: {  	_ =	swait.ge [sflag:s22], $0x3C00  }
0x17b: {  	[sflag:s22] =	ssyncset.done $0x0  }
0x17c: {  	[sflag:s22] =	ssyncadd.s32 $0xFFFFC400  }
0x17d: {  	_ =	swait.ge [sflag:s19], $0x3C00  }
0x17e: {  	[sflag:s19] =	ssyncset.done $0x0  }
0x17f: {  	s0 =	rddreg [dreg:$0x18];
	[sflag:s19] =	ssyncadd.s32 $0xFFFFC400  }
0x180: {  	[tilespmem:s3], [sflag:$0x5] =	stream.linear.gather [hbm4b:s0+s3], $0x78, $0x38;
	[tilespmem:$0x8980] =	vst v63  }
0x181: {  	_ =	swait.ge [sflag:s4], $0x78  }
0x182: {  	[sflag:s4] =	ssyncset.done $0x0  }
0x183: {  	[sflag:s4] =	ssyncadd.s32 $0xFFFFFF88  }
0x184: {  	[tilespmem:s18], [sflag:$0x1] =	stream.indirect.gather [hbm4b:s2+s17], $0x80, s3, s17, $0xb8;
	[tilespmem:$0x8980] =	vst v63  }
0x185: {  	_ = 	snop  }
0x186: {  	[hbm4b:s31+s3] =	stream.linear.scatter [tilespmem:s12], [sflag:$0x4], $0x3C00, $0x38;
	[tilespmem:$0x8980] =	vst v63  }
0x187: {  	_ =	swait.ge [sflag:s6], $0x3C00  }
0x188: {  	[sflag:s6] =	ssyncset.done $0x0  }
0x189: {  	[sflag:s6] =	ssyncadd.s32 $0xFFFFC400  }
0x18a: {  	_ =	swait.ge [sflag:s16], $0x3C00  }
0x18b: {  	[sflag:s16] =	ssyncset.done $0x0  }
0x18c: {  	[sflag:s16] =	ssyncadd.s32 $0xFFFFC400  }
0x18d: {  	[tilespmem:s21], [sflag:$0x5] =	stream.linear.gather [hbm4b:s30+s3], $0x78, $0x38;
	[tilespmem:$0x8980] =	vst v63  }
0x18e: {  	_ =	swait.ge [sflag:s4], $0x78  }
0x18f: {  	[sflag:s4] =	ssyncset.done $0x0  }
0x190: {  	[sflag:s4] =	ssyncadd.s32 $0xFFFFFF88  }
0x191: {  	[tilespmem:s12], [sflag:$0x2] =	stream.indirect.gather [hbm4b:s2+s17], $0x80, s21, s17, $0xb8;
	[tilespmem:$0x8980] =	vst v63  }
0x192: {  	_ = 	snop  }
0x193: {  	[hbm4b:s29+s3] =	stream.linear.scatter [tilespmem:s18], [sflag:$0x3], $0x3C00, $0x38;
	[tilespmem:$0x8980] =	vst v63  }
0x194: {  	_ =	swait.ge [sflag:s22], $0x3C00  }
0x195: {  	[sflag:s22] =	ssyncset.done $0x0  }
0x196: {  	[sflag:s22] =	ssyncadd.s32 $0xFFFFC400  }
0x197: {  	_ =	swait.ge [sflag:s19], $0x3C00  }
0x198: {  	[sflag:s19] =	ssyncset.done $0x0  }
0x199: {  	[sflag:s19] =	ssyncadd.s32 $0xFFFFC400  }
0x19a: {  	[tilespmem:s3], [sflag:$0x5] =	stream.linear.gather [hbm4b:s28+s3], $0x78, $0x38;
	[tilespmem:$0x8980] =	vst v63  }
0x19b: {  	_ =	swait.ge [sflag:s4], $0x78  }
0x19c: {  	[sflag:s4] =	ssyncset.done $0x0  }
0x19d: {  	[sflag:s4] =	ssyncadd.s32 $0xFFFFFF88  }
0x19e: {  	[tilespmem:s18], [sflag:$0x1] =	stream.indirect.gather [hbm4b:s2+s17], $0x80, s3, s17, $0xb8;
	[tilespmem:$0x8980] =	vst v63  }
0x19f: {  	_ = 	snop  }
0x1a0: {  	[hbm4b:s26+s3] =	stream.linear.scatter [tilespmem:s12], [sflag:$0x4], $0x3C00, $0x38;
	[tilespmem:$0x8980] =	vst v63  }
0x1a1: {  	_ =	swait.ge [sflag:s6], $0x3C00  }
0x1a2: {  	[sflag:s6] =	ssyncset.done $0x0  }
0x1a3: {  	[sflag:s6] =	ssyncadd.s32 $0xFFFFC400  }
0x1a4: {  	_ =	swait.ge [sflag:s16], $0x3C00  }
0x1a5: {  	[sflag:s16] =	ssyncset.done $0x0  }
0x1a6: {  	[sflag:s16] =	ssyncadd.s32 $0xFFFFC400  }
0x1a7: {  	[tilespmem:s21], [sflag:$0x5] =	stream.linear.gather [hbm4b:s25+s3], $0x78, $0x38;
	[tilespmem:$0x8980] =	vst v63  }
0x1a8: {  	_ =	swait.ge [sflag:s4], $0x78  }
0x1a9: {  	[sflag:s4] =	ssyncset.done $0x0  }
0x1aa: {  	[sflag:s4] =	ssyncadd.s32 $0xFFFFFF88  }
0x1ab: {  	[tilespmem:s12], [sflag:$0x2] =	stream.indirect.gather [hbm4b:s2+s17], $0x80, s21, s17, $0xb8;
	[tilespmem:$0x8980] =	vst v63  }
0x1ac: {  	_ = 	snop  }
0x1ad: {  	[hbm4b:s24+s3] =	stream.linear.scatter [tilespmem:s18], [sflag:$0x3], $0x3C00, $0x38;
	[tilespmem:$0x8980] =	vst v63  }
0x1ae: {  	_ =	swait.ge [sflag:s22], $0x3C00  }
0x1af: {  	[sflag:s22] =	ssyncset.done $0x0  }
0x1b0: {  	[sflag:s22] =	ssyncadd.s32 $0xFFFFC400  }
0x1b1: {  	_ =	swait.ge [sflag:s19], $0x3C00  }
0x1b2: {  	[sflag:s19] =	ssyncset.done $0x0  }
0x1b3: {  	[sflag:s19] =	ssyncadd.s32 $0xFFFFC400  }
0x1b4: {  	[tilespmem:s3], [sflag:$0x5] =	stream.linear.gather [hbm4b:s23+s3], $0x78, $0x38;
	[tilespmem:$0x8980] =	vst v63  }
0x1b5: {  	_ =	swait.ge [sflag:s4], $0x78  }
0x1b6: {  	[sflag:s4] =	ssyncset.done $0x0  }
0x1b7: {  	[sflag:s4] =	ssyncadd.s32 $0xFFFFFF88  }
0x1b8: {  	[tilespmem:s18], [sflag:$0x1] =	stream.indirect.gather [hbm4b:s2+s17], $0x80, s3, s17, $0xb8;
	[tilespmem:$0x8980] =	vst v63  }
0x1b9: {  	_ = 	snop  }
0x1ba: {  	[hbm4b:s20+s3] =	stream.linear.scatter [tilespmem:s12], [sflag:$0x4], $0x3C00, $0x38;
	[tilespmem:$0x8980] =	vst v63  }
0x1bb: {  	_ =	swait.ge [sflag:s6], $0x3C00  }
0x1bc: {  	[sflag:s6] =	ssyncset.done $0x0  }
0x1bd: {  	[sflag:s6] =	ssyncadd.s32 $0xFFFFC400  }
0x1be: {  	_ =	swait.ge [sflag:s16], $0x3C00  }
0x1bf: {  	[sflag:s16] =	ssyncset.done $0x0  }
0x1c0: {  	[sflag:s16] =	ssyncadd.s32 $0xFFFFC400  }
0x1c1: {  	[tilespmem:s21], [sflag:$0x5] =	stream.linear.gather [hbm4b:s14+s3], $0x78, $0x38;
	[tilespmem:$0x8980] =	vst v63  }
0x1c2: {  	_ =	swait.ge [sflag:s4], $0x78  }
0x1c3: {  	[sflag:s4] =	ssyncset.done $0x0  }
0x1c4: {  	[sflag:s4] =	ssyncadd.s32 $0xFFFFFF88  }
0x1c5: {  	[tilespmem:s12], [sflag:$0x2] =	stream.indirect.gather [hbm4b:s2+s17], $0x80, s21, s17, $0xb8;
	[tilespmem:$0x8980] =	vst v63  }
0x1c6: {  	_ = 	snop  }
0x1c7: {  	[hbm4b:s9+s3] =	stream.linear.scatter [tilespmem:s18], [sflag:$0x3], $0x3C00, $0x38;
	[tilespmem:$0x8980] =	vst v63  }
0x1c8: {  	_ =	swait.ge [sflag:s22], $0x3C00  }
0x1c9: {  	[sflag:s22] =	ssyncset.done $0x0  }
0x1ca: {  	[sflag:s22] =	ssyncadd.s32 $0xFFFFC400  }
0x1cb: {  	_ =	swait.ge [sflag:s19], $0x3C00  }
0x1cc: {  	[sflag:s19] =	ssyncset.done $0x0  }
0x1cd: {  	[sflag:s19] =	ssyncadd.s32 $0xFFFFC400  }
0x1ce: {  	[hbm4b:s8+s3] =	stream.linear.scatter [tilespmem:s12], [sflag:$0x4], $0x3C00, $0x38;
	[tilespmem:$0x8980] =	vst v63  }
0x1cf: {  	_ =	swait.ge [sflag:s16], $0x3C00  }
0x1d0: {  	[sflag:s16] =	ssyncset.done $0x0  }
0x1d1: {  	[sflag:s16] =	ssyncadd.s32 $0xFFFFC400  }
0x1d2: {  	[tilespmem:s11], [sflag:$0x5] =	stream.linear.gather [hbm4b:s7+s3], $0x20, $0x38;
	[tilespmem:$0x8980] =	vst v63  }
0x1d3: {  	_ =	swait.ge [sflag:s4], $0x20  }
0x1d4: {  	[sflag:s4] =	ssyncset.done $0x0  }
0x1d5: {  	[sflag:s4] =	ssyncadd.s32 $0xFFFFFFE0  }
0x1d6: {  	[tilespmem:s10], [sflag:$0x1] =	stream.indirect.gather [hbm4b:s2+s13], $0x80, s11, s13, $0xb8;
	[tilespmem:$0x8980] =	vst v63  }
0x1d7: {  	p1 =	sne.s32 s1, $0x1;
	_ =	swait.ge [sflag:s6], $0x1000  }
.Ltmp2:
0x1d8: {  	[sflag:s6] =	ssyncset.done $0x0;
	(pc) =	sbr.rel @p1 .LBB2_2-.Ltmp2, $4  }
0x1d9: {  	[sflag:s6] =	ssyncadd.s32 $0xFFFFF000  }
0x1da: {  	[hbm4b:s5+s3] =	stream.linear.scatter [tilespmem:s10], [sflag:$0x5], $0x1000, $0x38;
	[tilespmem:$0x8980] =	vst v63  }
0x1db: {  	_ =	swait.ge [sflag:s4], $0x1000  }
0x1dc: {  	s1 =	sadd.s32 $0xFFFFFFFF, s1;
	s0 =	rddreg [dreg:$0x5];
	[sflag:s4] =	ssyncset.done $0x0  }
.LBB2_3:
0x1dd: {  	[sflag:s4] =	ssyncadd.s32 @p0 $0xFFFFF000  }
0x1de: {  	[tilespmem:s3], [sflag:$0x5] =	stream.linear.gather [hbm4b:s0+s3], $0x78, $0x38;
	[tilespmem:$0x8980] =	vst v63  }
0x1df: {  	_ =	swait.ge [sflag:s4], $0x78  }
0x1e0: {  	[sflag:s4] =	ssyncset.done $0x0  }
0x1e1: {  	[sflag:s4] =	ssyncadd.s32 $0xFFFFFF88  }
0x1e2: {  	[tilespmem:s18], [sflag:$0x1] =	stream.indirect.gather [hbm4b:s15+s17], $0x80, s3, s17, $0xb8;
	[tilespmem:$0x8980] =	vst v63  }
0x1e3: {  	_ =	swait.ge [sflag:s6], $0x3C00  }
0x1e4: {  	[sflag:s6] =	ssyncset.done $0x0  }
0x1e5: {  	s1 =	rddreg [dreg:$0x6];
	[sflag:s6] =	ssyncadd.s32 $0xFFFFC400  }
0x1e6: {  	[tilespmem:s21], [sflag:$0x5] =	stream.linear.gather [hbm4b:s1+s3], $0x78, $0x38;
	[tilespmem:$0x8980] =	vst v63  }
0x1e7: {  	_ =	swait.ge [sflag:s4], $0x78  }
0x1e8: {  	[sflag:s4] =	ssyncset.done $0x0  }
0x1e9: {  	[sflag:s4] =	ssyncadd.s32 $0xFFFFFF88  }
0x1ea: {  	[tilespmem:s12], [sflag:$0x2] =	stream.indirect.gather [hbm4b:s15+s17], $0x80, s21, s17, $0xb8;
	[tilespmem:$0x8980] =	vst v63  }
0x1eb: {  	s1 =	rddreg [dreg:$0x7]  }
0x1ec: {  	[hbm4b:s1+s3] =	stream.linear.scatter [tilespmem:s18], [sflag:$0x3], $0x3C00, $0x38;
	[tilespmem:$0x8980] =	vst v63  }
0x1ed: {  	_ =	swait.ge [sflag:s22], $0x3C00  }
0x1ee: {  	[sflag:s22] =	ssyncset.done $0x0  }
0x1ef: {  	[sflag:s22] =	ssyncadd.s32 $0xFFFFC400  }
0x1f0: {  	_ =	swait.ge [sflag:s19], $0x3C00  }
0x1f1: {  	[sflag:s19] =	ssyncset.done $0x0  }
0x1f2: {  	s1 =	rddreg [dreg:$0x8];
	[sflag:s19] =	ssyncadd.s32 $0xFFFFC400  }
0x1f3: {  	[tilespmem:s3], [sflag:$0x5] =	stream.linear.gather [hbm4b:s1+s3], $0x78, $0x38;
	[tilespmem:$0x8980] =	vst v63  }
0x1f4: {  	_ =	swait.ge [sflag:s4], $0x78  }
0x1f5: {  	[sflag:s4] =	ssyncset.done $0x0  }
0x1f6: {  	[sflag:s4] =	ssyncadd.s32 $0xFFFFFF88  }
0x1f7: {  	[tilespmem:s18], [sflag:$0x1] =	stream.indirect.gather [hbm4b:s15+s17], $0x80, s3, s17, $0xb8;
	[tilespmem:$0x8980] =	vst v63  }
0x1f8: {  	s1 =	rddreg [dreg:$0x9]  }
0x1f9: {  	[hbm4b:s1+s3] =	stream.linear.scatter [tilespmem:s12], [sflag:$0x4], $0x3C00, $0x38;
	[tilespmem:$0x8980] =	vst v63  }
0x1fa: {  	_ =	swait.ge [sflag:s6], $0x3C00  }
0x1fb: {  	[sflag:s6] =	ssyncset.done $0x0  }
0x1fc: {  	[sflag:s6] =	ssyncadd.s32 $0xFFFFC400  }
0x1fd: {  	_ =	swait.ge [sflag:s16], $0x3C00  }
0x1fe: {  	[sflag:s16] =	ssyncset.done $0x0  }
0x1ff: {  	s1 =	rddreg [dreg:$0xa];
	[sflag:s16] =	ssyncadd.s32 $0xFFFFC400  }
0x200: {  	[tilespmem:s21], [sflag:$0x5] =	stream.linear.gather [hbm4b:s1+s3], $0x78, $0x38;
	[tilespmem:$0x8980] =	vst v63  }
0x201: {  	_ =	swait.ge [sflag:s4], $0x78  }
0x202: {  	[sflag:s4] =	ssyncset.done $0x0  }
0x203: {  	[sflag:s4] =	ssyncadd.s32 $0xFFFFFF88  }
0x204: {  	[tilespmem:s12], [sflag:$0x2] =	stream.indirect.gather [hbm4b:s15+s17], $0x80, s21, s17, $0xb8;
	[tilespmem:$0x8980] =	vst v63  }
0x205: {  	s1 =	rddreg [dreg:$0xb]  }
0x206: {  	[hbm4b:s1+s3] =	stream.linear.scatter [tilespmem:s18], [sflag:$0x3], $0x3C00, $0x38;
	[tilespmem:$0x8980] =	vst v63  }
0x207: {  	_ =	swait.ge [sflag:s22], $0x3C00  }
0x208: {  	[sflag:s22] =	ssyncset.done $0x0  }
0x209: {  	[sflag:s22] =	ssyncadd.s32 $0xFFFFC400  }
0x20a: {  	_ =	swait.ge [sflag:s19], $0x3C00  }
0x20b: {  	[sflag:s19] =	ssyncset.done $0x0  }
0x20c: {  	s1 =	rddreg [dreg:$0xc];
	[sflag:s19] =	ssyncadd.s32 $0xFFFFC400  }
0x20d: {  	[tilespmem:s3], [sflag:$0x5] =	stream.linear.gather [hbm4b:s1+s3], $0x78, $0x38;
	[tilespmem:$0x8980] =	vst v63  }
0x20e: {  	_ =	swait.ge [sflag:s4], $0x78  }
0x20f: {  	[sflag:s4] =	ssyncset.done $0x0  }
0x210: {  	[sflag:s4] =	ssyncadd.s32 $0xFFFFFF88  }
0x211: {  	[tilespmem:s18], [sflag:$0x1] =	stream.indirect.gather [hbm4b:s15+s17], $0x80, s3, s17, $0xb8;
	[tilespmem:$0x8980] =	vst v63  }
0x212: {  	s1 =	rddreg [dreg:$0xd]  }
0x213: {  	[hbm4b:s1+s3] =	stream.linear.scatter [tilespmem:s12], [sflag:$0x4], $0x3C00, $0x38;
	[tilespmem:$0x8980] =	vst v63  }
0x214: {  	_ =	swait.ge [sflag:s6], $0x3C00  }
0x215: {  	[sflag:s6] =	ssyncset.done $0x0  }
0x216: {  	[sflag:s6] =	ssyncadd.s32 $0xFFFFC400  }
0x217: {  	_ =	swait.ge [sflag:s16], $0x3C00  }
0x218: {  	[sflag:s16] =	ssyncset.done $0x0  }
0x219: {  	s1 =	rddreg [dreg:$0xe];
	[sflag:s16] =	ssyncadd.s32 $0xFFFFC400  }
0x21a: {  	[tilespmem:s21], [sflag:$0x5] =	stream.linear.gather [hbm4b:s1+s3], $0x78, $0x38;
	[tilespmem:$0x8980] =	vst v63  }
0x21b: {  	_ =	swait.ge [sflag:s4], $0x78  }
0x21c: {  	[sflag:s4] =	ssyncset.done $0x0  }
0x21d: {  	[sflag:s4] =	ssyncadd.s32 $0xFFFFFF88  }
0x21e: {  	[tilespmem:s12], [sflag:$0x2] =	stream.indirect.gather [hbm4b:s15+s17], $0x80, s21, s17, $0xb8;
	[tilespmem:$0x8980] =	vst v63  }
0x21f: {  	s1 =	rddreg [dreg:$0xf]  }
0x220: {  	[hbm4b:s1+s3] =	stream.linear.scatter [tilespmem:s18], [sflag:$0x3], $0x3C00, $0x38;
	[tilespmem:$0x8980] =	vst v63  }
0x221: {  	_ =	swait.ge [sflag:s22], $0x3C00  }
0x222: {  	[sflag:s22] =	ssyncset.done $0x0  }
0x223: {  	[sflag:s22] =	ssyncadd.s32 $0xFFFFC400  }
0x224: {  	_ =	swait.ge [sflag:s19], $0x3C00  }
0x225: {  	[sflag:s19] =	ssyncset.done $0x0  }
0x226: {  	s1 =	rddreg [dreg:$0x10];
	[sflag:s19] =	ssyncadd.s32 $0xFFFFC400  }
0x227: {  	[tilespmem:s3], [sflag:$0x5] =	stream.linear.gather [hbm4b:s1+s3], $0x78, $0x38;
	[tilespmem:$0x8980] =	vst v63  }
0x228: {  	_ =	swait.ge [sflag:s4], $0x78  }
0x229: {  	[sflag:s4] =	ssyncset.done $0x0  }
0x22a: {  	[sflag:s4] =	ssyncadd.s32 $0xFFFFFF88  }
0x22b: {  	[tilespmem:s18], [sflag:$0x1] =	stream.indirect.gather [hbm4b:s15+s17], $0x80, s3, s17, $0xb8;
	[tilespmem:$0x8980] =	vst v63  }
0x22c: {  	s1 =	rddreg [dreg:$0x11]  }
0x22d: {  	[hbm4b:s1+s3] =	stream.linear.scatter [tilespmem:s12], [sflag:$0x4], $0x3C00, $0x38;
	[tilespmem:$0x8980] =	vst v63  }
0x22e: {  	_ =	swait.ge [sflag:s6], $0x3C00  }
0x22f: {  	[sflag:s6] =	ssyncset.done $0x0  }
0x230: {  	[sflag:s6] =	ssyncadd.s32 $0xFFFFC400  }
0x231: {  	_ =	swait.ge [sflag:s16], $0x3C00  }
0x232: {  	[sflag:s16] =	ssyncset.done $0x0  }
0x233: {  	s1 =	rddreg [dreg:$0x12];
	[sflag:s16] =	ssyncadd.s32 $0xFFFFC400  }
0x234: {  	[tilespmem:s21], [sflag:$0x5] =	stream.linear.gather [hbm4b:s1+s3], $0x78, $0x38;
	[tilespmem:$0x8980] =	vst v63  }
0x235: {  	_ =	swait.ge [sflag:s4], $0x78  }
0x236: {  	[sflag:s4] =	ssyncset.done $0x0  }
0x237: {  	[sflag:s4] =	ssyncadd.s32 $0xFFFFFF88  }
0x238: {  	[tilespmem:s12], [sflag:$0x2] =	stream.indirect.gather [hbm4b:s15+s17], $0x80, s21, s17, $0xb8;
	[tilespmem:$0x8980] =	vst v63  }
0x239: {  	s1 =	rddreg [dreg:$0x13]  }
0x23a: {  	[hbm4b:s1+s3] =	stream.linear.scatter [tilespmem:s18], [sflag:$0x3], $0x3C00, $0x38;
	[tilespmem:$0x8980] =	vst v63  }
0x23b: {  	_ =	swait.ge [sflag:s22], $0x3C00  }
0x23c: {  	[sflag:s22] =	ssyncset.done $0x0  }
0x23d: {  	[sflag:s22] =	ssyncadd.s32 $0xFFFFC400  }
0x23e: {  	_ =	swait.ge [sflag:s19], $0x3C00  }
0x23f: {  	[sflag:s19] =	ssyncset.done $0x0  }
0x240: {  	s15 =	rddreg [dreg:$0x14];
	[sflag:s19] =	ssyncadd.s32 $0xFFFFC400  }
0x241: {  	[hbm4b:s15+s3] =	stream.linear.scatter [tilespmem:s12], [sflag:$0x4], $0x3C00, $0x38;
	[tilespmem:$0x8980] =	vst v63  }
0x242: {  	_ =	swait.ge [sflag:s16], $0x3C00  }
0x243: {  	[sflag:s16] =	ssyncset.done $0x0  }
0x244: {  	s1 =	rddreg [dreg:$0x15];
	[sflag:s16] =	ssyncadd.s32 $0xFFFFC400  }
0x245: {  	[tilespmem:s3], [sflag:$0x5] =	stream.linear.gather [hbm4b:s1+s3], $0x78, $0x38;
	[tilespmem:$0x8980] =	vst v63  }
0x246: {  	_ =	swait.ge [sflag:s4], $0x78  }
0x247: {  	[sflag:s4] =	ssyncset.done $0x0  }
0x248: {  	[sflag:s4] =	ssyncadd.s32 $0xFFFFFF88  }
0x249: {  	[tilespmem:s18], [sflag:$0x1] =	stream.indirect.gather [hbm4b:s2+s17], $0x80, s3, s17, $0xb8;
	[tilespmem:$0x8980] =	vst v63  }
0x24a: {  	_ =	swait.ge [sflag:s6], $0x3C00  }
0x24b: {  	[sflag:s6] =	ssyncset.done $0x0  }
0x24c: {  	s15 =	rddreg [dreg:$0x16];
	[sflag:s6] =	ssyncadd.s32 $0xFFFFC400  }
0x24d: {  	[tilespmem:s21], [sflag:$0x5] =	stream.linear.gather [hbm4b:s15+s3], $0x78, $0x38;
	[tilespmem:$0x8980] =	vst v63  }
0x24e: {  	_ =	swait.ge [sflag:s4], $0x78  }
0x24f: {  	[sflag:s4] =	ssyncset.done $0x0  }
0x250: {  	[sflag:s4] =	ssyncadd.s32 $0xFFFFFF88  }
0x251: {  	[tilespmem:s12], [sflag:$0x2] =	stream.indirect.gather [hbm4b:s2+s17], $0x80, s21, s17, $0xb8;
	[tilespmem:$0x8980] =	vst v63  }
0x252: {  	s1 =	rddreg [dreg:$0x17]  }
0x253: {  	[hbm4b:s1+s3] =	stream.linear.scatter [tilespmem:s18], [sflag:$0x3], $0x3C00, $0x38;
	[tilespmem:$0x8980] =	vst v63  }
0x254: {  	_ =	swait.ge [sflag:s22], $0x3C00  }
0x255: {  	[sflag:s22] =	ssyncset.done $0x0  }
0x256: {  	[sflag:s22] =	ssyncadd.s32 $0xFFFFC400  }
0x257: {  	_ =	swait.ge [sflag:s19], $0x3C00  }
0x258: {  	[sflag:s19] =	ssyncset.done $0x0  }
0x259: {  	s15 =	rddreg [dreg:$0x18];
	[sflag:s19] =	ssyncadd.s32 $0xFFFFC400  }
0x25a: {  	[tilespmem:s3], [sflag:$0x5] =	stream.linear.gather [hbm4b:s15+s3], $0x78, $0x38;
	[tilespmem:$0x8980] =	vst v63  }
0x25b: {  	_ =	swait.ge [sflag:s4], $0x78  }
0x25c: {  	[sflag:s4] =	ssyncset.done $0x0  }
0x25d: {  	[sflag:s4] =	ssyncadd.s32 $0xFFFFFF88  }
0x25e: {  	[tilespmem:s18], [sflag:$0x1] =	stream.indirect.gather [hbm4b:s2+s17], $0x80, s3, s17, $0xb8;
	[tilespmem:$0x8980] =	vst v63  }
0x25f: {  	_ = 	snop  }
0x260: {  	[hbm4b:s31+s3] =	stream.linear.scatter [tilespmem:s12], [sflag:$0x4], $0x3C00, $0x38;
	[tilespmem:$0x8980] =	vst v63  }
0x261: {  	_ =	swait.ge [sflag:s6], $0x3C00  }
0x262: {  	[sflag:s6] =	ssyncset.done $0x0  }
0x263: {  	[sflag:s6] =	ssyncadd.s32 $0xFFFFC400  }
0x264: {  	_ =	swait.ge [sflag:s16], $0x3C00  }
0x265: {  	[sflag:s16] =	ssyncset.done $0x0  }
0x266: {  	[sflag:s16] =	ssyncadd.s32 $0xFFFFC400  }
0x267: {  	[tilespmem:s21], [sflag:$0x5] =	stream.linear.gather [hbm4b:s30+s3], $0x78, $0x38;
	[tilespmem:$0x8980] =	vst v63  }
0x268: {  	_ =	swait.ge [sflag:s4], $0x78  }
0x269: {  	[sflag:s4] =	ssyncset.done $0x0  }
0x26a: {  	[sflag:s4] =	ssyncadd.s32 $0xFFFFFF88  }
0x26b: {  	[tilespmem:s12], [sflag:$0x2] =	stream.indirect.gather [hbm4b:s2+s17], $0x80, s21, s17, $0xb8;
	[tilespmem:$0x8980] =	vst v63  }
0x26c: {  	_ = 	snop  }
0x26d: {  	[hbm4b:s29+s3] =	stream.linear.scatter [tilespmem:s18], [sflag:$0x3], $0x3C00, $0x38;
	[tilespmem:$0x8980] =	vst v63  }
0x26e: {  	_ =	swait.ge [sflag:s22], $0x3C00  }
0x26f: {  	[sflag:s22] =	ssyncset.done $0x0  }
0x270: {  	[sflag:s22] =	ssyncadd.s32 $0xFFFFC400  }
0x271: {  	_ =	swait.ge [sflag:s19], $0x3C00  }
0x272: {  	[sflag:s19] =	ssyncset.done $0x0  }
0x273: {  	[sflag:s19] =	ssyncadd.s32 $0xFFFFC400  }
0x274: {  	[tilespmem:s3], [sflag:$0x5] =	stream.linear.gather [hbm4b:s28+s3], $0x78, $0x38;
	[tilespmem:$0x8980] =	vst v63  }
0x275: {  	_ =	swait.ge [sflag:s4], $0x78  }
0x276: {  	[sflag:s4] =	ssyncset.done $0x0  }
0x277: {  	[sflag:s4] =	ssyncadd.s32 $0xFFFFFF88  }
0x278: {  	[tilespmem:s18], [sflag:$0x1] =	stream.indirect.gather [hbm4b:s2+s17], $0x80, s3, s17, $0xb8;
	[tilespmem:$0x8980] =	vst v63  }
0x279: {  	_ = 	snop  }
0x27a: {  	[hbm4b:s26+s3] =	stream.linear.scatter [tilespmem:s12], [sflag:$0x4], $0x3C00, $0x38;
	[tilespmem:$0x8980] =	vst v63  }
0x27b: {  	_ =	swait.ge [sflag:s6], $0x3C00  }
0x27c: {  	[sflag:s6] =	ssyncset.done $0x0  }
0x27d: {  	[sflag:s6] =	ssyncadd.s32 $0xFFFFC400  }
0x27e: {  	_ =	swait.ge [sflag:s16], $0x3C00  }
0x27f: {  	[sflag:s16] =	ssyncset.done $0x0  }
0x280: {  	[sflag:s16] =	ssyncadd.s32 $0xFFFFC400  }
0x281: {  	[tilespmem:s21], [sflag:$0x5] =	stream.linear.gather [hbm4b:s25+s3], $0x78, $0x38;
	[tilespmem:$0x8980] =	vst v63  }
0x282: {  	_ =	swait.ge [sflag:s4], $0x78  }
0x283: {  	[sflag:s4] =	ssyncset.done $0x0  }
0x284: {  	[sflag:s4] =	ssyncadd.s32 $0xFFFFFF88  }
0x285: {  	[tilespmem:s12], [sflag:$0x2] =	stream.indirect.gather [hbm4b:s2+s17], $0x80, s21, s17, $0xb8;
	[tilespmem:$0x8980] =	vst v63  }
0x286: {  	_ = 	snop  }
0x287: {  	[hbm4b:s24+s3] =	stream.linear.scatter [tilespmem:s18], [sflag:$0x3], $0x3C00, $0x38;
	[tilespmem:$0x8980] =	vst v63  }
0x288: {  	_ =	swait.ge [sflag:s22], $0x3C00  }
0x289: {  	[sflag:s22] =	ssyncset.done $0x0  }
0x28a: {  	[sflag:s22] =	ssyncadd.s32 $0xFFFFC400  }
0x28b: {  	_ =	swait.ge [sflag:s19], $0x3C00  }
0x28c: {  	[sflag:s19] =	ssyncset.done $0x0  }
0x28d: {  	[sflag:s19] =	ssyncadd.s32 $0xFFFFC400  }
0x28e: {  	[tilespmem:s3], [sflag:$0x5] =	stream.linear.gather [hbm4b:s23+s3], $0x78, $0x38;
	[tilespmem:$0x8980] =	vst v63  }
0x28f: {  	_ =	swait.ge [sflag:s4], $0x78  }
0x290: {  	[sflag:s4] =	ssyncset.done $0x0  }
0x291: {  	[sflag:s4] =	ssyncadd.s32 $0xFFFFFF88  }
0x292: {  	[tilespmem:s18], [sflag:$0x1] =	stream.indirect.gather [hbm4b:s2+s17], $0x80, s3, s17, $0xb8;
	[tilespmem:$0x8980] =	vst v63  }
0x293: {  	_ = 	snop  }
0x294: {  	[hbm4b:s20+s3] =	stream.linear.scatter [tilespmem:s12], [sflag:$0x4], $0x3C00, $0x38;
	[tilespmem:$0x8980] =	vst v63  }
0x295: {  	_ =	swait.ge [sflag:s6], $0x3C00  }
0x296: {  	[sflag:s6] =	ssyncset.done $0x0  }
0x297: {  	[sflag:s6] =	ssyncadd.s32 $0xFFFFC400  }
0x298: {  	_ =	swait.ge [sflag:s16], $0x3C00  }
0x299: {  	[sflag:s16] =	ssyncset.done $0x0  }
0x29a: {  	[sflag:s16] =	ssyncadd.s32 $0xFFFFC400  }
0x29b: {  	[tilespmem:s21], [sflag:$0x5] =	stream.linear.gather [hbm4b:s14+s3], $0x78, $0x38;
	[tilespmem:$0x8980] =	vst v63  }
0x29c: {  	_ =	swait.ge [sflag:s4], $0x78  }
0x29d: {  	[sflag:s4] =	ssyncset.done $0x0  }
0x29e: {  	[sflag:s4] =	ssyncadd.s32 $0xFFFFFF88  }
0x29f: {  	[tilespmem:s12], [sflag:$0x2] =	stream.indirect.gather [hbm4b:s2+s17], $0x80, s21, s17, $0xb8;
	[tilespmem:$0x8980] =	vst v63  }
0x2a0: {  	_ = 	snop  }
0x2a1: {  	[hbm4b:s9+s3] =	stream.linear.scatter [tilespmem:s18], [sflag:$0x3], $0x3C00, $0x38;
	[tilespmem:$0x8980] =	vst v63  }
0x2a2: {  	_ =	swait.ge [sflag:s22], $0x3C00  }
0x2a3: {  	[sflag:s22] =	ssyncset.done $0x0  }
0x2a4: {  	[sflag:s22] =	ssyncadd.s32 $0xFFFFC400  }
0x2a5: {  	_ =	swait.ge [sflag:s19], $0x3C00  }
0x2a6: {  	[sflag:s19] =	ssyncset.done $0x0  }
0x2a7: {  	[sflag:s19] =	ssyncadd.s32 $0xFFFFC400  }
0x2a8: {  	[hbm4b:s8+s3] =	stream.linear.scatter [tilespmem:s12], [sflag:$0x4], $0x3C00, $0x38;
	[tilespmem:$0x8980] =	vst v63  }
0x2a9: {  	_ =	swait.ge [sflag:s16], $0x3C00  }
0x2aa: {  	[sflag:s16] =	ssyncset.done $0x0  }
0x2ab: {  	[sflag:s16] =	ssyncadd.s32 $0xFFFFC400  }
0x2ac: {  	[tilespmem:s11], [sflag:$0x5] =	stream.linear.gather [hbm4b:s7+s3], $0x20, $0x38;
	[tilespmem:$0x8980] =	vst v63  }
0x2ad: {  	_ =	swait.ge [sflag:s4], $0x20  }
0x2ae: {  	[sflag:s4] =	ssyncset.done $0x0  }
0x2af: {  	[sflag:s4] =	ssyncadd.s32 $0xFFFFFFE0  }
0x2b0: {  	[tilespmem:s10], [sflag:$0x1] =	stream.indirect.gather [hbm4b:s2+s13], $0x80, s11, s13, $0xb8;
	[tilespmem:$0x8980] =	vst v63  }
0x2b1: {  	_ =	swait.ge [sflag:s6], $0x1000  }
0x2b2: {  	[sflag:s6] =	ssyncset.done $0x0  }
0x2b3: {  	[sflag:s6] =	ssyncadd.s32 $0xFFFFF000  }
0x2b4: {  	[hbm4b:s5+s3] =	stream.linear.scatter [tilespmem:s10], [sflag:$0x5], $0x1000, $0x38;
	[tilespmem:$0x8980] =	vst v63  }
0x2b5: {  	_ =	swait.ge [sflag:s4], $0x1000  }
0x2b6: {  	[sflag:s4] =	ssyncset.done $0x0  }
0x2b7: {  	[sflag:s4] =	ssyncadd.s32 $0xFFFFF000  }
0x2b8: {  	_ =	sfence.sel $0x180000  }
0x2b9: {  	[bflag:$0x0] =	sbarrier.arrive $0xFFFF  }
0x2ba: {  	_ =	strace $0x90000047  }
0x2bb: {  	s31 =	stileid.u32;
	[bflag:$0x2] =	sbarrier.arrive $0xFFFF  }
0x2bc: {  	p0 =	sne.s32 s31, $0x0;
	s0 =	rddreg [dreg:$0x4]  }
0x2bd: {  	s0 =	sadd.s32 @!p0 $0x100000, s0  }
0x2be: {  	[sflag:s0] =	ssyncadd.tile.s32 @!p0 $0x1;
	_ =	shalt  }
.Lfunc_end2:
_tile_overlayer_lowered:
.L_overlay_start_2:
0x2bf: {  	(tag) =	ssettag $0x2  }
0x2c0: {  	s0 =	rddreg [dreg:$0x0];
	s2 =	stileid.u32  }
0x2c1: {  	s1 =	rddreg [dreg:$0x1];
	p0 =	sne.s32 s2, $0x0  }
0x2c2: {  	s3 =	rddreg [dreg:$0x2];
	[bflag:$0x3] =	sbarrier.arrive $0xFFFF;
	s2 =	simm.s32 @!p0 $0x1C05  }
0x2c3: {  	[timem:s3], [sflag:s2] =	dma.local @!p0 [hbm:s0], s1  }
0x2c4: {  	s0 =	simm.s32 @!p0 $0x5  }
0x2c5: {  	_ =	swait.ge @!p0 [sflag:s0], s1  }
0x2c6: {  	s1 =	ssub.s32 @!p0 $0x0, s1;
	[sflag:s0] =	ssyncset.done @!p0 $0x0  }
0x2c7: {  	[sflag:s0] =	ssyncadd.s32 @!p0 s1  }
0x2c8: {  	[bflag:$0x3] =	sbarrier.arrive $0xFFFF  }
0x2c9: {  	_ =	shalt  }

</sc_bundles>
